<compile_context>
chip_gen: v7x
topology: tpu7x:2x2x1
jax: 0.10.2.dev20260603
libtpu: 0.0.44.dev20260713+nightly
codegen_flags: <defaults>
</compile_context>

<pallas_src>
import functools

import jax
import jax.numpy as jnp
import numpy as np
from jax import lax
from jax.experimental import pallas as pl
from jax.experimental.pallas import tpu as pltpu
from jax.experimental.pallas import tpu_sc as plsc

N_TOK = 4096
D_MODEL = 1024
N_EXP = 8
BLK_T = 1024
N_BLK = N_TOK // BLK_T

SC_CORES = 2
SC_SUBCORES = 16
N_WORKERS = SC_CORES * SC_SUBCORES
TOK_PER_W = N_TOK // N_WORKERS
CHUNK = 8
N_CHUNK = TOK_PER_W // CHUNK
NBUF = 4


def _threefry_uniform_t(seed: int, n: int, e: int,
                        minval: float, maxval: float) -> np.ndarray:
    old = np.seterr(over="ignore")
    k0 = np.uint32(np.uint64(seed) >> np.uint64(32))
    k1 = np.uint32(np.uint64(seed) & np.uint64(0xFFFFFFFF))
    i = np.arange(n * e, dtype=np.uint64)
    x0 = (i >> np.uint64(32)).astype(np.uint32)
    x1 = i.astype(np.uint32)

    def rotl(x, d):
        return (x << np.uint32(d)) | (x >> np.uint32(32 - d))

    ks = [k0, k1, k0 ^ k1 ^ np.uint32(0x1BD11BDA)]
    rot = [[13, 15, 26, 6], [17, 29, 16, 24]]
    x0 = x0 + k0
    x1 = x1 + k1
    for r in range(5):
        for d in rot[r % 2]:
            x0 = x0 + x1
            x1 = rotl(x1, d) ^ x0
        x0 = x0 + ks[(r + 1) % 3]
        x1 = x1 + ks[(r + 2) % 3] + np.uint32(r + 1)
    bits = x0 ^ x1
    fb = (bits >> np.uint32(9)) | np.float32(1.0).view(np.uint32)
    floats = fb.view(np.float32) - np.float32(1.0)
    u = floats * np.float32(maxval - minval) + np.float32(minval)
    u = np.maximum(np.float32(minval), u)
    np.seterr(**old)
    return np.ascontiguousarray(u.reshape(n, e).T)


_U_T = _threefry_uniform_t(1234, N_TOK, N_EXP, 1e-10, 1.0)


def _tc_route(w_ref, x_ref, b_ref, gum_ref, rew_ref, base_ref,
              g0_ref, g1_ref, aux_ref):
    pid = pl.program_id(0)
    logits = lax.dot_general(
        w_ref[...], x_ref[...], (((0,), (1,)), ((), ())),
        preferred_element_type=jnp.float32)
    sub0 = lax.broadcasted_iota(jnp.int32, (N_EXP, BLK_T), 0)
    for e in range(N_EXP):
        logits = logits + jnp.where(sub0 == e, b_ref[0, e], 0.0)
    m = jnp.max(logits, axis=0, keepdims=True)
    ex = jnp.exp(logits - m)
    probs = ex / jnp.sum(ex, axis=0, keepdims=True)
    lp = jnp.log(probs + 1e-9)
    scores = lp + gum_ref[...]
    sub = lax.broadcasted_iota(jnp.int32, (N_EXP, BLK_T), 0)
    m1 = jnp.max(scores, axis=0, keepdims=True)
    i0 = jnp.min(jnp.where(scores == m1, sub, N_EXP), axis=0, keepdims=True)
    sc2 = jnp.where(sub == i0, -jnp.inf, scores)
    m2 = jnp.max(sc2, axis=0, keepdims=True)
    i1 = jnp.min(jnp.where(sc2 == m2, sub, N_EXP), axis=0, keepdims=True)
    selmask = (sub == i0) | (sub == i1)
    sel = jnp.sum(jnp.where(selmask, lp, 0.0), axis=0, keepdims=True)
    rew = rew_ref[pl.ds(pid // 2, 1), pl.ds((pid % 2) * BLK_T, BLK_T)]
    adv = rew - base_ref[0, 0]
    partial = jnp.sum(adv * sel)
    n_row = lax.broadcasted_iota(jnp.int32, (1, BLK_T), 1) + pid * BLK_T
    g0_ref[0] = jnp.reshape(i0 * N_TOK + n_row, (BLK_T // 128, 128))
    g1_ref[0] = jnp.reshape(i1 * N_TOK + n_row, (BLK_T // 128, 128))

    @pl.when(pid == 0)
    def _():
        aux_ref[0, 0] = 0.0

    aux_ref[0, 0] += partial

    @pl.when(pid == pl.num_programs(0) - 1)
    def _():
        aux_ref[0, 0] = aux_ref[0, 0] * (-1.0 / N_TOK)


_route_call = pl.pallas_call(
    _tc_route,
    grid=(N_BLK,),
    in_specs=[
        pl.BlockSpec((D_MODEL, N_EXP), lambda i: (0, 0)),
        pl.BlockSpec((BLK_T, D_MODEL), lambda i: (i, 0)),
        pl.BlockSpec((1, N_EXP), lambda i: (0, 0), memory_space=pltpu.SMEM),
        pl.BlockSpec((N_EXP, BLK_T), lambda i: (0, i)),
        pl.BlockSpec((2, 2048), lambda i: (0, 0)),
        pl.BlockSpec((1, 1), lambda i: (0, 0), memory_space=pltpu.SMEM),
    ],
    out_specs=[
        pl.BlockSpec((1, BLK_T // 128, 128), lambda i: (i, 0, 0)),
        pl.BlockSpec((1, BLK_T // 128, 128), lambda i: (i, 0, 0)),
        pl.BlockSpec((1, 1), lambda i: (0, 0), memory_space=pltpu.SMEM),
    ],
    out_shape=[
        jax.ShapeDtypeStruct((N_BLK, BLK_T // 128, 128), jnp.int32),
        jax.ShapeDtypeStruct((N_BLK, BLK_T // 128, 128), jnp.int32),
        jax.ShapeDtypeStruct((1, 1), jnp.float32),
    ],
)


@functools.partial(
    pl.kernel,
    out_type=jax.ShapeDtypeStruct((N_TOK, D_MODEL), jnp.float32),
    mesh=plsc.VectorSubcoreMesh(core_axis_name="c", subcore_axis_name="s",
                                num_cores=SC_CORES, num_subcores=SC_SUBCORES),
    scratch_types=(
        [pltpu.VMEM((TOK_PER_W,), jnp.int32)] * 2
        + [pltpu.VMEM((CHUNK, D_MODEL), jnp.float32)] * (3 * NBUF)
        + [pltpu.SemaphoreType.DMA] * (2 * NBUF)
    ),
)
def _sc_combine(eo_hbm, g0_hbm, g1_hbm, out_hbm, idx0_v, idx1_v, *bufs):
    rows0 = bufs[0:NBUF]
    rows1 = bufs[NBUF:2 * NBUF]
    obuf = bufs[2 * NBUF:3 * NBUF]
    gsem = bufs[3 * NBUF:3 * NBUF + NBUF]
    wsem = bufs[3 * NBUF + NBUF:]
    wid = lax.axis_index("s") * SC_CORES + lax.axis_index("c")
    base = wid * TOK_PER_W
    pltpu.sync_copy(g0_hbm.at[pl.ds(base, TOK_PER_W)], idx0_v)
    pltpu.sync_copy(g1_hbm.at[pl.ds(base, TOK_PER_W)], idx1_v)
    handles = {}
    wbh = {}

    def issue(c):
        b = c % NBUF
        handles[c] = (
            pltpu.async_copy(
                eo_hbm.at[idx0_v.at[pl.ds(c * CHUNK, CHUNK)]], rows0[b], gsem[b]),
            pltpu.async_copy(
                eo_hbm.at[idx1_v.at[pl.ds(c * CHUNK, CHUNK)]], rows1[b], gsem[b]),
        )

    for c in range(NBUF - 1):
        issue(c)
    for c in range(N_CHUNK):
        b = c % NBUF
        handles[c][0].wait()
        handles[c][1].wait()
        if c >= NBUF:
            wbh[c - NBUF].wait()
        if c + NBUF - 1 < N_CHUNK:
            issue(c + NBUF - 1)
        a_ref, b_ref, o_ref = rows0[b], rows1[b], obuf[b]

        @plsc.parallel_loop(0, CHUNK * D_MODEL // 16, unroll=8)
        def _(i):
            r = i >> 6
            col = (i & 63) * 16
            o_ref[r, pl.ds(col, 16)] = (
                a_ref[r, pl.ds(col, 16)] + b_ref[r, pl.ds(col, 16)]) * 0.5

        wbh[c] = pltpu.async_copy(
            o_ref, out_hbm.at[pl.ds(base + c * CHUNK, CHUNK)], wsem[b])
    for c in range(N_CHUNK - NBUF, N_CHUNK):
        wbh[c].wait()


def kernel(x, expert_outputs, rewards, W, b, baseline_value):
    B, T, D = x.shape
    E = expert_outputs.shape[0]
    n = B * T
    gum_t = -jnp.log(-jnp.log(jnp.asarray(_U_T)))

    g0, g1, aux = _route_call(
        W,
        x.reshape(n, D),
        b.reshape(1, E),
        gum_t,
        rewards,
        baseline_value.reshape(1, 1),
    )

    out = _sc_combine(
        expert_outputs.reshape(E * n, D),
        g0.reshape(n),
        g1.reshape(n),
    )
    return out.reshape(B, T, D), aux[0, 0]

# --- scband reference (transcript-rebuilt; emitter-appended) ---
"""Pipeline reference for scband-rlgate-56753697849547 (READ-ONLY COPY).

The authoritative reference and input builder live on the scoring server;
editing this copy changes nothing except your own understanding.
"""

import jax, jax.numpy as jnp
import numpy as np

NUM_EXPERTS = 8
TOP_K = 2

def setup_inputs(seed: int = 0) -> dict:
    key = jax.random.key(seed)
    ks = jax.random.split(key, 6)
    B, T, D, E = 2, 2048, 1024, NUM_EXPERTS
    x = jax.random.normal(ks[0], (B, T, D), dtype=jnp.float32)
    expert_outputs = jax.random.normal(ks[1], (E, B, T, D), dtype=jnp.float32)
    rewards = jax.random.normal(ks[2], (B, T), dtype=jnp.float32)
    W = jax.random.normal(ks[3], (D, E), dtype=jnp.float32) * (1.0 / np.sqrt(D))
    b = jnp.zeros((E,), dtype=jnp.float32)
    baseline_value = jnp.zeros((), dtype=jnp.float32)
    return {"x": x, "expert_outputs": expert_outputs, "rewards": rewards,
            "W": W, "b": b, "baseline_value": baseline_value}

def reference(x, expert_outputs, rewards, W, b, baseline_value):
    B, T, D = x.shape
    E = expert_outputs.shape[0]
    logits = jnp.einsum('btd,de->bte', x, W) + b
    probs = jax.nn.softmax(logits, axis=-1)
    # torch.multinomial(probs, top_k, replacement=False) emulated with the
    # Gumbel-top-k trick (fixed key for determinism)
    gkey = jax.random.key(1234)
    u = jax.random.uniform(gkey, probs.shape, minval=1e-10, maxval=1.0)
    gumbel = -jnp.log(-jnp.log(u))
    scores = jnp.log(probs + 1e-9) + gumbel
    _, expert_indices = jax.lax.top_k(scores, TOP_K)  # [B, T, TOP_K]
    final_output = jnp.zeros((B, T, D), dtype=x.dtype)
    for k in range(TOP_K):
        idx = expert_indices[:, :, k]
        for e in range(E):
            mask = (idx == e)[..., None].astype(x.dtype)
            final_output = final_output + mask * expert_outputs[e] / TOP_K
    log_probs = jnp.log(probs + 1e-9)
    selected_log_probs = jnp.take_along_axis(log_probs, expert_indices, axis=-1).sum(axis=-1)
    advantage = rewards - baseline_value
    aux_loss = -(jax.lax.stop_gradient(advantage) * selected_log_probs).mean()
    return final_output, aux_loss

if __name__ == "__main__":
    import jax
    _d = setup_inputs()
    print(jax.jit(kernel)(*tuple(_d.values())))

</pallas_src>

<mosaic_0001>
#map = affine_map<(d0, d1) -> (0, 0)>
#map1 = affine_map<(d0, d1) -> (0)>
module attributes {stable_mosaic.version = 14 : i64} {
  func.func @_sc_combine(%arg0: i32, %arg1: i32, %arg2: memref<32768x1024xf32, #tpu.memory_space<hbm>>, %arg3: memref<4096xi32, #tpu.memory_space<hbm>>, %arg4: memref<4096xi32, #tpu.memory_space<hbm>>, %arg5: memref<4096x1024xf32, #tpu.memory_space<hbm>>, %arg6: memref<128xi32, #tpu.memory_space<vmem>>, %arg7: memref<128xi32, #tpu.memory_space<vmem>>, %arg8: memref<8x1024xf32, #tpu.memory_space<vmem>>, %arg9: memref<8x1024xf32, #tpu.memory_space<vmem>>, %arg10: memref<8x1024xf32, #tpu.memory_space<vmem>>, %arg11: memref<8x1024xf32, #tpu.memory_space<vmem>>, %arg12: memref<8x1024xf32, #tpu.memory_space<vmem>>, %arg13: memref<8x1024xf32, #tpu.memory_space<vmem>>, %arg14: memref<8x1024xf32, #tpu.memory_space<vmem>>, %arg15: memref<8x1024xf32, #tpu.memory_space<vmem>>, %arg16: memref<8x1024xf32, #tpu.memory_space<vmem>>, %arg17: memref<8x1024xf32, #tpu.memory_space<vmem>>, %arg18: memref<8x1024xf32, #tpu.memory_space<vmem>>, %arg19: memref<8x1024xf32, #tpu.memory_space<vmem>>, %arg20: memref<!tpu.dma_semaphore, #tpu.memory_space<semaphore_mem>>, %arg21: memref<!tpu.dma_semaphore, #tpu.memory_space<semaphore_mem>>, %arg22: memref<!tpu.dma_semaphore, #tpu.memory_space<semaphore_mem>>, %arg23: memref<!tpu.dma_semaphore, #tpu.memory_space<semaphore_mem>>, %arg24: memref<!tpu.dma_semaphore, #tpu.memory_space<semaphore_mem>>, %arg25: memref<!tpu.dma_semaphore, #tpu.memory_space<semaphore_mem>>, %arg26: memref<!tpu.dma_semaphore, #tpu.memory_space<semaphore_mem>>, %arg27: memref<!tpu.dma_semaphore, #tpu.memory_space<semaphore_mem>>) attributes {dimension_semantics = [#tpu.dimension_semantics<core_parallel>, #tpu.dimension_semantics<subcore_parallel>], iteration_bounds = array<i64: 2, 16>, scalar_prefetch = 0 : i64, scratch_operands = 22 : i64, tpu.core_type = #tpu.core_type<sc_vector_subcore>, window_params = [{transform_indices = #map}, {transform_indices = #map1}, {transform_indices = #map1}, {transform_indices = #map}]} {
    %mul3A = arith.constant 2 : i32
    %mul3A_0 = arith.muli %arg1, %mul3A : i32
    %add3A = arith.addi %mul3A_0, %arg0 : i32
    %mul3A_1 = arith.constant 128 : i32
    %mul3A_2 = arith.muli %add3A, %mul3A_1 : i32
    "tpu.region"() ({
      %run_scoped3A = tpu.sem_alloc : memref<!tpu.dma_semaphore, #tpu.memory_space<semaphore_mem>>
      %dma_start3A_528 = tpu.memref_slice %arg3[%mul3A_2] : memref<4096xi32, #tpu.memory_space<hbm>> -> memref<128xi32, #tpu.memory_space<hbm>>
      %dma_start3A_529 = tpu.memref_slice %arg3[%mul3A_2] : memref<4096xi32, #tpu.memory_space<hbm>> -> memref<128xi32, #tpu.memory_space<hbm>>
      tpu.enqueue_dma source(%dma_start3A_529 : memref<128xi32, #tpu.memory_space<hbm>>) target(%arg6 : memref<128xi32, #tpu.memory_space<vmem>>) target_semaphore(%run_scoped3A : memref<!tpu.dma_semaphore, #tpu.memory_space<semaphore_mem>>)
      %dma_wait3A_530 = tpu.memref_slice %arg3[%mul3A_2] : memref<4096xi32, #tpu.memory_space<hbm>> -> memref<128xi32, #tpu.memory_space<hbm>>
      %dma_wait3A_531 = tpu.memref_slice %arg3[%mul3A_2] : memref<4096xi32, #tpu.memory_space<hbm>> -> memref<128xi32, #tpu.memory_space<hbm>>
      tpu.wait_dma2 semaphore(%run_scoped3A : memref<!tpu.dma_semaphore, #tpu.memory_space<semaphore_mem>>) src(%dma_wait3A_531 : memref<128xi32, #tpu.memory_space<hbm>>) dst(%arg6 : memref<128xi32, #tpu.memory_space<vmem>>)
      tpu.yield
    }) : () -> ()
    "tpu.region"() ({
      %run_scoped3A = tpu.sem_alloc : memref<!tpu.dma_semaphore, #tpu.memory_space<semaphore_mem>>
      %dma_start3A_528 = tpu.memref_slice %arg4[%mul3A_2] : memref<4096xi32, #tpu.memory_space<hbm>> -> memref<128xi32, #tpu.memory_space<hbm>>
      %dma_start3A_529 = tpu.memref_slice %arg4[%mul3A_2] : memref<4096xi32, #tpu.memory_space<hbm>> -> memref<128xi32, #tpu.memory_space<hbm>>
      tpu.enqueue_dma source(%dma_start3A_529 : memref<128xi32, #tpu.memory_space<hbm>>) target(%arg7 : memref<128xi32, #tpu.memory_space<vmem>>) target_semaphore(%run_scoped3A : memref<!tpu.dma_semaphore, #tpu.memory_space<semaphore_mem>>)
      %dma_wait3A_530 = tpu.memref_slice %arg4[%mul3A_2] : memref<4096xi32, #tpu.memory_space<hbm>> -> memref<128xi32, #tpu.memory_space<hbm>>
      %dma_wait3A_531 = tpu.memref_slice %arg4[%mul3A_2] : memref<4096xi32, #tpu.memory_space<hbm>> -> memref<128xi32, #tpu.memory_space<hbm>>
      tpu.wait_dma2 semaphore(%run_scoped3A : memref<!tpu.dma_semaphore, #tpu.memory_space<semaphore_mem>>) src(%dma_wait3A_531 : memref<128xi32, #tpu.memory_space<hbm>>) dst(%arg7 : memref<128xi32, #tpu.memory_space<vmem>>)
      tpu.yield
    }) : () -> ()
    %dma_start3A = arith.constant 0 : i32
    %dma_start3A_3 = tpu.memref_slice %arg6[%dma_start3A] : memref<128xi32, #tpu.memory_space<vmem>> -> memref<8xi32, #tpu.memory_space<vmem>>
    %dma_start3A_4 = arith.constant 0 : i32
    %dma_start3A_5 = arith.constant 0 : i32
    %dma_start3A_6 = tpu.memref_slice %arg2[%dma_start3A_4, %dma_start3A_5] : memref<32768x1024xf32, #tpu.memory_space<hbm>> -> memref<32768x1024xf32, #tpu.memory_space<hbm>>
    tpu.enqueue_indirect_dma source(%dma_start3A_6 : memref<32768x1024xf32, #tpu.memory_space<hbm>>) target(%arg8 : memref<8x1024xf32, #tpu.memory_space<vmem>>) offsets(%dma_start3A_3 : memref<8xi32, #tpu.memory_space<vmem>>) semaphore(%arg20 : memref<!tpu.dma_semaphore, #tpu.memory_space<semaphore_mem>>)
    %dma_start3A_7 = arith.constant 0 : i32
    %dma_start3A_8 = tpu.memref_slice %arg7[%dma_start3A_7] : memref<128xi32, #tpu.memory_space<vmem>> -> memref<8xi32, #tpu.memory_space<vmem>>
    %dma_start3A_9 = arith.constant 0 : i32
    %dma_start3A_10 = arith.constant 0 : i32
    %dma_start3A_11 = tpu.memref_slice %arg2[%dma_start3A_9, %dma_start3A_10] : memref<32768x1024xf32, #tpu.memory_space<hbm>> -> memref<32768x1024xf32, #tpu.memory_space<hbm>>
    tpu.enqueue_indirect_dma source(%dma_start3A_11 : memref<32768x1024xf32, #tpu.memory_space<hbm>>) target(%arg12 : memref<8x1024xf32, #tpu.memory_space<vmem>>) offsets(%dma_start3A_8 : memref<8xi32, #tpu.memory_space<vmem>>) semaphore(%arg20 : memref<!tpu.dma_semaphore, #tpu.memory_space<semaphore_mem>>)
    %dma_start3A_12 = arith.constant 8 : i32
    %dma_start3A_13 = tpu.memref_slice %arg6[%dma_start3A_12] : memref<128xi32, #tpu.memory_space<vmem>> -> memref<8xi32, #tpu.memory_space<vmem>>
    %dma_start3A_14 = arith.constant 0 : i32
    %dma_start3A_15 = arith.constant 0 : i32
    %dma_start3A_16 = tpu.memref_slice %arg2[%dma_start3A_14, %dma_start3A_15] : memref<32768x1024xf32, #tpu.memory_space<hbm>> -> memref<32768x1024xf32, #tpu.memory_space<hbm>>
    tpu.enqueue_indirect_dma source(%dma_start3A_16 : memref<32768x1024xf32, #tpu.memory_space<hbm>>) target(%arg9 : memref<8x1024xf32, #tpu.memory_space<vmem>>) offsets(%dma_start3A_13 : memref<8xi32, #tpu.memory_space<vmem>>) semaphore(%arg21 : memref<!tpu.dma_semaphore, #tpu.memory_space<semaphore_mem>>)
    %dma_start3A_17 = arith.constant 8 : i32
    %dma_start3A_18 = tpu.memref_slice %arg7[%dma_start3A_17] : memref<128xi32, #tpu.memory_space<vmem>> -> memref<8xi32, #tpu.memory_space<vmem>>
    %dma_start3A_19 = arith.constant 0 : i32
    %dma_start3A_20 = arith.constant 0 : i32
    %dma_start3A_21 = tpu.memref_slice %arg2[%dma_start3A_19, %dma_start3A_20] : memref<32768x1024xf32, #tpu.memory_space<hbm>> -> memref<32768x1024xf32, #tpu.memory_space<hbm>>
    tpu.enqueue_indirect_dma source(%dma_start3A_21 : memref<32768x1024xf32, #tpu.memory_space<hbm>>) target(%arg13 : memref<8x1024xf32, #tpu.memory_space<vmem>>) offsets(%dma_start3A_18 : memref<8xi32, #tpu.memory_space<vmem>>) semaphore(%arg21 : memref<!tpu.dma_semaphore, #tpu.memory_space<semaphore_mem>>)
    %dma_start3A_22 = arith.constant 16 : i32
    %dma_start3A_23 = tpu.memref_slice %arg6[%dma_start3A_22] : memref<128xi32, #tpu.memory_space<vmem>> -> memref<8xi32, #tpu.memory_space<vmem>>
    %dma_start3A_24 = arith.constant 0 : i32
    %dma_start3A_25 = arith.constant 0 : i32
    %dma_start3A_26 = tpu.memref_slice %arg2[%dma_start3A_24, %dma_start3A_25] : memref<32768x1024xf32, #tpu.memory_space<hbm>> -> memref<32768x1024xf32, #tpu.memory_space<hbm>>
    tpu.enqueue_indirect_dma source(%dma_start3A_26 : memref<32768x1024xf32, #tpu.memory_space<hbm>>) target(%arg10 : memref<8x1024xf32, #tpu.memory_space<vmem>>) offsets(%dma_start3A_23 : memref<8xi32, #tpu.memory_space<vmem>>) semaphore(%arg22 : memref<!tpu.dma_semaphore, #tpu.memory_space<semaphore_mem>>)
    %dma_start3A_27 = arith.constant 16 : i32
    %dma_start3A_28 = tpu.memref_slice %arg7[%dma_start3A_27] : memref<128xi32, #tpu.memory_space<vmem>> -> memref<8xi32, #tpu.memory_space<vmem>>
    %dma_start3A_29 = arith.constant 0 : i32
    %dma_start3A_30 = arith.constant 0 : i32
    %dma_start3A_31 = tpu.memref_slice %arg2[%dma_start3A_29, %dma_start3A_30] : memref<32768x1024xf32, #tpu.memory_space<hbm>> -> memref<32768x1024xf32, #tpu.memory_space<hbm>>
    tpu.enqueue_indirect_dma source(%dma_start3A_31 : memref<32768x1024xf32, #tpu.memory_space<hbm>>) target(%arg14 : memref<8x1024xf32, #tpu.memory_space<vmem>>) offsets(%dma_start3A_28 : memref<8xi32, #tpu.memory_space<vmem>>) semaphore(%arg22 : memref<!tpu.dma_semaphore, #tpu.memory_space<semaphore_mem>>)
    %dma_wait3A = arith.constant 0 : i32
    %dma_wait3A_32 = tpu.memref_slice %arg6[%dma_wait3A] : memref<128xi32, #tpu.memory_space<vmem>> -> memref<8xi32, #tpu.memory_space<vmem>>
    %dma_wait3A_33 = arith.constant 0 : i32
    %dma_wait3A_34 = arith.constant 0 : i32
    %dma_wait3A_35 = tpu.memref_slice %arg2[%dma_wait3A_33, %dma_wait3A_34] : memref<32768x1024xf32, #tpu.memory_space<hbm>> -> memref<32768x1024xf32, #tpu.memory_space<hbm>>
    tpu.wait_indirect_dma semaphore(%arg20 : memref<!tpu.dma_semaphore, #tpu.memory_space<semaphore_mem>>) src(%dma_wait3A_35 : memref<32768x1024xf32, #tpu.memory_space<hbm>>) dst(%arg8 : memref<8x1024xf32, #tpu.memory_space<vmem>>)
    %dma_wait3A_36 = arith.constant 0 : i32
    %dma_wait3A_37 = tpu.memref_slice %arg7[%dma_wait3A_36] : memref<128xi32, #tpu.memory_space<vmem>> -> memref<8xi32, #tpu.memory_space<vmem>>
    %dma_wait3A_38 = arith.constant 0 : i32
    %dma_wait3A_39 = arith.constant 0 : i32
    %dma_wait3A_40 = tpu.memref_slice %arg2[%dma_wait3A_38, %dma_wait3A_39] : memref<32768x1024xf32, #tpu.memory_space<hbm>> -> memref<32768x1024xf32, #tpu.memory_space<hbm>>
    tpu.wait_indirect_dma semaphore(%arg20 : memref<!tpu.dma_semaphore, #tpu.memory_space<semaphore_mem>>) src(%dma_wait3A_40 : memref<32768x1024xf32, #tpu.memory_space<hbm>>) dst(%arg12 : memref<8x1024xf32, #tpu.memory_space<vmem>>)
    %dma_start3A_41 = arith.constant 24 : i32
    %dma_start3A_42 = tpu.memref_slice %arg6[%dma_start3A_41] : memref<128xi32, #tpu.memory_space<vmem>> -> memref<8xi32, #tpu.memory_space<vmem>>
    %dma_start3A_43 = arith.constant 0 : i32
    %dma_start3A_44 = arith.constant 0 : i32
    %dma_start3A_45 = tpu.memref_slice %arg2[%dma_start3A_43, %dma_start3A_44] : memref<32768x1024xf32, #tpu.memory_space<hbm>> -> memref<32768x1024xf32, #tpu.memory_space<hbm>>
    tpu.enqueue_indirect_dma source(%dma_start3A_45 : memref<32768x1024xf32, #tpu.memory_space<hbm>>) target(%arg11 : memref<8x1024xf32, #tpu.memory_space<vmem>>) offsets(%dma_start3A_42 : memref<8xi32, #tpu.memory_space<vmem>>) semaphore(%arg23 : memref<!tpu.dma_semaphore, #tpu.memory_space<semaphore_mem>>)
    %dma_start3A_46 = arith.constant 24 : i32
    %dma_start3A_47 = tpu.memref_slice %arg7[%dma_start3A_46] : memref<128xi32, #tpu.memory_space<vmem>> -> memref<8xi32, #tpu.memory_space<vmem>>
    %dma_start3A_48 = arith.constant 0 : i32
    %dma_start3A_49 = arith.constant 0 : i32
    %dma_start3A_50 = tpu.memref_slice %arg2[%dma_start3A_48, %dma_start3A_49] : memref<32768x1024xf32, #tpu.memory_space<hbm>> -> memref<32768x1024xf32, #tpu.memory_space<hbm>>
    tpu.enqueue_indirect_dma source(%dma_start3A_50 : memref<32768x1024xf32, #tpu.memory_space<hbm>>) target(%arg15 : memref<8x1024xf32, #tpu.memory_space<vmem>>) offsets(%dma_start3A_47 : memref<8xi32, #tpu.memory_space<vmem>>) semaphore(%arg23 : memref<!tpu.dma_semaphore, #tpu.memory_space<semaphore_mem>>)
    %parallel_loop3A = arith.constant 0 : i32
    %parallel_loop3A_51 = arith.constant 512 : i32
    %parallel_loop3A_52 = arith.constant 1 : i32
    scf.for %parallel_loop3A_528 = %parallel_loop3A to %parallel_loop3A_51 step %parallel_loop3A_52  : i32 {
      %parallel_loop3A_529 = arith.constant 6 : i32
      %parallel_loop3A_530 = arith.shrsi %parallel_loop3A_528, %parallel_loop3A_529 : i32
      %parallel_loop3A_531 = arith.constant 63 : i32
      %parallel_loop3A_532 = arith.andi %parallel_loop3A_528, %parallel_loop3A_531 : i32
      %parallel_loop3A_533 = arith.constant 16 : i32
      %parallel_loop3A_534 = arith.muli %parallel_loop3A_532, %parallel_loop3A_533 : i32
      %parallel_loop3A_535 = arith.index_cast %parallel_loop3A_530 : i32 to index
      %parallel_loop3A_536 = arith.index_cast %parallel_loop3A_534 : i32 to index
      %parallel_loop3A_537 = tpu.vector_load %arg8[%parallel_loop3A_535, %parallel_loop3A_536] {strides = array<i32>} : memref<8x1024xf32, #tpu.memory_space<vmem>>, vector<1x16xf32>,
      %parallel_loop3A_538 = vector.shape_cast %parallel_loop3A_537 : vector<1x16xf32> to vector<16xf32>
      %parallel_loop3A_539 = arith.index_cast %parallel_loop3A_530 : i32 to index
      %parallel_loop3A_540 = arith.index_cast %parallel_loop3A_534 : i32 to index
      %parallel_loop3A_541 = tpu.vector_load %arg12[%parallel_loop3A_539, %parallel_loop3A_540] {strides = array<i32>} : memref<8x1024xf32, #tpu.memory_space<vmem>>, vector<1x16xf32>,
      %parallel_loop3A_542 = vector.shape_cast %parallel_loop3A_541 : vector<1x16xf32> to vector<16xf32>
      %parallel_loop3A_543 = arith.addf %parallel_loop3A_538, %parallel_loop3A_542 : vector<16xf32>
      %parallel_loop3A_544 = arith.constant 5.000000e-01 : f32
      %parallel_loop3A_545 = vector.broadcast %parallel_loop3A_544 : f32 to vector<16xf32>
      %parallel_loop3A_546 = arith.mulf %parallel_loop3A_543, %parallel_loop3A_545 : vector<16xf32>
      %parallel_loop3A_547 = arith.index_cast %parallel_loop3A_530 : i32 to index
      %parallel_loop3A_548 = arith.index_cast %parallel_loop3A_534 : i32 to index
      %parallel_loop3A_549 = tpu.vector_load %arg16[%parallel_loop3A_547, %parallel_loop3A_548] {strides = array<i32>} : memref<8x1024xf32, #tpu.memory_space<vmem>>, vector<1x16xf32>,
      %parallel_loop3A_550 = vector.shape_cast %parallel_loop3A_549 : vector<1x16xf32> to vector<16xf32>
      %parallel_loop3A_551 = vector.shape_cast %parallel_loop3A_546 : vector<16xf32> to vector<1x16xf32>
      tpu.vector_store %arg16[%parallel_loop3A_547, %parallel_loop3A_548], %parallel_loop3A_551 {strides = array<i32>} : memref<8x1024xf32, #tpu.memory_space<vmem>>, vector<1x16xf32>,
    } {sc.loop_unroll_factor = 8 : i64, sc.parallel_access}
    %add3A_53 = arith.constant 0 : i32
    %add3A_54 = arith.addi %mul3A_2, %add3A_53 : i32
    %dma_start3A_55 = arith.constant 0 : i32
    %dma_start3A_56 = tpu.memref_slice %arg5[%add3A_54, %dma_start3A_55] : memref<4096x1024xf32, #tpu.memory_space<hbm>> -> memref<8x1024xf32, #tpu.memory_space<hbm>>
    %dma_start3A_57 = arith.constant 0 : i32
    %dma_start3A_58 = tpu.memref_slice %arg5[%add3A_54, %dma_start3A_57] : memref<4096x1024xf32, #tpu.memory_space<hbm>> -> memref<8x1024xf32, #tpu.memory_space<hbm>>
    tpu.enqueue_dma source(%arg16 : memref<8x1024xf32, #tpu.memory_space<vmem>>) target(%dma_start3A_58 : memref<8x1024xf32, #tpu.memory_space<hbm>>) target_semaphore(%arg24 : memref<!tpu.dma_semaphore, #tpu.memory_space<semaphore_mem>>)
    %dma_wait3A_59 = arith.constant 8 : i32
    %dma_wait3A_60 = tpu.memref_slice %arg6[%dma_wait3A_59] : memref<128xi32, #tpu.memory_space<vmem>> -> memref<8xi32, #tpu.memory_space<vmem>>
    %dma_wait3A_61 = arith.constant 0 : i32
    %dma_wait3A_62 = arith.constant 0 : i32
    %dma_wait3A_63 = tpu.memref_slice %arg2[%dma_wait3A_61, %dma_wait3A_62] : memref<32768x1024xf32, #tpu.memory_space<hbm>> -> memref<32768x1024xf32, #tpu.memory_space<hbm>>
    tpu.wait_indirect_dma semaphore(%arg21 : memref<!tpu.dma_semaphore, #tpu.memory_space<semaphore_mem>>) src(%dma_wait3A_63 : memref<32768x1024xf32, #tpu.memory_space<hbm>>) dst(%arg9 : memref<8x1024xf32, #tpu.memory_space<vmem>>)
    %dma_wait3A_64 = arith.constant 8 : i32
    %dma_wait3A_65 = tpu.memref_slice %arg7[%dma_wait3A_64] : memref<128xi32, #tpu.memory_space<vmem>> -> memref<8xi32, #tpu.memory_space<vmem>>
    %dma_wait3A_66 = arith.constant 0 : i32
    %dma_wait3A_67 = arith.constant 0 : i32
    %dma_wait3A_68 = tpu.memref_slice %arg2[%dma_wait3A_66, %dma_wait3A_67] : memref<32768x1024xf32, #tpu.memory_space<hbm>> -> memref<32768x1024xf32, #tpu.memory_space<hbm>>
    tpu.wait_indirect_dma semaphore(%arg21 : memref<!tpu.dma_semaphore, #tpu.memory_space<semaphore_mem>>) src(%dma_wait3A_68 : memref<32768x1024xf32, #tpu.memory_space<hbm>>) dst(%arg13 : memref<8x1024xf32, #tpu.memory_space<vmem>>)
    %dma_start3A_69 = arith.constant 32 : i32
    %dma_start3A_70 = tpu.memref_slice %arg6[%dma_start3A_69] : memref<128xi32, #tpu.memory_space<vmem>> -> memref<8xi32, #tpu.memory_space<vmem>>
    %dma_start3A_71 = arith.constant 0 : i32
    %dma_start3A_72 = arith.constant 0 : i32
    %dma_start3A_73 = tpu.memref_slice %arg2[%dma_start3A_71, %dma_start3A_72] : memref<32768x1024xf32, #tpu.memory_space<hbm>> -> memref<32768x1024xf32, #tpu.memory_space<hbm>>
    tpu.enqueue_indirect_dma source(%dma_start3A_73 : memref<32768x1024xf32, #tpu.memory_space<hbm>>) target(%arg8 : memref<8x1024xf32, #tpu.memory_space<vmem>>) offsets(%dma_start3A_70 : memref<8xi32, #tpu.memory_space<vmem>>) semaphore(%arg20 : memref<!tpu.dma_semaphore, #tpu.memory_space<semaphore_mem>>)
    %dma_start3A_74 = arith.constant 32 : i32
    %dma_start3A_75 = tpu.memref_slice %arg7[%dma_start3A_74] : memref<128xi32, #tpu.memory_space<vmem>> -> memref<8xi32, #tpu.memory_space<vmem>>
    %dma_start3A_76 = arith.constant 0 : i32
    %dma_start3A_77 = arith.constant 0 : i32
    %dma_start3A_78 = tpu.memref_slice %arg2[%dma_start3A_76, %dma_start3A_77] : memref<32768x1024xf32, #tpu.memory_space<hbm>> -> memref<32768x1024xf32, #tpu.memory_space<hbm>>
    tpu.enqueue_indirect_dma source(%dma_start3A_78 : memref<32768x1024xf32, #tpu.memory_space<hbm>>) target(%arg12 : memref<8x1024xf32, #tpu.memory_space<vmem>>) offsets(%dma_start3A_75 : memref<8xi32, #tpu.memory_space<vmem>>) semaphore(%arg20 : memref<!tpu.dma_semaphore, #tpu.memory_space<semaphore_mem>>)
    %parallel_loop3A_79 = arith.constant 0 : i32
    %parallel_loop3A_80 = arith.constant 512 : i32
    %parallel_loop3A_81 = arith.constant 1 : i32
    scf.for %parallel_loop3A_528 = %parallel_loop3A_79 to %parallel_loop3A_80 step %parallel_loop3A_81  : i32 {
      %parallel_loop3A_529 = arith.constant 6 : i32
      %parallel_loop3A_530 = arith.shrsi %parallel_loop3A_528, %parallel_loop3A_529 : i32
      %parallel_loop3A_531 = arith.constant 63 : i32
      %parallel_loop3A_532 = arith.andi %parallel_loop3A_528, %parallel_loop3A_531 : i32
      %parallel_loop3A_533 = arith.constant 16 : i32
      %parallel_loop3A_534 = arith.muli %parallel_loop3A_532, %parallel_loop3A_533 : i32
      %parallel_loop3A_535 = arith.index_cast %parallel_loop3A_530 : i32 to index
      %parallel_loop3A_536 = arith.index_cast %parallel_loop3A_534 : i32 to index
      %parallel_loop3A_537 = tpu.vector_load %arg9[%parallel_loop3A_535, %parallel_loop3A_536] {strides = array<i32>} : memref<8x1024xf32, #tpu.memory_space<vmem>>, vector<1x16xf32>,
      %parallel_loop3A_538 = vector.shape_cast %parallel_loop3A_537 : vector<1x16xf32> to vector<16xf32>
      %parallel_loop3A_539 = arith.index_cast %parallel_loop3A_530 : i32 to index
      %parallel_loop3A_540 = arith.index_cast %parallel_loop3A_534 : i32 to index
      %parallel_loop3A_541 = tpu.vector_load %arg13[%parallel_loop3A_539, %parallel_loop3A_540] {strides = array<i32>} : memref<8x1024xf32, #tpu.memory_space<vmem>>, vector<1x16xf32>,
      %parallel_loop3A_542 = vector.shape_cast %parallel_loop3A_541 : vector<1x16xf32> to vector<16xf32>
      %parallel_loop3A_543 = arith.addf %parallel_loop3A_538, %parallel_loop3A_542 : vector<16xf32>
      %parallel_loop3A_544 = arith.constant 5.000000e-01 : f32
      %parallel_loop3A_545 = vector.broadcast %parallel_loop3A_544 : f32 to vector<16xf32>
      %parallel_loop3A_546 = arith.mulf %parallel_loop3A_543, %parallel_loop3A_545 : vector<16xf32>
      %parallel_loop3A_547 = arith.index_cast %parallel_loop3A_530 : i32 to index
      %parallel_loop3A_548 = arith.index_cast %parallel_loop3A_534 : i32 to index
      %parallel_loop3A_549 = tpu.vector_load %arg17[%parallel_loop3A_547, %parallel_loop3A_548] {strides = array<i32>} : memref<8x1024xf32, #tpu.memory_space<vmem>>, vector<1x16xf32>,
      %parallel_loop3A_550 = vector.shape_cast %parallel_loop3A_549 : vector<1x16xf32> to vector<16xf32>
      %parallel_loop3A_551 = vector.shape_cast %parallel_loop3A_546 : vector<16xf32> to vector<1x16xf32>
      tpu.vector_store %arg17[%parallel_loop3A_547, %parallel_loop3A_548], %parallel_loop3A_551 {strides = array<i32>} : memref<8x1024xf32, #tpu.memory_space<vmem>>, vector<1x16xf32>,
    } {sc.loop_unroll_factor = 8 : i64, sc.parallel_access}
    %add3A_82 = arith.constant 8 : i32
    %add3A_83 = arith.addi %mul3A_2, %add3A_82 : i32
    %dma_start3A_84 = arith.constant 0 : i32
    %dma_start3A_85 = tpu.memref_slice %arg5[%add3A_83, %dma_start3A_84] : memref<4096x1024xf32, #tpu.memory_space<hbm>> -> memref<8x1024xf32, #tpu.memory_space<hbm>>
    %dma_start3A_86 = arith.constant 0 : i32
    %dma_start3A_87 = tpu.memref_slice %arg5[%add3A_83, %dma_start3A_86] : memref<4096x1024xf32, #tpu.memory_space<hbm>> -> memref<8x1024xf32, #tpu.memory_space<hbm>>
    tpu.enqueue_dma source(%arg17 : memref<8x1024xf32, #tpu.memory_space<vmem>>) target(%dma_start3A_87 : memref<8x1024xf32, #tpu.memory_space<hbm>>) target_semaphore(%arg25 : memref<!tpu.dma_semaphore, #tpu.memory_space<semaphore_mem>>)
    %dma_wait3A_88 = arith.constant 16 : i32
    %dma_wait3A_89 = tpu.memref_slice %arg6[%dma_wait3A_88] : memref<128xi32, #tpu.memory_space<vmem>> -> memref<8xi32, #tpu.memory_space<vmem>>
    %dma_wait3A_90 = arith.constant 0 : i32
    %dma_wait3A_91 = arith.constant 0 : i32
    %dma_wait3A_92 = tpu.memref_slice %arg2[%dma_wait3A_90, %dma_wait3A_91] : memref<32768x1024xf32, #tpu.memory_space<hbm>> -> memref<32768x1024xf32, #tpu.memory_space<hbm>>
    tpu.wait_indirect_dma semaphore(%arg22 : memref<!tpu.dma_semaphore, #tpu.memory_space<semaphore_mem>>) src(%dma_wait3A_92 : memref<32768x1024xf32, #tpu.memory_space<hbm>>) dst(%arg10 : memref<8x1024xf32, #tpu.memory_space<vmem>>)
    %dma_wait3A_93 = arith.constant 16 : i32
    %dma_wait3A_94 = tpu.memref_slice %arg7[%dma_wait3A_93] : memref<128xi32, #tpu.memory_space<vmem>> -> memref<8xi32, #tpu.memory_space<vmem>>
    %dma_wait3A_95 = arith.constant 0 : i32
    %dma_wait3A_96 = arith.constant 0 : i32
    %dma_wait3A_97 = tpu.memref_slice %arg2[%dma_wait3A_95, %dma_wait3A_96] : memref<32768x1024xf32, #tpu.memory_space<hbm>> -> memref<32768x1024xf32, #tpu.memory_space<hbm>>
    tpu.wait_indirect_dma semaphore(%arg22 : memref<!tpu.dma_semaphore, #tpu.memory_space<semaphore_mem>>) src(%dma_wait3A_97 : memref<32768x1024xf32, #tpu.memory_space<hbm>>) dst(%arg14 : memref<8x1024xf32, #tpu.memory_space<vmem>>)
    %dma_start3A_98 = arith.constant 40 : i32
    %dma_start3A_99 = tpu.memref_slice %arg6[%dma_start3A_98] : memref<128xi32, #tpu.memory_space<vmem>> -> memref<8xi32, #tpu.memory_space<vmem>>
    %dma_start3A_100 = arith.constant 0 : i32
    %dma_start3A_101 = arith.constant 0 : i32
    %dma_start3A_102 = tpu.memref_slice %arg2[%dma_start3A_100, %dma_start3A_101] : memref<32768x1024xf32, #tpu.memory_space<hbm>> -> memref<32768x1024xf32, #tpu.memory_space<hbm>>
    tpu.enqueue_indirect_dma source(%dma_start3A_102 : memref<32768x1024xf32, #tpu.memory_space<hbm>>) target(%arg9 : memref<8x1024xf32, #tpu.memory_space<vmem>>) offsets(%dma_start3A_99 : memref<8xi32, #tpu.memory_space<vmem>>) semaphore(%arg21 : memref<!tpu.dma_semaphore, #tpu.memory_space<semaphore_mem>>)
    %dma_start3A_103 = arith.constant 40 : i32
    %dma_start3A_104 = tpu.memref_slice %arg7[%dma_start3A_103] : memref<128xi32, #tpu.memory_space<vmem>> -> memref<8xi32, #tpu.memory_space<vmem>>
    %dma_start3A_105 = arith.constant 0 : i32
    %dma_start3A_106 = arith.constant 0 : i32
    %dma_start3A_107 = tpu.memref_slice %arg2[%dma_start3A_105, %dma_start3A_106] : memref<32768x1024xf32, #tpu.memory_space<hbm>> -> memref<32768x1024xf32, #tpu.memory_space<hbm>>
    tpu.enqueue_indirect_dma source(%dma_start3A_107 : memref<32768x1024xf32, #tpu.memory_space<hbm>>) target(%arg13 : memref<8x1024xf32, #tpu.memory_space<vmem>>) offsets(%dma_start3A_104 : memref<8xi32, #tpu.memory_space<vmem>>) semaphore(%arg21 : memref<!tpu.dma_semaphore, #tpu.memory_space<semaphore_mem>>)
    %parallel_loop3A_108 = arith.constant 0 : i32
    %parallel_loop3A_109 = arith.constant 512 : i32
    %parallel_loop3A_110 = arith.constant 1 : i32
    scf.for %parallel_loop3A_528 = %parallel_loop3A_108 to %parallel_loop3A_109 step %parallel_loop3A_110  : i32 {
      %parallel_loop3A_529 = arith.constant 6 : i32
      %parallel_loop3A_530 = arith.shrsi %parallel_loop3A_528, %parallel_loop3A_529 : i32
      %parallel_loop3A_531 = arith.constant 63 : i32
      %parallel_loop3A_532 = arith.andi %parallel_loop3A_528, %parallel_loop3A_531 : i32
      %parallel_loop3A_533 = arith.constant 16 : i32
      %parallel_loop3A_534 = arith.muli %parallel_loop3A_532, %parallel_loop3A_533 : i32
      %parallel_loop3A_535 = arith.index_cast %parallel_loop3A_530 : i32 to index
      %parallel_loop3A_536 = arith.index_cast %parallel_loop3A_534 : i32 to index
      %parallel_loop3A_537 = tpu.vector_load %arg10[%parallel_loop3A_535, %parallel_loop3A_536] {strides = array<i32>} : memref<8x1024xf32, #tpu.memory_space<vmem>>, vector<1x16xf32>,
      %parallel_loop3A_538 = vector.shape_cast %parallel_loop3A_537 : vector<1x16xf32> to vector<16xf32>
      %parallel_loop3A_539 = arith.index_cast %parallel_loop3A_530 : i32 to index
      %parallel_loop3A_540 = arith.index_cast %parallel_loop3A_534 : i32 to index
      %parallel_loop3A_541 = tpu.vector_load %arg14[%parallel_loop3A_539, %parallel_loop3A_540] {strides = array<i32>} : memref<8x1024xf32, #tpu.memory_space<vmem>>, vector<1x16xf32>,
      %parallel_loop3A_542 = vector.shape_cast %parallel_loop3A_541 : vector<1x16xf32> to vector<16xf32>
      %parallel_loop3A_543 = arith.addf %parallel_loop3A_538, %parallel_loop3A_542 : vector<16xf32>
      %parallel_loop3A_544 = arith.constant 5.000000e-01 : f32
      %parallel_loop3A_545 = vector.broadcast %parallel_loop3A_544 : f32 to vector<16xf32>
      %parallel_loop3A_546 = arith.mulf %parallel_loop3A_543, %parallel_loop3A_545 : vector<16xf32>
      %parallel_loop3A_547 = arith.index_cast %parallel_loop3A_530 : i32 to index
      %parallel_loop3A_548 = arith.index_cast %parallel_loop3A_534 : i32 to index
      %parallel_loop3A_549 = tpu.vector_load %arg18[%parallel_loop3A_547, %parallel_loop3A_548] {strides = array<i32>} : memref<8x1024xf32, #tpu.memory_space<vmem>>, vector<1x16xf32>,
      %parallel_loop3A_550 = vector.shape_cast %parallel_loop3A_549 : vector<1x16xf32> to vector<16xf32>
      %parallel_loop3A_551 = vector.shape_cast %parallel_loop3A_546 : vector<16xf32> to vector<1x16xf32>
      tpu.vector_store %arg18[%parallel_loop3A_547, %parallel_loop3A_548], %parallel_loop3A_551 {strides = array<i32>} : memref<8x1024xf32, #tpu.memory_space<vmem>>, vector<1x16xf32>,
    } {sc.loop_unroll_factor = 8 : i64, sc.parallel_access}
    %add3A_111 = arith.constant 16 : i32
    %add3A_112 = arith.addi %mul3A_2, %add3A_111 : i32
    %dma_start3A_113 = arith.constant 0 : i32
    %dma_start3A_114 = tpu.memref_slice %arg5[%add3A_112, %dma_start3A_113] : memref<4096x1024xf32, #tpu.memory_space<hbm>> -> memref<8x1024xf32, #tpu.memory_space<hbm>>
    %dma_start3A_115 = arith.constant 0 : i32
    %dma_start3A_116 = tpu.memref_slice %arg5[%add3A_112, %dma_start3A_115] : memref<4096x1024xf32, #tpu.memory_space<hbm>> -> memref<8x1024xf32, #tpu.memory_space<hbm>>
    tpu.enqueue_dma source(%arg18 : memref<8x1024xf32, #tpu.memory_space<vmem>>) target(%dma_start3A_116 : memref<8x1024xf32, #tpu.memory_space<hbm>>) target_semaphore(%arg26 : memref<!tpu.dma_semaphore, #tpu.memory_space<semaphore_mem>>)
    %dma_wait3A_117 = arith.constant 24 : i32
    %dma_wait3A_118 = tpu.memref_slice %arg6[%dma_wait3A_117] : memref<128xi32, #tpu.memory_space<vmem>> -> memref<8xi32, #tpu.memory_space<vmem>>
    %dma_wait3A_119 = arith.constant 0 : i32
    %dma_wait3A_120 = arith.constant 0 : i32
    %dma_wait3A_121 = tpu.memref_slice %arg2[%dma_wait3A_119, %dma_wait3A_120] : memref<32768x1024xf32, #tpu.memory_space<hbm>> -> memref<32768x1024xf32, #tpu.memory_space<hbm>>
    tpu.wait_indirect_dma semaphore(%arg23 : memref<!tpu.dma_semaphore, #tpu.memory_space<semaphore_mem>>) src(%dma_wait3A_121 : memref<32768x1024xf32, #tpu.memory_space<hbm>>) dst(%arg11 : memref<8x1024xf32, #tpu.memory_space<vmem>>)
    %dma_wait3A_122 = arith.constant 24 : i32
    %dma_wait3A_123 = tpu.memref_slice %arg7[%dma_wait3A_122] : memref<128xi32, #tpu.memory_space<vmem>> -> memref<8xi32, #tpu.memory_space<vmem>>
    %dma_wait3A_124 = arith.constant 0 : i32
    %dma_wait3A_125 = arith.constant 0 : i32
    %dma_wait3A_126 = tpu.memref_slice %arg2[%dma_wait3A_124, %dma_wait3A_125] : memref<32768x1024xf32, #tpu.memory_space<hbm>> -> memref<32768x1024xf32, #tpu.memory_space<hbm>>
    tpu.wait_indirect_dma semaphore(%arg23 : memref<!tpu.dma_semaphore, #tpu.memory_space<semaphore_mem>>) src(%dma_wait3A_126 : memref<32768x1024xf32, #tpu.memory_space<hbm>>) dst(%arg15 : memref<8x1024xf32, #tpu.memory_space<vmem>>)
    %dma_start3A_127 = arith.constant 48 : i32
    %dma_start3A_128 = tpu.memref_slice %arg6[%dma_start3A_127] : memref<128xi32, #tpu.memory_space<vmem>> -> memref<8xi32, #tpu.memory_space<vmem>>
    %dma_start3A_129 = arith.constant 0 : i32
    %dma_start3A_130 = arith.constant 0 : i32
    %dma_start3A_131 = tpu.memref_slice %arg2[%dma_start3A_129, %dma_start3A_130] : memref<32768x1024xf32, #tpu.memory_space<hbm>> -> memref<32768x1024xf32, #tpu.memory_space<hbm>>
    tpu.enqueue_indirect_dma source(%dma_start3A_131 : memref<32768x1024xf32, #tpu.memory_space<hbm>>) target(%arg10 : memref<8x1024xf32, #tpu.memory_space<vmem>>) offsets(%dma_start3A_128 : memref<8xi32, #tpu.memory_space<vmem>>) semaphore(%arg22 : memref<!tpu.dma_semaphore, #tpu.memory_space<semaphore_mem>>)
    %dma_start3A_132 = arith.constant 48 : i32
    %dma_start3A_133 = tpu.memref_slice %arg7[%dma_start3A_132] : memref<128xi32, #tpu.memory_space<vmem>> -> memref<8xi32, #tpu.memory_space<vmem>>
    %dma_start3A_134 = arith.constant 0 : i32
    %dma_start3A_135 = arith.constant 0 : i32
    %dma_start3A_136 = tpu.memref_slice %arg2[%dma_start3A_134, %dma_start3A_135] : memref<32768x1024xf32, #tpu.memory_space<hbm>> -> memref<32768x1024xf32, #tpu.memory_space<hbm>>
    tpu.enqueue_indirect_dma source(%dma_start3A_136 : memref<32768x1024xf32, #tpu.memory_space<hbm>>) target(%arg14 : memref<8x1024xf32, #tpu.memory_space<vmem>>) offsets(%dma_start3A_133 : memref<8xi32, #tpu.memory_space<vmem>>) semaphore(%arg22 : memref<!tpu.dma_semaphore, #tpu.memory_space<semaphore_mem>>)
    %parallel_loop3A_137 = arith.constant 0 : i32
    %parallel_loop3A_138 = arith.constant 512 : i32
    %parallel_loop3A_139 = arith.constant 1 : i32
    scf.for %parallel_loop3A_528 = %parallel_loop3A_137 to %parallel_loop3A_138 step %parallel_loop3A_139  : i32 {
      %parallel_loop3A_529 = arith.constant 6 : i32
      %parallel_loop3A_530 = arith.shrsi %parallel_loop3A_528, %parallel_loop3A_529 : i32
      %parallel_loop3A_531 = arith.constant 63 : i32
      %parallel_loop3A_532 = arith.andi %parallel_loop3A_528, %parallel_loop3A_531 : i32
      %parallel_loop3A_533 = arith.constant 16 : i32
      %parallel_loop3A_534 = arith.muli %parallel_loop3A_532, %parallel_loop3A_533 : i32
      %parallel_loop3A_535 = arith.index_cast %parallel_loop3A_530 : i32 to index
      %parallel_loop3A_536 = arith.index_cast %parallel_loop3A_534 : i32 to index
      %parallel_loop3A_537 = tpu.vector_load %arg11[%parallel_loop3A_535, %parallel_loop3A_536] {strides = array<i32>} : memref<8x1024xf32, #tpu.memory_space<vmem>>, vector<1x16xf32>,
      %parallel_loop3A_538 = vector.shape_cast %parallel_loop3A_537 : vector<1x16xf32> to vector<16xf32>
      %parallel_loop3A_539 = arith.index_cast %parallel_loop3A_530 : i32 to index
      %parallel_loop3A_540 = arith.index_cast %parallel_loop3A_534 : i32 to index
      %parallel_loop3A_541 = tpu.vector_load %arg15[%parallel_loop3A_539, %parallel_loop3A_540] {strides = array<i32>} : memref<8x1024xf32, #tpu.memory_space<vmem>>, vector<1x16xf32>,
      %parallel_loop3A_542 = vector.shape_cast %parallel_loop3A_541 : vector<1x16xf32> to vector<16xf32>
      %parallel_loop3A_543 = arith.addf %parallel_loop3A_538, %parallel_loop3A_542 : vector<16xf32>
      %parallel_loop3A_544 = arith.constant 5.000000e-01 : f32
      %parallel_loop3A_545 = vector.broadcast %parallel_loop3A_544 : f32 to vector<16xf32>
      %parallel_loop3A_546 = arith.mulf %parallel_loop3A_543, %parallel_loop3A_545 : vector<16xf32>
      %parallel_loop3A_547 = arith.index_cast %parallel_loop3A_530 : i32 to index
      %parallel_loop3A_548 = arith.index_cast %parallel_loop3A_534 : i32 to index
      %parallel_loop3A_549 = tpu.vector_load %arg19[%parallel_loop3A_547, %parallel_loop3A_548] {strides = array<i32>} : memref<8x1024xf32, #tpu.memory_space<vmem>>, vector<1x16xf32>,
      %parallel_loop3A_550 = vector.shape_cast %parallel_loop3A_549 : vector<1x16xf32> to vector<16xf32>
      %parallel_loop3A_551 = vector.shape_cast %parallel_loop3A_546 : vector<16xf32> to vector<1x16xf32>
      tpu.vector_store %arg19[%parallel_loop3A_547, %parallel_loop3A_548], %parallel_loop3A_551 {strides = array<i32>} : memref<8x1024xf32, #tpu.memory_space<vmem>>, vector<1x16xf32>,
    } {sc.loop_unroll_factor = 8 : i64, sc.parallel_access}
    %add3A_140 = arith.constant 24 : i32
    %add3A_141 = arith.addi %mul3A_2, %add3A_140 : i32
    %dma_start3A_142 = arith.constant 0 : i32
    %dma_start3A_143 = tpu.memref_slice %arg5[%add3A_141, %dma_start3A_142] : memref<4096x1024xf32, #tpu.memory_space<hbm>> -> memref<8x1024xf32, #tpu.memory_space<hbm>>
    %dma_start3A_144 = arith.constant 0 : i32
    %dma_start3A_145 = tpu.memref_slice %arg5[%add3A_141, %dma_start3A_144] : memref<4096x1024xf32, #tpu.memory_space<hbm>> -> memref<8x1024xf32, #tpu.memory_space<hbm>>
    tpu.enqueue_dma source(%arg19 : memref<8x1024xf32, #tpu.memory_space<vmem>>) target(%dma_start3A_145 : memref<8x1024xf32, #tpu.memory_space<hbm>>) target_semaphore(%arg27 : memref<!tpu.dma_semaphore, #tpu.memory_space<semaphore_mem>>)
    %dma_wait3A_146 = arith.constant 32 : i32
    %dma_wait3A_147 = tpu.memref_slice %arg6[%dma_wait3A_146] : memref<128xi32, #tpu.memory_space<vmem>> -> memref<8xi32, #tpu.memory_space<vmem>>
    %dma_wait3A_148 = arith.constant 0 : i32
    %dma_wait3A_149 = arith.constant 0 : i32
    %dma_wait3A_150 = tpu.memref_slice %arg2[%dma_wait3A_148, %dma_wait3A_149] : memref<32768x1024xf32, #tpu.memory_space<hbm>> -> memref<32768x1024xf32, #tpu.memory_space<hbm>>
    tpu.wait_indirect_dma semaphore(%arg20 : memref<!tpu.dma_semaphore, #tpu.memory_space<semaphore_mem>>) src(%dma_wait3A_150 : memref<32768x1024xf32, #tpu.memory_space<hbm>>) dst(%arg8 : memref<8x1024xf32, #tpu.memory_space<vmem>>)
    %dma_wait3A_151 = arith.constant 32 : i32
    %dma_wait3A_152 = tpu.memref_slice %arg7[%dma_wait3A_151] : memref<128xi32, #tpu.memory_space<vmem>> -> memref<8xi32, #tpu.memory_space<vmem>>
    %dma_wait3A_153 = arith.constant 0 : i32
    %dma_wait3A_154 = arith.constant 0 : i32
    %dma_wait3A_155 = tpu.memref_slice %arg2[%dma_wait3A_153, %dma_wait3A_154] : memref<32768x1024xf32, #tpu.memory_space<hbm>> -> memref<32768x1024xf32, #tpu.memory_space<hbm>>
    tpu.wait_indirect_dma semaphore(%arg20 : memref<!tpu.dma_semaphore, #tpu.memory_space<semaphore_mem>>) src(%dma_wait3A_155 : memref<32768x1024xf32, #tpu.memory_space<hbm>>) dst(%arg12 : memref<8x1024xf32, #tpu.memory_space<vmem>>)
    %dma_wait3A_156 = arith.constant 0 : i32
    %dma_wait3A_157 = tpu.memref_slice %arg5[%add3A_54, %dma_wait3A_156] : memref<4096x1024xf32, #tpu.memory_space<hbm>> -> memref<8x1024xf32, #tpu.memory_space<hbm>>
    %dma_wait3A_158 = arith.constant 0 : i32
    %dma_wait3A_159 = tpu.memref_slice %arg5[%add3A_54, %dma_wait3A_158] : memref<4096x1024xf32, #tpu.memory_space<hbm>> -> memref<8x1024xf32, #tpu.memory_space<hbm>>
    tpu.wait_dma2 semaphore(%arg24 : memref<!tpu.dma_semaphore, #tpu.memory_space<semaphore_mem>>) src(%arg16 : memref<8x1024xf32, #tpu.memory_space<vmem>>) dst(%dma_wait3A_159 : memref<8x1024xf32, #tpu.memory_space<hbm>>)
    %dma_start3A_160 = arith.constant 56 : i32
    %dma_start3A_161 = tpu.memref_slice %arg6[%dma_start3A_160] : memref<128xi32, #tpu.memory_space<vmem>> -> memref<8xi32, #tpu.memory_space<vmem>>
    %dma_start3A_162 = arith.constant 0 : i32
    %dma_start3A_163 = arith.constant 0 : i32
    %dma_start3A_164 = tpu.memref_slice %arg2[%dma_start3A_162, %dma_start3A_163] : memref<32768x1024xf32, #tpu.memory_space<hbm>> -> memref<32768x1024xf32, #tpu.memory_space<hbm>>
    tpu.enqueue_indirect_dma source(%dma_start3A_164 : memref<32768x1024xf32, #tpu.memory_space<hbm>>) target(%arg11 : memref<8x1024xf32, #tpu.memory_space<vmem>>) offsets(%dma_start3A_161 : memref<8xi32, #tpu.memory_space<vmem>>) semaphore(%arg23 : memref<!tpu.dma_semaphore, #tpu.memory_space<semaphore_mem>>)
    %dma_start3A_165 = arith.constant 56 : i32
    %dma_start3A_166 = tpu.memref_slice %arg7[%dma_start3A_165] : memref<128xi32, #tpu.memory_space<vmem>> -> memref<8xi32, #tpu.memory_space<vmem>>
    %dma_start3A_167 = arith.constant 0 : i32
    %dma_start3A_168 = arith.constant 0 : i32
    %dma_start3A_169 = tpu.memref_slice %arg2[%dma_start3A_167, %dma_start3A_168] : memref<32768x1024xf32, #tpu.memory_space<hbm>> -> memref<32768x1024xf32, #tpu.memory_space<hbm>>
    tpu.enqueue_indirect_dma source(%dma_start3A_169 : memref<32768x1024xf32, #tpu.memory_space<hbm>>) target(%arg15 : memref<8x1024xf32, #tpu.memory_space<vmem>>) offsets(%dma_start3A_166 : memref<8xi32, #tpu.memory_space<vmem>>) semaphore(%arg23 : memref<!tpu.dma_semaphore, #tpu.memory_space<semaphore_mem>>)
    %parallel_loop3A_170 = arith.constant 0 : i32
    %parallel_loop3A_171 = arith.constant 512 : i32
    %parallel_loop3A_172 = arith.constant 1 : i32
    scf.for %parallel_loop3A_528 = %parallel_loop3A_170 to %parallel_loop3A_171 step %parallel_loop3A_172  : i32 {
      %parallel_loop3A_529 = arith.constant 6 : i32
      %parallel_loop3A_530 = arith.shrsi %parallel_loop3A_528, %parallel_loop3A_529 : i32
      %parallel_loop3A_531 = arith.constant 63 : i32
      %parallel_loop3A_532 = arith.andi %parallel_loop3A_528, %parallel_loop3A_531 : i32
      %parallel_loop3A_533 = arith.constant 16 : i32
      %parallel_loop3A_534 = arith.muli %parallel_loop3A_532, %parallel_loop3A_533 : i32
      %parallel_loop3A_535 = arith.index_cast %parallel_loop3A_530 : i32 to index
      %parallel_loop3A_536 = arith.index_cast %parallel_loop3A_534 : i32 to index
      %parallel_loop3A_537 = tpu.vector_load %arg8[%parallel_loop3A_535, %parallel_loop3A_536] {strides = array<i32>} : memref<8x1024xf32, #tpu.memory_space<vmem>>, vector<1x16xf32>,
      %parallel_loop3A_538 = vector.shape_cast %parallel_loop3A_537 : vector<1x16xf32> to vector<16xf32>
      %parallel_loop3A_539 = arith.index_cast %parallel_loop3A_530 : i32 to index
      %parallel_loop3A_540 = arith.index_cast %parallel_loop3A_534 : i32 to index
      %parallel_loop3A_541 = tpu.vector_load %arg12[%parallel_loop3A_539, %parallel_loop3A_540] {strides = array<i32>} : memref<8x1024xf32, #tpu.memory_space<vmem>>, vector<1x16xf32>,
      %parallel_loop3A_542 = vector.shape_cast %parallel_loop3A_541 : vector<1x16xf32> to vector<16xf32>
      %parallel_loop3A_543 = arith.addf %parallel_loop3A_538, %parallel_loop3A_542 : vector<16xf32>
      %parallel_loop3A_544 = arith.constant 5.000000e-01 : f32
      %parallel_loop3A_545 = vector.broadcast %parallel_loop3A_544 : f32 to vector<16xf32>
      %parallel_loop3A_546 = arith.mulf %parallel_loop3A_543, %parallel_loop3A_545 : vector<16xf32>
      %parallel_loop3A_547 = arith.index_cast %parallel_loop3A_530 : i32 to index
      %parallel_loop3A_548 = arith.index_cast %parallel_loop3A_534 : i32 to index
      %parallel_loop3A_549 = tpu.vector_load %arg16[%parallel_loop3A_547, %parallel_loop3A_548] {strides = array<i32>} : memref<8x1024xf32, #tpu.memory_space<vmem>>, vector<1x16xf32>,
      %parallel_loop3A_550 = vector.shape_cast %parallel_loop3A_549 : vector<1x16xf32> to vector<16xf32>
      %parallel_loop3A_551 = vector.shape_cast %parallel_loop3A_546 : vector<16xf32> to vector<1x16xf32>
      tpu.vector_store %arg16[%parallel_loop3A_547, %parallel_loop3A_548], %parallel_loop3A_551 {strides = array<i32>} : memref<8x1024xf32, #tpu.memory_space<vmem>>, vector<1x16xf32>,
    } {sc.loop_unroll_factor = 8 : i64, sc.parallel_access}
    %add3A_173 = arith.constant 32 : i32
    %add3A_174 = arith.addi %mul3A_2, %add3A_173 : i32
    %dma_start3A_175 = arith.constant 0 : i32
    %dma_start3A_176 = tpu.memref_slice %arg5[%add3A_174, %dma_start3A_175] : memref<4096x1024xf32, #tpu.memory_space<hbm>> -> memref<8x1024xf32, #tpu.memory_space<hbm>>
    %dma_start3A_177 = arith.constant 0 : i32
    %dma_start3A_178 = tpu.memref_slice %arg5[%add3A_174, %dma_start3A_177] : memref<4096x1024xf32, #tpu.memory_space<hbm>> -> memref<8x1024xf32, #tpu.memory_space<hbm>>
    tpu.enqueue_dma source(%arg16 : memref<8x1024xf32, #tpu.memory_space<vmem>>) target(%dma_start3A_178 : memref<8x1024xf32, #tpu.memory_space<hbm>>) target_semaphore(%arg24 : memref<!tpu.dma_semaphore, #tpu.memory_space<semaphore_mem>>)
    %dma_wait3A_179 = arith.constant 40 : i32
    %dma_wait3A_180 = tpu.memref_slice %arg6[%dma_wait3A_179] : memref<128xi32, #tpu.memory_space<vmem>> -> memref<8xi32, #tpu.memory_space<vmem>>
    %dma_wait3A_181 = arith.constant 0 : i32
    %dma_wait3A_182 = arith.constant 0 : i32
    %dma_wait3A_183 = tpu.memref_slice %arg2[%dma_wait3A_181, %dma_wait3A_182] : memref<32768x1024xf32, #tpu.memory_space<hbm>> -> memref<32768x1024xf32, #tpu.memory_space<hbm>>
    tpu.wait_indirect_dma semaphore(%arg21 : memref<!tpu.dma_semaphore, #tpu.memory_space<semaphore_mem>>) src(%dma_wait3A_183 : memref<32768x1024xf32, #tpu.memory_space<hbm>>) dst(%arg9 : memref<8x1024xf32, #tpu.memory_space<vmem>>)
    %dma_wait3A_184 = arith.constant 40 : i32
    %dma_wait3A_185 = tpu.memref_slice %arg7[%dma_wait3A_184] : memref<128xi32, #tpu.memory_space<vmem>> -> memref<8xi32, #tpu.memory_space<vmem>>
    %dma_wait3A_186 = arith.constant 0 : i32
    %dma_wait3A_187 = arith.constant 0 : i32
    %dma_wait3A_188 = tpu.memref_slice %arg2[%dma_wait3A_186, %dma_wait3A_187] : memref<32768x1024xf32, #tpu.memory_space<hbm>> -> memref<32768x1024xf32, #tpu.memory_space<hbm>>
    tpu.wait_indirect_dma semaphore(%arg21 : memref<!tpu.dma_semaphore, #tpu.memory_space<semaphore_mem>>) src(%dma_wait3A_188 : memref<32768x1024xf32, #tpu.memory_space<hbm>>) dst(%arg13 : memref<8x1024xf32, #tpu.memory_space<vmem>>)
    %dma_wait3A_189 = arith.constant 0 : i32
    %dma_wait3A_190 = tpu.memref_slice %arg5[%add3A_83, %dma_wait3A_189] : memref<4096x1024xf32, #tpu.memory_space<hbm>> -> memref<8x1024xf32, #tpu.memory_space<hbm>>
    %dma_wait3A_191 = arith.constant 0 : i32
    %dma_wait3A_192 = tpu.memref_slice %arg5[%add3A_83, %dma_wait3A_191] : memref<4096x1024xf32, #tpu.memory_space<hbm>> -> memref<8x1024xf32, #tpu.memory_space<hbm>>
    tpu.wait_dma2 semaphore(%arg25 : memref<!tpu.dma_semaphore, #tpu.memory_space<semaphore_mem>>) src(%arg17 : memref<8x1024xf32, #tpu.memory_space<vmem>>) dst(%dma_wait3A_192 : memref<8x1024xf32, #tpu.memory_space<hbm>>)
    %dma_start3A_193 = arith.constant 64 : i32
    %dma_start3A_194 = tpu.memref_slice %arg6[%dma_start3A_193] : memref<128xi32, #tpu.memory_space<vmem>> -> memref<8xi32, #tpu.memory_space<vmem>>
    %dma_start3A_195 = arith.constant 0 : i32
    %dma_start3A_196 = arith.constant 0 : i32
    %dma_start3A_197 = tpu.memref_slice %arg2[%dma_start3A_195, %dma_start3A_196] : memref<32768x1024xf32, #tpu.memory_space<hbm>> -> memref<32768x1024xf32, #tpu.memory_space<hbm>>
    tpu.enqueue_indirect_dma source(%dma_start3A_197 : memref<32768x1024xf32, #tpu.memory_space<hbm>>) target(%arg8 : memref<8x1024xf32, #tpu.memory_space<vmem>>) offsets(%dma_start3A_194 : memref<8xi32, #tpu.memory_space<vmem>>) semaphore(%arg20 : memref<!tpu.dma_semaphore, #tpu.memory_space<semaphore_mem>>)
    %dma_start3A_198 = arith.constant 64 : i32
    %dma_start3A_199 = tpu.memref_slice %arg7[%dma_start3A_198] : memref<128xi32, #tpu.memory_space<vmem>> -> memref<8xi32, #tpu.memory_space<vmem>>
    %dma_start3A_200 = arith.constant 0 : i32
    %dma_start3A_201 = arith.constant 0 : i32
    %dma_start3A_202 = tpu.memref_slice %arg2[%dma_start3A_200, %dma_start3A_201] : memref<32768x1024xf32, #tpu.memory_space<hbm>> -> memref<32768x1024xf32, #tpu.memory_space<hbm>>
    tpu.enqueue_indirect_dma source(%dma_start3A_202 : memref<32768x1024xf32, #tpu.memory_space<hbm>>) target(%arg12 : memref<8x1024xf32, #tpu.memory_space<vmem>>) offsets(%dma_start3A_199 : memref<8xi32, #tpu.memory_space<vmem>>) semaphore(%arg20 : memref<!tpu.dma_semaphore, #tpu.memory_space<semaphore_mem>>)
    %parallel_loop3A_203 = arith.constant 0 : i32
    %parallel_loop3A_204 = arith.constant 512 : i32
    %parallel_loop3A_205 = arith.constant 1 : i32
    scf.for %parallel_loop3A_528 = %parallel_loop3A_203 to %parallel_loop3A_204 step %parallel_loop3A_205  : i32 {
      %parallel_loop3A_529 = arith.constant 6 : i32
      %parallel_loop3A_530 = arith.shrsi %parallel_loop3A_528, %parallel_loop3A_529 : i32
      %parallel_loop3A_531 = arith.constant 63 : i32
      %parallel_loop3A_532 = arith.andi %parallel_loop3A_528, %parallel_loop3A_531 : i32
      %parallel_loop3A_533 = arith.constant 16 : i32
      %parallel_loop3A_534 = arith.muli %parallel_loop3A_532, %parallel_loop3A_533 : i32
      %parallel_loop3A_535 = arith.index_cast %parallel_loop3A_530 : i32 to index
      %parallel_loop3A_536 = arith.index_cast %parallel_loop3A_534 : i32 to index
      %parallel_loop3A_537 = tpu.vector_load %arg9[%parallel_loop3A_535, %parallel_loop3A_536] {strides = array<i32>} : memref<8x1024xf32, #tpu.memory_space<vmem>>, vector<1x16xf32>,
      %parallel_loop3A_538 = vector.shape_cast %parallel_loop3A_537 : vector<1x16xf32> to vector<16xf32>
      %parallel_loop3A_539 = arith.index_cast %parallel_loop3A_530 : i32 to index
      %parallel_loop3A_540 = arith.index_cast %parallel_loop3A_534 : i32 to index
      %parallel_loop3A_541 = tpu.vector_load %arg13[%parallel_loop3A_539, %parallel_loop3A_540] {strides = array<i32>} : memref<8x1024xf32, #tpu.memory_space<vmem>>, vector<1x16xf32>,
      %parallel_loop3A_542 = vector.shape_cast %parallel_loop3A_541 : vector<1x16xf32> to vector<16xf32>
      %parallel_loop3A_543 = arith.addf %parallel_loop3A_538, %parallel_loop3A_542 : vector<16xf32>
      %parallel_loop3A_544 = arith.constant 5.000000e-01 : f32
      %parallel_loop3A_545 = vector.broadcast %parallel_loop3A_544 : f32 to vector<16xf32>
      %parallel_loop3A_546 = arith.mulf %parallel_loop3A_543, %parallel_loop3A_545 : vector<16xf32>
      %parallel_loop3A_547 = arith.index_cast %parallel_loop3A_530 : i32 to index
      %parallel_loop3A_548 = arith.index_cast %parallel_loop3A_534 : i32 to index
      %parallel_loop3A_549 = tpu.vector_load %arg17[%parallel_loop3A_547, %parallel_loop3A_548] {strides = array<i32>} : memref<8x1024xf32, #tpu.memory_space<vmem>>, vector<1x16xf32>,
      %parallel_loop3A_550 = vector.shape_cast %parallel_loop3A_549 : vector<1x16xf32> to vector<16xf32>
      %parallel_loop3A_551 = vector.shape_cast %parallel_loop3A_546 : vector<16xf32> to vector<1x16xf32>
      tpu.vector_store %arg17[%parallel_loop3A_547, %parallel_loop3A_548], %parallel_loop3A_551 {strides = array<i32>} : memref<8x1024xf32, #tpu.memory_space<vmem>>, vector<1x16xf32>,
    } {sc.loop_unroll_factor = 8 : i64, sc.parallel_access}
    %add3A_206 = arith.constant 40 : i32
    %add3A_207 = arith.addi %mul3A_2, %add3A_206 : i32
    %dma_start3A_208 = arith.constant 0 : i32
    %dma_start3A_209 = tpu.memref_slice %arg5[%add3A_207, %dma_start3A_208] : memref<4096x1024xf32, #tpu.memory_space<hbm>> -> memref<8x1024xf32, #tpu.memory_space<hbm>>
    %dma_start3A_210 = arith.constant 0 : i32
    %dma_start3A_211 = tpu.memref_slice %arg5[%add3A_207, %dma_start3A_210] : memref<4096x1024xf32, #tpu.memory_space<hbm>> -> memref<8x1024xf32, #tpu.memory_space<hbm>>
    tpu.enqueue_dma source(%arg17 : memref<8x1024xf32, #tpu.memory_space<vmem>>) target(%dma_start3A_211 : memref<8x1024xf32, #tpu.memory_space<hbm>>) target_semaphore(%arg25 : memref<!tpu.dma_semaphore, #tpu.memory_space<semaphore_mem>>)
    %dma_wait3A_212 = arith.constant 48 : i32
    %dma_wait3A_213 = tpu.memref_slice %arg6[%dma_wait3A_212] : memref<128xi32, #tpu.memory_space<vmem>> -> memref<8xi32, #tpu.memory_space<vmem>>
    %dma_wait3A_214 = arith.constant 0 : i32
    %dma_wait3A_215 = arith.constant 0 : i32
    %dma_wait3A_216 = tpu.memref_slice %arg2[%dma_wait3A_214, %dma_wait3A_215] : memref<32768x1024xf32, #tpu.memory_space<hbm>> -> memref<32768x1024xf32, #tpu.memory_space<hbm>>
    tpu.wait_indirect_dma semaphore(%arg22 : memref<!tpu.dma_semaphore, #tpu.memory_space<semaphore_mem>>) src(%dma_wait3A_216 : memref<32768x1024xf32, #tpu.memory_space<hbm>>) dst(%arg10 : memref<8x1024xf32, #tpu.memory_space<vmem>>)
    %dma_wait3A_217 = arith.constant 48 : i32
    %dma_wait3A_218 = tpu.memref_slice %arg7[%dma_wait3A_217] : memref<128xi32, #tpu.memory_space<vmem>> -> memref<8xi32, #tpu.memory_space<vmem>>
    %dma_wait3A_219 = arith.constant 0 : i32
    %dma_wait3A_220 = arith.constant 0 : i32
    %dma_wait3A_221 = tpu.memref_slice %arg2[%dma_wait3A_219, %dma_wait3A_220] : memref<32768x1024xf32, #tpu.memory_space<hbm>> -> memref<32768x1024xf32, #tpu.memory_space<hbm>>
    tpu.wait_indirect_dma semaphore(%arg22 : memref<!tpu.dma_semaphore, #tpu.memory_space<semaphore_mem>>) src(%dma_wait3A_221 : memref<32768x1024xf32, #tpu.memory_space<hbm>>) dst(%arg14 : memref<8x1024xf32, #tpu.memory_space<vmem>>)
    %dma_wait3A_222 = arith.constant 0 : i32
    %dma_wait3A_223 = tpu.memref_slice %arg5[%add3A_112, %dma_wait3A_222] : memref<4096x1024xf32, #tpu.memory_space<hbm>> -> memref<8x1024xf32, #tpu.memory_space<hbm>>
    %dma_wait3A_224 = arith.constant 0 : i32
    %dma_wait3A_225 = tpu.memref_slice %arg5[%add3A_112, %dma_wait3A_224] : memref<4096x1024xf32, #tpu.memory_space<hbm>> -> memref<8x1024xf32, #tpu.memory_space<hbm>>
    tpu.wait_dma2 semaphore(%arg26 : memref<!tpu.dma_semaphore, #tpu.memory_space<semaphore_mem>>) src(%arg18 : memref<8x1024xf32, #tpu.memory_space<vmem>>) dst(%dma_wait3A_225 : memref<8x1024xf32, #tpu.memory_space<hbm>>)
    %dma_start3A_226 = arith.constant 72 : i32
    %dma_start3A_227 = tpu.memref_slice %arg6[%dma_start3A_226] : memref<128xi32, #tpu.memory_space<vmem>> -> memref<8xi32, #tpu.memory_space<vmem>>
    %dma_start3A_228 = arith.constant 0 : i32
    %dma_start3A_229 = arith.constant 0 : i32
    %dma_start3A_230 = tpu.memref_slice %arg2[%dma_start3A_228, %dma_start3A_229] : memref<32768x1024xf32, #tpu.memory_space<hbm>> -> memref<32768x1024xf32, #tpu.memory_space<hbm>>
    tpu.enqueue_indirect_dma source(%dma_start3A_230 : memref<32768x1024xf32, #tpu.memory_space<hbm>>) target(%arg9 : memref<8x1024xf32, #tpu.memory_space<vmem>>) offsets(%dma_start3A_227 : memref<8xi32, #tpu.memory_space<vmem>>) semaphore(%arg21 : memref<!tpu.dma_semaphore, #tpu.memory_space<semaphore_mem>>)
    %dma_start3A_231 = arith.constant 72 : i32
    %dma_start3A_232 = tpu.memref_slice %arg7[%dma_start3A_231] : memref<128xi32, #tpu.memory_space<vmem>> -> memref<8xi32, #tpu.memory_space<vmem>>
    %dma_start3A_233 = arith.constant 0 : i32
    %dma_start3A_234 = arith.constant 0 : i32
    %dma_start3A_235 = tpu.memref_slice %arg2[%dma_start3A_233, %dma_start3A_234] : memref<32768x1024xf32, #tpu.memory_space<hbm>> -> memref<32768x1024xf32, #tpu.memory_space<hbm>>
    tpu.enqueue_indirect_dma source(%dma_start3A_235 : memref<32768x1024xf32, #tpu.memory_space<hbm>>) target(%arg13 : memref<8x1024xf32, #tpu.memory_space<vmem>>) offsets(%dma_start3A_232 : memref<8xi32, #tpu.memory_space<vmem>>) semaphore(%arg21 : memref<!tpu.dma_semaphore, #tpu.memory_space<semaphore_mem>>)
    %parallel_loop3A_236 = arith.constant 0 : i32
    %parallel_loop3A_237 = arith.constant 512 : i32
    %parallel_loop3A_238 = arith.constant 1 : i32
    scf.for %parallel_loop3A_528 = %parallel_loop3A_236 to %parallel_loop3A_237 step %parallel_loop3A_238  : i32 {
      %parallel_loop3A_529 = arith.constant 6 : i32
      %parallel_loop3A_530 = arith.shrsi %parallel_loop3A_528, %parallel_loop3A_529 : i32
      %parallel_loop3A_531 = arith.constant 63 : i32
      %parallel_loop3A_532 = arith.andi %parallel_loop3A_528, %parallel_loop3A_531 : i32
      %parallel_loop3A_533 = arith.constant 16 : i32
      %parallel_loop3A_534 = arith.muli %parallel_loop3A_532, %parallel_loop3A_533 : i32
      %parallel_loop3A_535 = arith.index_cast %parallel_loop3A_530 : i32 to index
      %parallel_loop3A_536 = arith.index_cast %parallel_loop3A_534 : i32 to index
      %parallel_loop3A_537 = tpu.vector_load %arg10[%parallel_loop3A_535, %parallel_loop3A_536] {strides = array<i32>} : memref<8x1024xf32, #tpu.memory_space<vmem>>, vector<1x16xf32>,
      %parallel_loop3A_538 = vector.shape_cast %parallel_loop3A_537 : vector<1x16xf32> to vector<16xf32>
      %parallel_loop3A_539 = arith.index_cast %parallel_loop3A_530 : i32 to index
      %parallel_loop3A_540 = arith.index_cast %parallel_loop3A_534 : i32 to index
      %parallel_loop3A_541 = tpu.vector_load %arg14[%parallel_loop3A_539, %parallel_loop3A_540] {strides = array<i32>} : memref<8x1024xf32, #tpu.memory_space<vmem>>, vector<1x16xf32>,
      %parallel_loop3A_542 = vector.shape_cast %parallel_loop3A_541 : vector<1x16xf32> to vector<16xf32>
      %parallel_loop3A_543 = arith.addf %parallel_loop3A_538, %parallel_loop3A_542 : vector<16xf32>
      %parallel_loop3A_544 = arith.constant 5.000000e-01 : f32
      %parallel_loop3A_545 = vector.broadcast %parallel_loop3A_544 : f32 to vector<16xf32>
      %parallel_loop3A_546 = arith.mulf %parallel_loop3A_543, %parallel_loop3A_545 : vector<16xf32>
      %parallel_loop3A_547 = arith.index_cast %parallel_loop3A_530 : i32 to index
      %parallel_loop3A_548 = arith.index_cast %parallel_loop3A_534 : i32 to index
      %parallel_loop3A_549 = tpu.vector_load %arg18[%parallel_loop3A_547, %parallel_loop3A_548] {strides = array<i32>} : memref<8x1024xf32, #tpu.memory_space<vmem>>, vector<1x16xf32>,
      %parallel_loop3A_550 = vector.shape_cast %parallel_loop3A_549 : vector<1x16xf32> to vector<16xf32>
      %parallel_loop3A_551 = vector.shape_cast %parallel_loop3A_546 : vector<16xf32> to vector<1x16xf32>
      tpu.vector_store %arg18[%parallel_loop3A_547, %parallel_loop3A_548], %parallel_loop3A_551 {strides = array<i32>} : memref<8x1024xf32, #tpu.memory_space<vmem>>, vector<1x16xf32>,
    } {sc.loop_unroll_factor = 8 : i64, sc.parallel_access}
    %add3A_239 = arith.constant 48 : i32
    %add3A_240 = arith.addi %mul3A_2, %add3A_239 : i32
    %dma_start3A_241 = arith.constant 0 : i32
    %dma_start3A_242 = tpu.memref_slice %arg5[%add3A_240, %dma_start3A_241] : memref<4096x1024xf32, #tpu.memory_space<hbm>> -> memref<8x1024xf32, #tpu.memory_space<hbm>>
    %dma_start3A_243 = arith.constant 0 : i32
    %dma_start3A_244 = tpu.memref_slice %arg5[%add3A_240, %dma_start3A_243] : memref<4096x1024xf32, #tpu.memory_space<hbm>> -> memref<8x1024xf32, #tpu.memory_space<hbm>>
    tpu.enqueue_dma source(%arg18 : memref<8x1024xf32, #tpu.memory_space<vmem>>) target(%dma_start3A_244 : memref<8x1024xf32, #tpu.memory_space<hbm>>) target_semaphore(%arg26 : memref<!tpu.dma_semaphore, #tpu.memory_space<semaphore_mem>>)
    %dma_wait3A_245 = arith.constant 56 : i32
    %dma_wait3A_246 = tpu.memref_slice %arg6[%dma_wait3A_245] : memref<128xi32, #tpu.memory_space<vmem>> -> memref<8xi32, #tpu.memory_space<vmem>>
    %dma_wait3A_247 = arith.constant 0 : i32
    %dma_wait3A_248 = arith.constant 0 : i32
    %dma_wait3A_249 = tpu.memref_slice %arg2[%dma_wait3A_247, %dma_wait3A_248] : memref<32768x1024xf32, #tpu.memory_space<hbm>> -> memref<32768x1024xf32, #tpu.memory_space<hbm>>
    tpu.wait_indirect_dma semaphore(%arg23 : memref<!tpu.dma_semaphore, #tpu.memory_space<semaphore_mem>>) src(%dma_wait3A_249 : memref<32768x1024xf32, #tpu.memory_space<hbm>>) dst(%arg11 : memref<8x1024xf32, #tpu.memory_space<vmem>>)
    %dma_wait3A_250 = arith.constant 56 : i32
    %dma_wait3A_251 = tpu.memref_slice %arg7[%dma_wait3A_250] : memref<128xi32, #tpu.memory_space<vmem>> -> memref<8xi32, #tpu.memory_space<vmem>>
    %dma_wait3A_252 = arith.constant 0 : i32
    %dma_wait3A_253 = arith.constant 0 : i32
    %dma_wait3A_254 = tpu.memref_slice %arg2[%dma_wait3A_252, %dma_wait3A_253] : memref<32768x1024xf32, #tpu.memory_space<hbm>> -> memref<32768x1024xf32, #tpu.memory_space<hbm>>
    tpu.wait_indirect_dma semaphore(%arg23 : memref<!tpu.dma_semaphore, #tpu.memory_space<semaphore_mem>>) src(%dma_wait3A_254 : memref<32768x1024xf32, #tpu.memory_space<hbm>>) dst(%arg15 : memref<8x1024xf32, #tpu.memory_space<vmem>>)
    %dma_wait3A_255 = arith.constant 0 : i32
    %dma_wait3A_256 = tpu.memref_slice %arg5[%add3A_141, %dma_wait3A_255] : memref<4096x1024xf32, #tpu.memory_space<hbm>> -> memref<8x1024xf32, #tpu.memory_space<hbm>>
    %dma_wait3A_257 = arith.constant 0 : i32
    %dma_wait3A_258 = tpu.memref_slice %arg5[%add3A_141, %dma_wait3A_257] : memref<4096x1024xf32, #tpu.memory_space<hbm>> -> memref<8x1024xf32, #tpu.memory_space<hbm>>
    tpu.wait_dma2 semaphore(%arg27 : memref<!tpu.dma_semaphore, #tpu.memory_space<semaphore_mem>>) src(%arg19 : memref<8x1024xf32, #tpu.memory_space<vmem>>) dst(%dma_wait3A_258 : memref<8x1024xf32, #tpu.memory_space<hbm>>)
    %dma_start3A_259 = arith.constant 80 : i32
    %dma_start3A_260 = tpu.memref_slice %arg6[%dma_start3A_259] : memref<128xi32, #tpu.memory_space<vmem>> -> memref<8xi32, #tpu.memory_space<vmem>>
    %dma_start3A_261 = arith.constant 0 : i32
    %dma_start3A_262 = arith.constant 0 : i32
    %dma_start3A_263 = tpu.memref_slice %arg2[%dma_start3A_261, %dma_start3A_262] : memref<32768x1024xf32, #tpu.memory_space<hbm>> -> memref<32768x1024xf32, #tpu.memory_space<hbm>>
    tpu.enqueue_indirect_dma source(%dma_start3A_263 : memref<32768x1024xf32, #tpu.memory_space<hbm>>) target(%arg10 : memref<8x1024xf32, #tpu.memory_space<vmem>>) offsets(%dma_start3A_260 : memref<8xi32, #tpu.memory_space<vmem>>) semaphore(%arg22 : memref<!tpu.dma_semaphore, #tpu.memory_space<semaphore_mem>>)
    %dma_start3A_264 = arith.constant 80 : i32
    %dma_start3A_265 = tpu.memref_slice %arg7[%dma_start3A_264] : memref<128xi32, #tpu.memory_space<vmem>> -> memref<8xi32, #tpu.memory_space<vmem>>
    %dma_start3A_266 = arith.constant 0 : i32
    %dma_start3A_267 = arith.constant 0 : i32
    %dma_start3A_268 = tpu.memref_slice %arg2[%dma_start3A_266, %dma_start3A_267] : memref<32768x1024xf32, #tpu.memory_space<hbm>> -> memref<32768x1024xf32, #tpu.memory_space<hbm>>
    tpu.enqueue_indirect_dma source(%dma_start3A_268 : memref<32768x1024xf32, #tpu.memory_space<hbm>>) target(%arg14 : memref<8x1024xf32, #tpu.memory_space<vmem>>) offsets(%dma_start3A_265 : memref<8xi32, #tpu.memory_space<vmem>>) semaphore(%arg22 : memref<!tpu.dma_semaphore, #tpu.memory_space<semaphore_mem>>)
    %parallel_loop3A_269 = arith.constant 0 : i32
    %parallel_loop3A_270 = arith.constant 512 : i32
    %parallel_loop3A_271 = arith.constant 1 : i32
    scf.for %parallel_loop3A_528 = %parallel_loop3A_269 to %parallel_loop3A_270 step %parallel_loop3A_271  : i32 {
      %parallel_loop3A_529 = arith.constant 6 : i32
      %parallel_loop3A_530 = arith.shrsi %parallel_loop3A_528, %parallel_loop3A_529 : i32
      %parallel_loop3A_531 = arith.constant 63 : i32
      %parallel_loop3A_532 = arith.andi %parallel_loop3A_528, %parallel_loop3A_531 : i32
      %parallel_loop3A_533 = arith.constant 16 : i32
      %parallel_loop3A_534 = arith.muli %parallel_loop3A_532, %parallel_loop3A_533 : i32
      %parallel_loop3A_535 = arith.index_cast %parallel_loop3A_530 : i32 to index
      %parallel_loop3A_536 = arith.index_cast %parallel_loop3A_534 : i32 to index
      %parallel_loop3A_537 = tpu.vector_load %arg11[%parallel_loop3A_535, %parallel_loop3A_536] {strides = array<i32>} : memref<8x1024xf32, #tpu.memory_space<vmem>>, vector<1x16xf32>,
      %parallel_loop3A_538 = vector.shape_cast %parallel_loop3A_537 : vector<1x16xf32> to vector<16xf32>
      %parallel_loop3A_539 = arith.index_cast %parallel_loop3A_530 : i32 to index
      %parallel_loop3A_540 = arith.index_cast %parallel_loop3A_534 : i32 to index
      %parallel_loop3A_541 = tpu.vector_load %arg15[%parallel_loop3A_539, %parallel_loop3A_540] {strides = array<i32>} : memref<8x1024xf32, #tpu.memory_space<vmem>>, vector<1x16xf32>,
      %parallel_loop3A_542 = vector.shape_cast %parallel_loop3A_541 : vector<1x16xf32> to vector<16xf32>
      %parallel_loop3A_543 = arith.addf %parallel_loop3A_538, %parallel_loop3A_542 : vector<16xf32>
      %parallel_loop3A_544 = arith.constant 5.000000e-01 : f32
      %parallel_loop3A_545 = vector.broadcast %parallel_loop3A_544 : f32 to vector<16xf32>
      %parallel_loop3A_546 = arith.mulf %parallel_loop3A_543, %parallel_loop3A_545 : vector<16xf32>
      %parallel_loop3A_547 = arith.index_cast %parallel_loop3A_530 : i32 to index
      %parallel_loop3A_548 = arith.index_cast %parallel_loop3A_534 : i32 to index
      %parallel_loop3A_549 = tpu.vector_load %arg19[%parallel_loop3A_547, %parallel_loop3A_548] {strides = array<i32>} : memref<8x1024xf32, #tpu.memory_space<vmem>>, vector<1x16xf32>,
      %parallel_loop3A_550 = vector.shape_cast %parallel_loop3A_549 : vector<1x16xf32> to vector<16xf32>
      %parallel_loop3A_551 = vector.shape_cast %parallel_loop3A_546 : vector<16xf32> to vector<1x16xf32>
      tpu.vector_store %arg19[%parallel_loop3A_547, %parallel_loop3A_548], %parallel_loop3A_551 {strides = array<i32>} : memref<8x1024xf32, #tpu.memory_space<vmem>>, vector<1x16xf32>,
    } {sc.loop_unroll_factor = 8 : i64, sc.parallel_access}
    %add3A_272 = arith.constant 56 : i32
    %add3A_273 = arith.addi %mul3A_2, %add3A_272 : i32
    %dma_start3A_274 = arith.constant 0 : i32
    %dma_start3A_275 = tpu.memref_slice %arg5[%add3A_273, %dma_start3A_274] : memref<4096x1024xf32, #tpu.memory_space<hbm>> -> memref<8x1024xf32, #tpu.memory_space<hbm>>
    %dma_start3A_276 = arith.constant 0 : i32
    %dma_start3A_277 = tpu.memref_slice %arg5[%add3A_273, %dma_start3A_276] : memref<4096x1024xf32, #tpu.memory_space<hbm>> -> memref<8x1024xf32, #tpu.memory_space<hbm>>
    tpu.enqueue_dma source(%arg19 : memref<8x1024xf32, #tpu.memory_space<vmem>>) target(%dma_start3A_277 : memref<8x1024xf32, #tpu.memory_space<hbm>>) target_semaphore(%arg27 : memref<!tpu.dma_semaphore, #tpu.memory_space<semaphore_mem>>)
    %dma_wait3A_278 = arith.constant 64 : i32
    %dma_wait3A_279 = tpu.memref_slice %arg6[%dma_wait3A_278] : memref<128xi32, #tpu.memory_space<vmem>> -> memref<8xi32, #tpu.memory_space<vmem>>
    %dma_wait3A_280 = arith.constant 0 : i32
    %dma_wait3A_281 = arith.constant 0 : i32
    %dma_wait3A_282 = tpu.memref_slice %arg2[%dma_wait3A_280, %dma_wait3A_281] : memref<32768x1024xf32, #tpu.memory_space<hbm>> -> memref<32768x1024xf32, #tpu.memory_space<hbm>>
    tpu.wait_indirect_dma semaphore(%arg20 : memref<!tpu.dma_semaphore, #tpu.memory_space<semaphore_mem>>) src(%dma_wait3A_282 : memref<32768x1024xf32, #tpu.memory_space<hbm>>) dst(%arg8 : memref<8x1024xf32, #tpu.memory_space<vmem>>)
    %dma_wait3A_283 = arith.constant 64 : i32
    %dma_wait3A_284 = tpu.memref_slice %arg7[%dma_wait3A_283] : memref<128xi32, #tpu.memory_space<vmem>> -> memref<8xi32, #tpu.memory_space<vmem>>
    %dma_wait3A_285 = arith.constant 0 : i32
    %dma_wait3A_286 = arith.constant 0 : i32
    %dma_wait3A_287 = tpu.memref_slice %arg2[%dma_wait3A_285, %dma_wait3A_286] : memref<32768x1024xf32, #tpu.memory_space<hbm>> -> memref<32768x1024xf32, #tpu.memory_space<hbm>>
    tpu.wait_indirect_dma semaphore(%arg20 : memref<!tpu.dma_semaphore, #tpu.memory_space<semaphore_mem>>) src(%dma_wait3A_287 : memref<32768x1024xf32, #tpu.memory_space<hbm>>) dst(%arg12 : memref<8x1024xf32, #tpu.memory_space<vmem>>)
    %dma_wait3A_288 = arith.constant 0 : i32
    %dma_wait3A_289 = tpu.memref_slice %arg5[%add3A_174, %dma_wait3A_288] : memref<4096x1024xf32, #tpu.memory_space<hbm>> -> memref<8x1024xf32, #tpu.memory_space<hbm>>
    %dma_wait3A_290 = arith.constant 0 : i32
    %dma_wait3A_291 = tpu.memref_slice %arg5[%add3A_174, %dma_wait3A_290] : memref<4096x1024xf32, #tpu.memory_space<hbm>> -> memref<8x1024xf32, #tpu.memory_space<hbm>>
    tpu.wait_dma2 semaphore(%arg24 : memref<!tpu.dma_semaphore, #tpu.memory_space<semaphore_mem>>) src(%arg16 : memref<8x1024xf32, #tpu.memory_space<vmem>>) dst(%dma_wait3A_291 : memref<8x1024xf32, #tpu.memory_space<hbm>>)
    %dma_start3A_292 = arith.constant 88 : i32
    %dma_start3A_293 = tpu.memref_slice %arg6[%dma_start3A_292] : memref<128xi32, #tpu.memory_space<vmem>> -> memref<8xi32, #tpu.memory_space<vmem>>
    %dma_start3A_294 = arith.constant 0 : i32
    %dma_start3A_295 = arith.constant 0 : i32
    %dma_start3A_296 = tpu.memref_slice %arg2[%dma_start3A_294, %dma_start3A_295] : memref<32768x1024xf32, #tpu.memory_space<hbm>> -> memref<32768x1024xf32, #tpu.memory_space<hbm>>
    tpu.enqueue_indirect_dma source(%dma_start3A_296 : memref<32768x1024xf32, #tpu.memory_space<hbm>>) target(%arg11 : memref<8x1024xf32, #tpu.memory_space<vmem>>) offsets(%dma_start3A_293 : memref<8xi32, #tpu.memory_space<vmem>>) semaphore(%arg23 : memref<!tpu.dma_semaphore, #tpu.memory_space<semaphore_mem>>)
    %dma_start3A_297 = arith.constant 88 : i32
    %dma_start3A_298 = tpu.memref_slice %arg7[%dma_start3A_297] : memref<128xi32, #tpu.memory_space<vmem>> -> memref<8xi32, #tpu.memory_space<vmem>>
    %dma_start3A_299 = arith.constant 0 : i32
    %dma_start3A_300 = arith.constant 0 : i32
    %dma_start3A_301 = tpu.memref_slice %arg2[%dma_start3A_299, %dma_start3A_300] : memref<32768x1024xf32, #tpu.memory_space<hbm>> -> memref<32768x1024xf32, #tpu.memory_space<hbm>>
    tpu.enqueue_indirect_dma source(%dma_start3A_301 : memref<32768x1024xf32, #tpu.memory_space<hbm>>) target(%arg15 : memref<8x1024xf32, #tpu.memory_space<vmem>>) offsets(%dma_start3A_298 : memref<8xi32, #tpu.memory_space<vmem>>) semaphore(%arg23 : memref<!tpu.dma_semaphore, #tpu.memory_space<semaphore_mem>>)
    %parallel_loop3A_302 = arith.constant 0 : i32
    %parallel_loop3A_303 = arith.constant 512 : i32
    %parallel_loop3A_304 = arith.constant 1 : i32
    scf.for %parallel_loop3A_528 = %parallel_loop3A_302 to %parallel_loop3A_303 step %parallel_loop3A_304  : i32 {
      %parallel_loop3A_529 = arith.constant 6 : i32
      %parallel_loop3A_530 = arith.shrsi %parallel_loop3A_528, %parallel_loop3A_529 : i32
      %parallel_loop3A_531 = arith.constant 63 : i32
      %parallel_loop3A_532 = arith.andi %parallel_loop3A_528, %parallel_loop3A_531 : i32
      %parallel_loop3A_533 = arith.constant 16 : i32
      %parallel_loop3A_534 = arith.muli %parallel_loop3A_532, %parallel_loop3A_533 : i32
      %parallel_loop3A_535 = arith.index_cast %parallel_loop3A_530 : i32 to index
      %parallel_loop3A_536 = arith.index_cast %parallel_loop3A_534 : i32 to index
      %parallel_loop3A_537 = tpu.vector_load %arg8[%parallel_loop3A_535, %parallel_loop3A_536] {strides = array<i32>} : memref<8x1024xf32, #tpu.memory_space<vmem>>, vector<1x16xf32>,
      %parallel_loop3A_538 = vector.shape_cast %parallel_loop3A_537 : vector<1x16xf32> to vector<16xf32>
      %parallel_loop3A_539 = arith.index_cast %parallel_loop3A_530 : i32 to index
      %parallel_loop3A_540 = arith.index_cast %parallel_loop3A_534 : i32 to index
      %parallel_loop3A_541 = tpu.vector_load %arg12[%parallel_loop3A_539, %parallel_loop3A_540] {strides = array<i32>} : memref<8x1024xf32, #tpu.memory_space<vmem>>, vector<1x16xf32>,
      %parallel_loop3A_542 = vector.shape_cast %parallel_loop3A_541 : vector<1x16xf32> to vector<16xf32>
      %parallel_loop3A_543 = arith.addf %parallel_loop3A_538, %parallel_loop3A_542 : vector<16xf32>
      %parallel_loop3A_544 = arith.constant 5.000000e-01 : f32
      %parallel_loop3A_545 = vector.broadcast %parallel_loop3A_544 : f32 to vector<16xf32>
      %parallel_loop3A_546 = arith.mulf %parallel_loop3A_543, %parallel_loop3A_545 : vector<16xf32>
      %parallel_loop3A_547 = arith.index_cast %parallel_loop3A_530 : i32 to index
      %parallel_loop3A_548 = arith.index_cast %parallel_loop3A_534 : i32 to index
      %parallel_loop3A_549 = tpu.vector_load %arg16[%parallel_loop3A_547, %parallel_loop3A_548] {strides = array<i32>} : memref<8x1024xf32, #tpu.memory_space<vmem>>, vector<1x16xf32>,
      %parallel_loop3A_550 = vector.shape_cast %parallel_loop3A_549 : vector<1x16xf32> to vector<16xf32>
      %parallel_loop3A_551 = vector.shape_cast %parallel_loop3A_546 : vector<16xf32> to vector<1x16xf32>
      tpu.vector_store %arg16[%parallel_loop3A_547, %parallel_loop3A_548], %parallel_loop3A_551 {strides = array<i32>} : memref<8x1024xf32, #tpu.memory_space<vmem>>, vector<1x16xf32>,
    } {sc.loop_unroll_factor = 8 : i64, sc.parallel_access}
    %add3A_305 = arith.constant 64 : i32
    %add3A_306 = arith.addi %mul3A_2, %add3A_305 : i32
    %dma_start3A_307 = arith.constant 0 : i32
    %dma_start3A_308 = tpu.memref_slice %arg5[%add3A_306, %dma_start3A_307] : memref<4096x1024xf32, #tpu.memory_space<hbm>> -> memref<8x1024xf32, #tpu.memory_space<hbm>>
    %dma_start3A_309 = arith.constant 0 : i32
    %dma_start3A_310 = tpu.memref_slice %arg5[%add3A_306, %dma_start3A_309] : memref<4096x1024xf32, #tpu.memory_space<hbm>> -> memref<8x1024xf32, #tpu.memory_space<hbm>>
    tpu.enqueue_dma source(%arg16 : memref<8x1024xf32, #tpu.memory_space<vmem>>) target(%dma_start3A_310 : memref<8x1024xf32, #tpu.memory_space<hbm>>) target_semaphore(%arg24 : memref<!tpu.dma_semaphore, #tpu.memory_space<semaphore_mem>>)
    %dma_wait3A_311 = arith.constant 72 : i32
    %dma_wait3A_312 = tpu.memref_slice %arg6[%dma_wait3A_311] : memref<128xi32, #tpu.memory_space<vmem>> -> memref<8xi32, #tpu.memory_space<vmem>>
    %dma_wait3A_313 = arith.constant 0 : i32
    %dma_wait3A_314 = arith.constant 0 : i32
    %dma_wait3A_315 = tpu.memref_slice %arg2[%dma_wait3A_313, %dma_wait3A_314] : memref<32768x1024xf32, #tpu.memory_space<hbm>> -> memref<32768x1024xf32, #tpu.memory_space<hbm>>
    tpu.wait_indirect_dma semaphore(%arg21 : memref<!tpu.dma_semaphore, #tpu.memory_space<semaphore_mem>>) src(%dma_wait3A_315 : memref<32768x1024xf32, #tpu.memory_space<hbm>>) dst(%arg9 : memref<8x1024xf32, #tpu.memory_space<vmem>>)
    %dma_wait3A_316 = arith.constant 72 : i32
    %dma_wait3A_317 = tpu.memref_slice %arg7[%dma_wait3A_316] : memref<128xi32, #tpu.memory_space<vmem>> -> memref<8xi32, #tpu.memory_space<vmem>>
    %dma_wait3A_318 = arith.constant 0 : i32
    %dma_wait3A_319 = arith.constant 0 : i32
    %dma_wait3A_320 = tpu.memref_slice %arg2[%dma_wait3A_318, %dma_wait3A_319] : memref<32768x1024xf32, #tpu.memory_space<hbm>> -> memref<32768x1024xf32, #tpu.memory_space<hbm>>
    tpu.wait_indirect_dma semaphore(%arg21 : memref<!tpu.dma_semaphore, #tpu.memory_space<semaphore_mem>>) src(%dma_wait3A_320 : memref<32768x1024xf32, #tpu.memory_space<hbm>>) dst(%arg13 : memref<8x1024xf32, #tpu.memory_space<vmem>>)
    %dma_wait3A_321 = arith.constant 0 : i32
    %dma_wait3A_322 = tpu.memref_slice %arg5[%add3A_207, %dma_wait3A_321] : memref<4096x1024xf32, #tpu.memory_space<hbm>> -> memref<8x1024xf32, #tpu.memory_space<hbm>>
    %dma_wait3A_323 = arith.constant 0 : i32
    %dma_wait3A_324 = tpu.memref_slice %arg5[%add3A_207, %dma_wait3A_323] : memref<4096x1024xf32, #tpu.memory_space<hbm>> -> memref<8x1024xf32, #tpu.memory_space<hbm>>
    tpu.wait_dma2 semaphore(%arg25 : memref<!tpu.dma_semaphore, #tpu.memory_space<semaphore_mem>>) src(%arg17 : memref<8x1024xf32, #tpu.memory_space<vmem>>) dst(%dma_wait3A_324 : memref<8x1024xf32, #tpu.memory_space<hbm>>)
    %dma_start3A_325 = arith.constant 96 : i32
    %dma_start3A_326 = tpu.memref_slice %arg6[%dma_start3A_325] : memref<128xi32, #tpu.memory_space<vmem>> -> memref<8xi32, #tpu.memory_space<vmem>>
    %dma_start3A_327 = arith.constant 0 : i32
    %dma_start3A_328 = arith.constant 0 : i32
    %dma_start3A_329 = tpu.memref_slice %arg2[%dma_start3A_327, %dma_start3A_328] : memref<32768x1024xf32, #tpu.memory_space<hbm>> -> memref<32768x1024xf32, #tpu.memory_space<hbm>>
    tpu.enqueue_indirect_dma source(%dma_start3A_329 : memref<32768x1024xf32, #tpu.memory_space<hbm>>) target(%arg8 : memref<8x1024xf32, #tpu.memory_space<vmem>>) offsets(%dma_start3A_326 : memref<8xi32, #tpu.memory_space<vmem>>) semaphore(%arg20 : memref<!tpu.dma_semaphore, #tpu.memory_space<semaphore_mem>>)
    %dma_start3A_330 = arith.constant 96 : i32
    %dma_start3A_331 = tpu.memref_slice %arg7[%dma_start3A_330] : memref<128xi32, #tpu.memory_space<vmem>> -> memref<8xi32, #tpu.memory_space<vmem>>
    %dma_start3A_332 = arith.constant 0 : i32
    %dma_start3A_333 = arith.constant 0 : i32
    %dma_start3A_334 = tpu.memref_slice %arg2[%dma_start3A_332, %dma_start3A_333] : memref<32768x1024xf32, #tpu.memory_space<hbm>> -> memref<32768x1024xf32, #tpu.memory_space<hbm>>
    tpu.enqueue_indirect_dma source(%dma_start3A_334 : memref<32768x1024xf32, #tpu.memory_space<hbm>>) target(%arg12 : memref<8x1024xf32, #tpu.memory_space<vmem>>) offsets(%dma_start3A_331 : memref<8xi32, #tpu.memory_space<vmem>>) semaphore(%arg20 : memref<!tpu.dma_semaphore, #tpu.memory_space<semaphore_mem>>)
    %parallel_loop3A_335 = arith.constant 0 : i32
    %parallel_loop3A_336 = arith.constant 512 : i32
    %parallel_loop3A_337 = arith.constant 1 : i32
    scf.for %parallel_loop3A_528 = %parallel_loop3A_335 to %parallel_loop3A_336 step %parallel_loop3A_337  : i32 {
      %parallel_loop3A_529 = arith.constant 6 : i32
      %parallel_loop3A_530 = arith.shrsi %parallel_loop3A_528, %parallel_loop3A_529 : i32
      %parallel_loop3A_531 = arith.constant 63 : i32
      %parallel_loop3A_532 = arith.andi %parallel_loop3A_528, %parallel_loop3A_531 : i32
      %parallel_loop3A_533 = arith.constant 16 : i32
      %parallel_loop3A_534 = arith.muli %parallel_loop3A_532, %parallel_loop3A_533 : i32
      %parallel_loop3A_535 = arith.index_cast %parallel_loop3A_530 : i32 to index
      %parallel_loop3A_536 = arith.index_cast %parallel_loop3A_534 : i32 to index
      %parallel_loop3A_537 = tpu.vector_load %arg9[%parallel_loop3A_535, %parallel_loop3A_536] {strides = array<i32>} : memref<8x1024xf32, #tpu.memory_space<vmem>>, vector<1x16xf32>,
      %parallel_loop3A_538 = vector.shape_cast %parallel_loop3A_537 : vector<1x16xf32> to vector<16xf32>
      %parallel_loop3A_539 = arith.index_cast %parallel_loop3A_530 : i32 to index
      %parallel_loop3A_540 = arith.index_cast %parallel_loop3A_534 : i32 to index
      %parallel_loop3A_541 = tpu.vector_load %arg13[%parallel_loop3A_539, %parallel_loop3A_540] {strides = array<i32>} : memref<8x1024xf32, #tpu.memory_space<vmem>>, vector<1x16xf32>,
      %parallel_loop3A_542 = vector.shape_cast %parallel_loop3A_541 : vector<1x16xf32> to vector<16xf32>
      %parallel_loop3A_543 = arith.addf %parallel_loop3A_538, %parallel_loop3A_542 : vector<16xf32>
      %parallel_loop3A_544 = arith.constant 5.000000e-01 : f32
      %parallel_loop3A_545 = vector.broadcast %parallel_loop3A_544 : f32 to vector<16xf32>
      %parallel_loop3A_546 = arith.mulf %parallel_loop3A_543, %parallel_loop3A_545 : vector<16xf32>
      %parallel_loop3A_547 = arith.index_cast %parallel_loop3A_530 : i32 to index
      %parallel_loop3A_548 = arith.index_cast %parallel_loop3A_534 : i32 to index
      %parallel_loop3A_549 = tpu.vector_load %arg17[%parallel_loop3A_547, %parallel_loop3A_548] {strides = array<i32>} : memref<8x1024xf32, #tpu.memory_space<vmem>>, vector<1x16xf32>,
      %parallel_loop3A_550 = vector.shape_cast %parallel_loop3A_549 : vector<1x16xf32> to vector<16xf32>
      %parallel_loop3A_551 = vector.shape_cast %parallel_loop3A_546 : vector<16xf32> to vector<1x16xf32>
      tpu.vector_store %arg17[%parallel_loop3A_547, %parallel_loop3A_548], %parallel_loop3A_551 {strides = array<i32>} : memref<8x1024xf32, #tpu.memory_space<vmem>>, vector<1x16xf32>,
    } {sc.loop_unroll_factor = 8 : i64, sc.parallel_access}
    %add3A_338 = arith.constant 72 : i32
    %add3A_339 = arith.addi %mul3A_2, %add3A_338 : i32
    %dma_start3A_340 = arith.constant 0 : i32
    %dma_start3A_341 = tpu.memref_slice %arg5[%add3A_339, %dma_start3A_340] : memref<4096x1024xf32, #tpu.memory_space<hbm>> -> memref<8x1024xf32, #tpu.memory_space<hbm>>
    %dma_start3A_342 = arith.constant 0 : i32
    %dma_start3A_343 = tpu.memref_slice %arg5[%add3A_339, %dma_start3A_342] : memref<4096x1024xf32, #tpu.memory_space<hbm>> -> memref<8x1024xf32, #tpu.memory_space<hbm>>
    tpu.enqueue_dma source(%arg17 : memref<8x1024xf32, #tpu.memory_space<vmem>>) target(%dma_start3A_343 : memref<8x1024xf32, #tpu.memory_space<hbm>>) target_semaphore(%arg25 : memref<!tpu.dma_semaphore, #tpu.memory_space<semaphore_mem>>)
    %dma_wait3A_344 = arith.constant 80 : i32
    %dma_wait3A_345 = tpu.memref_slice %arg6[%dma_wait3A_344] : memref<128xi32, #tpu.memory_space<vmem>> -> memref<8xi32, #tpu.memory_space<vmem>>
    %dma_wait3A_346 = arith.constant 0 : i32
    %dma_wait3A_347 = arith.constant 0 : i32
    %dma_wait3A_348 = tpu.memref_slice %arg2[%dma_wait3A_346, %dma_wait3A_347] : memref<32768x1024xf32, #tpu.memory_space<hbm>> -> memref<32768x1024xf32, #tpu.memory_space<hbm>>
    tpu.wait_indirect_dma semaphore(%arg22 : memref<!tpu.dma_semaphore, #tpu.memory_space<semaphore_mem>>) src(%dma_wait3A_348 : memref<32768x1024xf32, #tpu.memory_space<hbm>>) dst(%arg10 : memref<8x1024xf32, #tpu.memory_space<vmem>>)
    %dma_wait3A_349 = arith.constant 80 : i32
    %dma_wait3A_350 = tpu.memref_slice %arg7[%dma_wait3A_349] : memref<128xi32, #tpu.memory_space<vmem>> -> memref<8xi32, #tpu.memory_space<vmem>>
    %dma_wait3A_351 = arith.constant 0 : i32
    %dma_wait3A_352 = arith.constant 0 : i32
    %dma_wait3A_353 = tpu.memref_slice %arg2[%dma_wait3A_351, %dma_wait3A_352] : memref<32768x1024xf32, #tpu.memory_space<hbm>> -> memref<32768x1024xf32, #tpu.memory_space<hbm>>
    tpu.wait_indirect_dma semaphore(%arg22 : memref<!tpu.dma_semaphore, #tpu.memory_space<semaphore_mem>>) src(%dma_wait3A_353 : memref<32768x1024xf32, #tpu.memory_space<hbm>>) dst(%arg14 : memref<8x1024xf32, #tpu.memory_space<vmem>>)
    %dma_wait3A_354 = arith.constant 0 : i32
    %dma_wait3A_355 = tpu.memref_slice %arg5[%add3A_240, %dma_wait3A_354] : memref<4096x1024xf32, #tpu.memory_space<hbm>> -> memref<8x1024xf32, #tpu.memory_space<hbm>>
    %dma_wait3A_356 = arith.constant 0 : i32
    %dma_wait3A_357 = tpu.memref_slice %arg5[%add3A_240, %dma_wait3A_356] : memref<4096x1024xf32, #tpu.memory_space<hbm>> -> memref<8x1024xf32, #tpu.memory_space<hbm>>
    tpu.wait_dma2 semaphore(%arg26 : memref<!tpu.dma_semaphore, #tpu.memory_space<semaphore_mem>>) src(%arg18 : memref<8x1024xf32, #tpu.memory_space<vmem>>) dst(%dma_wait3A_357 : memref<8x1024xf32, #tpu.memory_space<hbm>>)
    %dma_start3A_358 = arith.constant 104 : i32
    %dma_start3A_359 = tpu.memref_slice %arg6[%dma_start3A_358] : memref<128xi32, #tpu.memory_space<vmem>> -> memref<8xi32, #tpu.memory_space<vmem>>
    %dma_start3A_360 = arith.constant 0 : i32
    %dma_start3A_361 = arith.constant 0 : i32
    %dma_start3A_362 = tpu.memref_slice %arg2[%dma_start3A_360, %dma_start3A_361] : memref<32768x1024xf32, #tpu.memory_space<hbm>> -> memref<32768x1024xf32, #tpu.memory_space<hbm>>
    tpu.enqueue_indirect_dma source(%dma_start3A_362 : memref<32768x1024xf32, #tpu.memory_space<hbm>>) target(%arg9 : memref<8x1024xf32, #tpu.memory_space<vmem>>) offsets(%dma_start3A_359 : memref<8xi32, #tpu.memory_space<vmem>>) semaphore(%arg21 : memref<!tpu.dma_semaphore, #tpu.memory_space<semaphore_mem>>)
    %dma_start3A_363 = arith.constant 104 : i32
    %dma_start3A_364 = tpu.memref_slice %arg7[%dma_start3A_363] : memref<128xi32, #tpu.memory_space<vmem>> -> memref<8xi32, #tpu.memory_space<vmem>>
    %dma_start3A_365 = arith.constant 0 : i32
    %dma_start3A_366 = arith.constant 0 : i32
    %dma_start3A_367 = tpu.memref_slice %arg2[%dma_start3A_365, %dma_start3A_366] : memref<32768x1024xf32, #tpu.memory_space<hbm>> -> memref<32768x1024xf32, #tpu.memory_space<hbm>>
    tpu.enqueue_indirect_dma source(%dma_start3A_367 : memref<32768x1024xf32, #tpu.memory_space<hbm>>) target(%arg13 : memref<8x1024xf32, #tpu.memory_space<vmem>>) offsets(%dma_start3A_364 : memref<8xi32, #tpu.memory_space<vmem>>) semaphore(%arg21 : memref<!tpu.dma_semaphore, #tpu.memory_space<semaphore_mem>>)
    %parallel_loop3A_368 = arith.constant 0 : i32
    %parallel_loop3A_369 = arith.constant 512 : i32
    %parallel_loop3A_370 = arith.constant 1 : i32
    scf.for %parallel_loop3A_528 = %parallel_loop3A_368 to %parallel_loop3A_369 step %parallel_loop3A_370  : i32 {
      %parallel_loop3A_529 = arith.constant 6 : i32
      %parallel_loop3A_530 = arith.shrsi %parallel_loop3A_528, %parallel_loop3A_529 : i32
      %parallel_loop3A_531 = arith.constant 63 : i32
      %parallel_loop3A_532 = arith.andi %parallel_loop3A_528, %parallel_loop3A_531 : i32
      %parallel_loop3A_533 = arith.constant 16 : i32
      %parallel_loop3A_534 = arith.muli %parallel_loop3A_532, %parallel_loop3A_533 : i32
      %parallel_loop3A_535 = arith.index_cast %parallel_loop3A_530 : i32 to index
      %parallel_loop3A_536 = arith.index_cast %parallel_loop3A_534 : i32 to index
      %parallel_loop3A_537 = tpu.vector_load %arg10[%parallel_loop3A_535, %parallel_loop3A_536] {strides = array<i32>} : memref<8x1024xf32, #tpu.memory_space<vmem>>, vector<1x16xf32>,
      %parallel_loop3A_538 = vector.shape_cast %parallel_loop3A_537 : vector<1x16xf32> to vector<16xf32>
      %parallel_loop3A_539 = arith.index_cast %parallel_loop3A_530 : i32 to index
      %parallel_loop3A_540 = arith.index_cast %parallel_loop3A_534 : i32 to index
      %parallel_loop3A_541 = tpu.vector_load %arg14[%parallel_loop3A_539, %parallel_loop3A_540] {strides = array<i32>} : memref<8x1024xf32, #tpu.memory_space<vmem>>, vector<1x16xf32>,
      %parallel_loop3A_542 = vector.shape_cast %parallel_loop3A_541 : vector<1x16xf32> to vector<16xf32>
      %parallel_loop3A_543 = arith.addf %parallel_loop3A_538, %parallel_loop3A_542 : vector<16xf32>
      %parallel_loop3A_544 = arith.constant 5.000000e-01 : f32
      %parallel_loop3A_545 = vector.broadcast %parallel_loop3A_544 : f32 to vector<16xf32>
      %parallel_loop3A_546 = arith.mulf %parallel_loop3A_543, %parallel_loop3A_545 : vector<16xf32>
      %parallel_loop3A_547 = arith.index_cast %parallel_loop3A_530 : i32 to index
      %parallel_loop3A_548 = arith.index_cast %parallel_loop3A_534 : i32 to index
      %parallel_loop3A_549 = tpu.vector_load %arg18[%parallel_loop3A_547, %parallel_loop3A_548] {strides = array<i32>} : memref<8x1024xf32, #tpu.memory_space<vmem>>, vector<1x16xf32>,
      %parallel_loop3A_550 = vector.shape_cast %parallel_loop3A_549 : vector<1x16xf32> to vector<16xf32>
      %parallel_loop3A_551 = vector.shape_cast %parallel_loop3A_546 : vector<16xf32> to vector<1x16xf32>
      tpu.vector_store %arg18[%parallel_loop3A_547, %parallel_loop3A_548], %parallel_loop3A_551 {strides = array<i32>} : memref<8x1024xf32, #tpu.memory_space<vmem>>, vector<1x16xf32>,
    } {sc.loop_unroll_factor = 8 : i64, sc.parallel_access}
    %add3A_371 = arith.constant 80 : i32
    %add3A_372 = arith.addi %mul3A_2, %add3A_371 : i32
    %dma_start3A_373 = arith.constant 0 : i32
    %dma_start3A_374 = tpu.memref_slice %arg5[%add3A_372, %dma_start3A_373] : memref<4096x1024xf32, #tpu.memory_space<hbm>> -> memref<8x1024xf32, #tpu.memory_space<hbm>>
    %dma_start3A_375 = arith.constant 0 : i32
    %dma_start3A_376 = tpu.memref_slice %arg5[%add3A_372, %dma_start3A_375] : memref<4096x1024xf32, #tpu.memory_space<hbm>> -> memref<8x1024xf32, #tpu.memory_space<hbm>>
    tpu.enqueue_dma source(%arg18 : memref<8x1024xf32, #tpu.memory_space<vmem>>) target(%dma_start3A_376 : memref<8x1024xf32, #tpu.memory_space<hbm>>) target_semaphore(%arg26 : memref<!tpu.dma_semaphore, #tpu.memory_space<semaphore_mem>>)
    %dma_wait3A_377 = arith.constant 88 : i32
    %dma_wait3A_378 = tpu.memref_slice %arg6[%dma_wait3A_377] : memref<128xi32, #tpu.memory_space<vmem>> -> memref<8xi32, #tpu.memory_space<vmem>>
    %dma_wait3A_379 = arith.constant 0 : i32
    %dma_wait3A_380 = arith.constant 0 : i32
    %dma_wait3A_381 = tpu.memref_slice %arg2[%dma_wait3A_379, %dma_wait3A_380] : memref<32768x1024xf32, #tpu.memory_space<hbm>> -> memref<32768x1024xf32, #tpu.memory_space<hbm>>
    tpu.wait_indirect_dma semaphore(%arg23 : memref<!tpu.dma_semaphore, #tpu.memory_space<semaphore_mem>>) src(%dma_wait3A_381 : memref<32768x1024xf32, #tpu.memory_space<hbm>>) dst(%arg11 : memref<8x1024xf32, #tpu.memory_space<vmem>>)
    %dma_wait3A_382 = arith.constant 88 : i32
    %dma_wait3A_383 = tpu.memref_slice %arg7[%dma_wait3A_382] : memref<128xi32, #tpu.memory_space<vmem>> -> memref<8xi32, #tpu.memory_space<vmem>>
    %dma_wait3A_384 = arith.constant 0 : i32
    %dma_wait3A_385 = arith.constant 0 : i32
    %dma_wait3A_386 = tpu.memref_slice %arg2[%dma_wait3A_384, %dma_wait3A_385] : memref<32768x1024xf32, #tpu.memory_space<hbm>> -> memref<32768x1024xf32, #tpu.memory_space<hbm>>
    tpu.wait_indirect_dma semaphore(%arg23 : memref<!tpu.dma_semaphore, #tpu.memory_space<semaphore_mem>>) src(%dma_wait3A_386 : memref<32768x1024xf32, #tpu.memory_space<hbm>>) dst(%arg15 : memref<8x1024xf32, #tpu.memory_space<vmem>>)
    %dma_wait3A_387 = arith.constant 0 : i32
    %dma_wait3A_388 = tpu.memref_slice %arg5[%add3A_273, %dma_wait3A_387] : memref<4096x1024xf32, #tpu.memory_space<hbm>> -> memref<8x1024xf32, #tpu.memory_space<hbm>>
    %dma_wait3A_389 = arith.constant 0 : i32
    %dma_wait3A_390 = tpu.memref_slice %arg5[%add3A_273, %dma_wait3A_389] : memref<4096x1024xf32, #tpu.memory_space<hbm>> -> memref<8x1024xf32, #tpu.memory_space<hbm>>
    tpu.wait_dma2 semaphore(%arg27 : memref<!tpu.dma_semaphore, #tpu.memory_space<semaphore_mem>>) src(%arg19 : memref<8x1024xf32, #tpu.memory_space<vmem>>) dst(%dma_wait3A_390 : memref<8x1024xf32, #tpu.memory_space<hbm>>)
    %dma_start3A_391 = arith.constant 112 : i32
    %dma_start3A_392 = tpu.memref_slice %arg6[%dma_start3A_391] : memref<128xi32, #tpu.memory_space<vmem>> -> memref<8xi32, #tpu.memory_space<vmem>>
    %dma_start3A_393 = arith.constant 0 : i32
    %dma_start3A_394 = arith.constant 0 : i32
    %dma_start3A_395 = tpu.memref_slice %arg2[%dma_start3A_393, %dma_start3A_394] : memref<32768x1024xf32, #tpu.memory_space<hbm>> -> memref<32768x1024xf32, #tpu.memory_space<hbm>>
    tpu.enqueue_indirect_dma source(%dma_start3A_395 : memref<32768x1024xf32, #tpu.memory_space<hbm>>) target(%arg10 : memref<8x1024xf32, #tpu.memory_space<vmem>>) offsets(%dma_start3A_392 : memref<8xi32, #tpu.memory_space<vmem>>) semaphore(%arg22 : memref<!tpu.dma_semaphore, #tpu.memory_space<semaphore_mem>>)
    %dma_start3A_396 = arith.constant 112 : i32
    %dma_start3A_397 = tpu.memref_slice %arg7[%dma_start3A_396] : memref<128xi32, #tpu.memory_space<vmem>> -> memref<8xi32, #tpu.memory_space<vmem>>
    %dma_start3A_398 = arith.constant 0 : i32
    %dma_start3A_399 = arith.constant 0 : i32
    %dma_start3A_400 = tpu.memref_slice %arg2[%dma_start3A_398, %dma_start3A_399] : memref<32768x1024xf32, #tpu.memory_space<hbm>> -> memref<32768x1024xf32, #tpu.memory_space<hbm>>
    tpu.enqueue_indirect_dma source(%dma_start3A_400 : memref<32768x1024xf32, #tpu.memory_space<hbm>>) target(%arg14 : memref<8x1024xf32, #tpu.memory_space<vmem>>) offsets(%dma_start3A_397 : memref<8xi32, #tpu.memory_space<vmem>>) semaphore(%arg22 : memref<!tpu.dma_semaphore, #tpu.memory_space<semaphore_mem>>)
    %parallel_loop3A_401 = arith.constant 0 : i32
    %parallel_loop3A_402 = arith.constant 512 : i32
    %parallel_loop3A_403 = arith.constant 1 : i32
    scf.for %parallel_loop3A_528 = %parallel_loop3A_401 to %parallel_loop3A_402 step %parallel_loop3A_403  : i32 {
      %parallel_loop3A_529 = arith.constant 6 : i32
      %parallel_loop3A_530 = arith.shrsi %parallel_loop3A_528, %parallel_loop3A_529 : i32
      %parallel_loop3A_531 = arith.constant 63 : i32
      %parallel_loop3A_532 = arith.andi %parallel_loop3A_528, %parallel_loop3A_531 : i32
      %parallel_loop3A_533 = arith.constant 16 : i32
      %parallel_loop3A_534 = arith.muli %parallel_loop3A_532, %parallel_loop3A_533 : i32
      %parallel_loop3A_535 = arith.index_cast %parallel_loop3A_530 : i32 to index
      %parallel_loop3A_536 = arith.index_cast %parallel_loop3A_534 : i32 to index
      %parallel_loop3A_537 = tpu.vector_load %arg11[%parallel_loop3A_535, %parallel_loop3A_536] {strides = array<i32>} : memref<8x1024xf32, #tpu.memory_space<vmem>>, vector<1x16xf32>,
      %parallel_loop3A_538 = vector.shape_cast %parallel_loop3A_537 : vector<1x16xf32> to vector<16xf32>
      %parallel_loop3A_539 = arith.index_cast %parallel_loop3A_530 : i32 to index
      %parallel_loop3A_540 = arith.index_cast %parallel_loop3A_534 : i32 to index
      %parallel_loop3A_541 = tpu.vector_load %arg15[%parallel_loop3A_539, %parallel_loop3A_540] {strides = array<i32>} : memref<8x1024xf32, #tpu.memory_space<vmem>>, vector<1x16xf32>,
      %parallel_loop3A_542 = vector.shape_cast %parallel_loop3A_541 : vector<1x16xf32> to vector<16xf32>
      %parallel_loop3A_543 = arith.addf %parallel_loop3A_538, %parallel_loop3A_542 : vector<16xf32>
      %parallel_loop3A_544 = arith.constant 5.000000e-01 : f32
      %parallel_loop3A_545 = vector.broadcast %parallel_loop3A_544 : f32 to vector<16xf32>
      %parallel_loop3A_546 = arith.mulf %parallel_loop3A_543, %parallel_loop3A_545 : vector<16xf32>
      %parallel_loop3A_547 = arith.index_cast %parallel_loop3A_530 : i32 to index
      %parallel_loop3A_548 = arith.index_cast %parallel_loop3A_534 : i32 to index
      %parallel_loop3A_549 = tpu.vector_load %arg19[%parallel_loop3A_547, %parallel_loop3A_548] {strides = array<i32>} : memref<8x1024xf32, #tpu.memory_space<vmem>>, vector<1x16xf32>,
      %parallel_loop3A_550 = vector.shape_cast %parallel_loop3A_549 : vector<1x16xf32> to vector<16xf32>
      %parallel_loop3A_551 = vector.shape_cast %parallel_loop3A_546 : vector<16xf32> to vector<1x16xf32>
      tpu.vector_store %arg19[%parallel_loop3A_547, %parallel_loop3A_548], %parallel_loop3A_551 {strides = array<i32>} : memref<8x1024xf32, #tpu.memory_space<vmem>>, vector<1x16xf32>,
    } {sc.loop_unroll_factor = 8 : i64, sc.parallel_access}
    %add3A_404 = arith.constant 88 : i32
    %add3A_405 = arith.addi %mul3A_2, %add3A_404 : i32
    %dma_start3A_406 = arith.constant 0 : i32
    %dma_start3A_407 = tpu.memref_slice %arg5[%add3A_405, %dma_start3A_406] : memref<4096x1024xf32, #tpu.memory_space<hbm>> -> memref<8x1024xf32, #tpu.memory_space<hbm>>
    %dma_start3A_408 = arith.constant 0 : i32
    %dma_start3A_409 = tpu.memref_slice %arg5[%add3A_405, %dma_start3A_408] : memref<4096x1024xf32, #tpu.memory_space<hbm>> -> memref<8x1024xf32, #tpu.memory_space<hbm>>
    tpu.enqueue_dma source(%arg19 : memref<8x1024xf32, #tpu.memory_space<vmem>>) target(%dma_start3A_409 : memref<8x1024xf32, #tpu.memory_space<hbm>>) target_semaphore(%arg27 : memref<!tpu.dma_semaphore, #tpu.memory_space<semaphore_mem>>)
    %dma_wait3A_410 = arith.constant 96 : i32
    %dma_wait3A_411 = tpu.memref_slice %arg6[%dma_wait3A_410] : memref<128xi32, #tpu.memory_space<vmem>> -> memref<8xi32, #tpu.memory_space<vmem>>
    %dma_wait3A_412 = arith.constant 0 : i32
    %dma_wait3A_413 = arith.constant 0 : i32
    %dma_wait3A_414 = tpu.memref_slice %arg2[%dma_wait3A_412, %dma_wait3A_413] : memref<32768x1024xf32, #tpu.memory_space<hbm>> -> memref<32768x1024xf32, #tpu.memory_space<hbm>>
    tpu.wait_indirect_dma semaphore(%arg20 : memref<!tpu.dma_semaphore, #tpu.memory_space<semaphore_mem>>) src(%dma_wait3A_414 : memref<32768x1024xf32, #tpu.memory_space<hbm>>) dst(%arg8 : memref<8x1024xf32, #tpu.memory_space<vmem>>)
    %dma_wait3A_415 = arith.constant 96 : i32
    %dma_wait3A_416 = tpu.memref_slice %arg7[%dma_wait3A_415] : memref<128xi32, #tpu.memory_space<vmem>> -> memref<8xi32, #tpu.memory_space<vmem>>
    %dma_wait3A_417 = arith.constant 0 : i32
    %dma_wait3A_418 = arith.constant 0 : i32
    %dma_wait3A_419 = tpu.memref_slice %arg2[%dma_wait3A_417, %dma_wait3A_418] : memref<32768x1024xf32, #tpu.memory_space<hbm>> -> memref<32768x1024xf32, #tpu.memory_space<hbm>>
    tpu.wait_indirect_dma semaphore(%arg20 : memref<!tpu.dma_semaphore, #tpu.memory_space<semaphore_mem>>) src(%dma_wait3A_419 : memref<32768x1024xf32, #tpu.memory_space<hbm>>) dst(%arg12 : memref<8x1024xf32, #tpu.memory_space<vmem>>)
    %dma_wait3A_420 = arith.constant 0 : i32
    %dma_wait3A_421 = tpu.memref_slice %arg5[%add3A_306, %dma_wait3A_420] : memref<4096x1024xf32, #tpu.memory_space<hbm>> -> memref<8x1024xf32, #tpu.memory_space<hbm>>
    %dma_wait3A_422 = arith.constant 0 : i32
    %dma_wait3A_423 = tpu.memref_slice %arg5[%add3A_306, %dma_wait3A_422] : memref<4096x1024xf32, #tpu.memory_space<hbm>> -> memref<8x1024xf32, #tpu.memory_space<hbm>>
    tpu.wait_dma2 semaphore(%arg24 : memref<!tpu.dma_semaphore, #tpu.memory_space<semaphore_mem>>) src(%arg16 : memref<8x1024xf32, #tpu.memory_space<vmem>>) dst(%dma_wait3A_423 : memref<8x1024xf32, #tpu.memory_space<hbm>>)
    %dma_start3A_424 = arith.constant 120 : i32
    %dma_start3A_425 = tpu.memref_slice %arg6[%dma_start3A_424] : memref<128xi32, #tpu.memory_space<vmem>> -> memref<8xi32, #tpu.memory_space<vmem>>
    %dma_start3A_426 = arith.constant 0 : i32
    %dma_start3A_427 = arith.constant 0 : i32
    %dma_start3A_428 = tpu.memref_slice %arg2[%dma_start3A_426, %dma_start3A_427] : memref<32768x1024xf32, #tpu.memory_space<hbm>> -> memref<32768x1024xf32, #tpu.memory_space<hbm>>
    tpu.enqueue_indirect_dma source(%dma_start3A_428 : memref<32768x1024xf32, #tpu.memory_space<hbm>>) target(%arg11 : memref<8x1024xf32, #tpu.memory_space<vmem>>) offsets(%dma_start3A_425 : memref<8xi32, #tpu.memory_space<vmem>>) semaphore(%arg23 : memref<!tpu.dma_semaphore, #tpu.memory_space<semaphore_mem>>)
    %dma_start3A_429 = arith.constant 120 : i32
    %dma_start3A_430 = tpu.memref_slice %arg7[%dma_start3A_429] : memref<128xi32, #tpu.memory_space<vmem>> -> memref<8xi32, #tpu.memory_space<vmem>>
    %dma_start3A_431 = arith.constant 0 : i32
    %dma_start3A_432 = arith.constant 0 : i32
    %dma_start3A_433 = tpu.memref_slice %arg2[%dma_start3A_431, %dma_start3A_432] : memref<32768x1024xf32, #tpu.memory_space<hbm>> -> memref<32768x1024xf32, #tpu.memory_space<hbm>>
    tpu.enqueue_indirect_dma source(%dma_start3A_433 : memref<32768x1024xf32, #tpu.memory_space<hbm>>) target(%arg15 : memref<8x1024xf32, #tpu.memory_space<vmem>>) offsets(%dma_start3A_430 : memref<8xi32, #tpu.memory_space<vmem>>) semaphore(%arg23 : memref<!tpu.dma_semaphore, #tpu.memory_space<semaphore_mem>>)
    %parallel_loop3A_434 = arith.constant 0 : i32
    %parallel_loop3A_435 = arith.constant 512 : i32
    %parallel_loop3A_436 = arith.constant 1 : i32
    scf.for %parallel_loop3A_528 = %parallel_loop3A_434 to %parallel_loop3A_435 step %parallel_loop3A_436  : i32 {
      %parallel_loop3A_529 = arith.constant 6 : i32
      %parallel_loop3A_530 = arith.shrsi %parallel_loop3A_528, %parallel_loop3A_529 : i32
      %parallel_loop3A_531 = arith.constant 63 : i32
      %parallel_loop3A_532 = arith.andi %parallel_loop3A_528, %parallel_loop3A_531 : i32
      %parallel_loop3A_533 = arith.constant 16 : i32
      %parallel_loop3A_534 = arith.muli %parallel_loop3A_532, %parallel_loop3A_533 : i32
      %parallel_loop3A_535 = arith.index_cast %parallel_loop3A_530 : i32 to index
      %parallel_loop3A_536 = arith.index_cast %parallel_loop3A_534 : i32 to index
      %parallel_loop3A_537 = tpu.vector_load %arg8[%parallel_loop3A_535, %parallel_loop3A_536] {strides = array<i32>} : memref<8x1024xf32, #tpu.memory_space<vmem>>, vector<1x16xf32>,
      %parallel_loop3A_538 = vector.shape_cast %parallel_loop3A_537 : vector<1x16xf32> to vector<16xf32>
      %parallel_loop3A_539 = arith.index_cast %parallel_loop3A_530 : i32 to index
      %parallel_loop3A_540 = arith.index_cast %parallel_loop3A_534 : i32 to index
      %parallel_loop3A_541 = tpu.vector_load %arg12[%parallel_loop3A_539, %parallel_loop3A_540] {strides = array<i32>} : memref<8x1024xf32, #tpu.memory_space<vmem>>, vector<1x16xf32>,
      %parallel_loop3A_542 = vector.shape_cast %parallel_loop3A_541 : vector<1x16xf32> to vector<16xf32>
      %parallel_loop3A_543 = arith.addf %parallel_loop3A_538, %parallel_loop3A_542 : vector<16xf32>
      %parallel_loop3A_544 = arith.constant 5.000000e-01 : f32
      %parallel_loop3A_545 = vector.broadcast %parallel_loop3A_544 : f32 to vector<16xf32>
      %parallel_loop3A_546 = arith.mulf %parallel_loop3A_543, %parallel_loop3A_545 : vector<16xf32>
      %parallel_loop3A_547 = arith.index_cast %parallel_loop3A_530 : i32 to index
      %parallel_loop3A_548 = arith.index_cast %parallel_loop3A_534 : i32 to index
      %parallel_loop3A_549 = tpu.vector_load %arg16[%parallel_loop3A_547, %parallel_loop3A_548] {strides = array<i32>} : memref<8x1024xf32, #tpu.memory_space<vmem>>, vector<1x16xf32>,
      %parallel_loop3A_550 = vector.shape_cast %parallel_loop3A_549 : vector<1x16xf32> to vector<16xf32>
      %parallel_loop3A_551 = vector.shape_cast %parallel_loop3A_546 : vector<16xf32> to vector<1x16xf32>
      tpu.vector_store %arg16[%parallel_loop3A_547, %parallel_loop3A_548], %parallel_loop3A_551 {strides = array<i32>} : memref<8x1024xf32, #tpu.memory_space<vmem>>, vector<1x16xf32>,
    } {sc.loop_unroll_factor = 8 : i64, sc.parallel_access}
    %add3A_437 = arith.constant 96 : i32
    %add3A_438 = arith.addi %mul3A_2, %add3A_437 : i32
    %dma_start3A_439 = arith.constant 0 : i32
    %dma_start3A_440 = tpu.memref_slice %arg5[%add3A_438, %dma_start3A_439] : memref<4096x1024xf32, #tpu.memory_space<hbm>> -> memref<8x1024xf32, #tpu.memory_space<hbm>>
    %dma_start3A_441 = arith.constant 0 : i32
    %dma_start3A_442 = tpu.memref_slice %arg5[%add3A_438, %dma_start3A_441] : memref<4096x1024xf32, #tpu.memory_space<hbm>> -> memref<8x1024xf32, #tpu.memory_space<hbm>>
    tpu.enqueue_dma source(%arg16 : memref<8x1024xf32, #tpu.memory_space<vmem>>) target(%dma_start3A_442 : memref<8x1024xf32, #tpu.memory_space<hbm>>) target_semaphore(%arg24 : memref<!tpu.dma_semaphore, #tpu.memory_space<semaphore_mem>>)
    %dma_wait3A_443 = arith.constant 104 : i32
    %dma_wait3A_444 = tpu.memref_slice %arg6[%dma_wait3A_443] : memref<128xi32, #tpu.memory_space<vmem>> -> memref<8xi32, #tpu.memory_space<vmem>>
    %dma_wait3A_445 = arith.constant 0 : i32
    %dma_wait3A_446 = arith.constant 0 : i32
    %dma_wait3A_447 = tpu.memref_slice %arg2[%dma_wait3A_445, %dma_wait3A_446] : memref<32768x1024xf32, #tpu.memory_space<hbm>> -> memref<32768x1024xf32, #tpu.memory_space<hbm>>
    tpu.wait_indirect_dma semaphore(%arg21 : memref<!tpu.dma_semaphore, #tpu.memory_space<semaphore_mem>>) src(%dma_wait3A_447 : memref<32768x1024xf32, #tpu.memory_space<hbm>>) dst(%arg9 : memref<8x1024xf32, #tpu.memory_space<vmem>>)
    %dma_wait3A_448 = arith.constant 104 : i32
    %dma_wait3A_449 = tpu.memref_slice %arg7[%dma_wait3A_448] : memref<128xi32, #tpu.memory_space<vmem>> -> memref<8xi32, #tpu.memory_space<vmem>>
    %dma_wait3A_450 = arith.constant 0 : i32
    %dma_wait3A_451 = arith.constant 0 : i32
    %dma_wait3A_452 = tpu.memref_slice %arg2[%dma_wait3A_450, %dma_wait3A_451] : memref<32768x1024xf32, #tpu.memory_space<hbm>> -> memref<32768x1024xf32, #tpu.memory_space<hbm>>
    tpu.wait_indirect_dma semaphore(%arg21 : memref<!tpu.dma_semaphore, #tpu.memory_space<semaphore_mem>>) src(%dma_wait3A_452 : memref<32768x1024xf32, #tpu.memory_space<hbm>>) dst(%arg13 : memref<8x1024xf32, #tpu.memory_space<vmem>>)
    %dma_wait3A_453 = arith.constant 0 : i32
    %dma_wait3A_454 = tpu.memref_slice %arg5[%add3A_339, %dma_wait3A_453] : memref<4096x1024xf32, #tpu.memory_space<hbm>> -> memref<8x1024xf32, #tpu.memory_space<hbm>>
    %dma_wait3A_455 = arith.constant 0 : i32
    %dma_wait3A_456 = tpu.memref_slice %arg5[%add3A_339, %dma_wait3A_455] : memref<4096x1024xf32, #tpu.memory_space<hbm>> -> memref<8x1024xf32, #tpu.memory_space<hbm>>
    tpu.wait_dma2 semaphore(%arg25 : memref<!tpu.dma_semaphore, #tpu.memory_space<semaphore_mem>>) src(%arg17 : memref<8x1024xf32, #tpu.memory_space<vmem>>) dst(%dma_wait3A_456 : memref<8x1024xf32, #tpu.memory_space<hbm>>)
    %parallel_loop3A_457 = arith.constant 0 : i32
    %parallel_loop3A_458 = arith.constant 512 : i32
    %parallel_loop3A_459 = arith.constant 1 : i32
    scf.for %parallel_loop3A_528 = %parallel_loop3A_457 to %parallel_loop3A_458 step %parallel_loop3A_459  : i32 {
      %parallel_loop3A_529 = arith.constant 6 : i32
      %parallel_loop3A_530 = arith.shrsi %parallel_loop3A_528, %parallel_loop3A_529 : i32
      %parallel_loop3A_531 = arith.constant 63 : i32
      %parallel_loop3A_532 = arith.andi %parallel_loop3A_528, %parallel_loop3A_531 : i32
      %parallel_loop3A_533 = arith.constant 16 : i32
      %parallel_loop3A_534 = arith.muli %parallel_loop3A_532, %parallel_loop3A_533 : i32
      %parallel_loop3A_535 = arith.index_cast %parallel_loop3A_530 : i32 to index
      %parallel_loop3A_536 = arith.index_cast %parallel_loop3A_534 : i32 to index
      %parallel_loop3A_537 = tpu.vector_load %arg9[%parallel_loop3A_535, %parallel_loop3A_536] {strides = array<i32>} : memref<8x1024xf32, #tpu.memory_space<vmem>>, vector<1x16xf32>,
      %parallel_loop3A_538 = vector.shape_cast %parallel_loop3A_537 : vector<1x16xf32> to vector<16xf32>
      %parallel_loop3A_539 = arith.index_cast %parallel_loop3A_530 : i32 to index
      %parallel_loop3A_540 = arith.index_cast %parallel_loop3A_534 : i32 to index
      %parallel_loop3A_541 = tpu.vector_load %arg13[%parallel_loop3A_539, %parallel_loop3A_540] {strides = array<i32>} : memref<8x1024xf32, #tpu.memory_space<vmem>>, vector<1x16xf32>,
      %parallel_loop3A_542 = vector.shape_cast %parallel_loop3A_541 : vector<1x16xf32> to vector<16xf32>
      %parallel_loop3A_543 = arith.addf %parallel_loop3A_538, %parallel_loop3A_542 : vector<16xf32>
      %parallel_loop3A_544 = arith.constant 5.000000e-01 : f32
      %parallel_loop3A_545 = vector.broadcast %parallel_loop3A_544 : f32 to vector<16xf32>
      %parallel_loop3A_546 = arith.mulf %parallel_loop3A_543, %parallel_loop3A_545 : vector<16xf32>
      %parallel_loop3A_547 = arith.index_cast %parallel_loop3A_530 : i32 to index
      %parallel_loop3A_548 = arith.index_cast %parallel_loop3A_534 : i32 to index
      %parallel_loop3A_549 = tpu.vector_load %arg17[%parallel_loop3A_547, %parallel_loop3A_548] {strides = array<i32>} : memref<8x1024xf32, #tpu.memory_space<vmem>>, vector<1x16xf32>,
      %parallel_loop3A_550 = vector.shape_cast %parallel_loop3A_549 : vector<1x16xf32> to vector<16xf32>
      %parallel_loop3A_551 = vector.shape_cast %parallel_loop3A_546 : vector<16xf32> to vector<1x16xf32>
      tpu.vector_store %arg17[%parallel_loop3A_547, %parallel_loop3A_548], %parallel_loop3A_551 {strides = array<i32>} : memref<8x1024xf32, #tpu.memory_space<vmem>>, vector<1x16xf32>,
    } {sc.loop_unroll_factor = 8 : i64, sc.parallel_access}
    %add3A_460 = arith.constant 104 : i32
    %add3A_461 = arith.addi %mul3A_2, %add3A_460 : i32
    %dma_start3A_462 = arith.constant 0 : i32
    %dma_start3A_463 = tpu.memref_slice %arg5[%add3A_461, %dma_start3A_462] : memref<4096x1024xf32, #tpu.memory_space<hbm>> -> memref<8x1024xf32, #tpu.memory_space<hbm>>
    %dma_start3A_464 = arith.constant 0 : i32
    %dma_start3A_465 = tpu.memref_slice %arg5[%add3A_461, %dma_start3A_464] : memref<4096x1024xf32, #tpu.memory_space<hbm>> -> memref<8x1024xf32, #tpu.memory_space<hbm>>
    tpu.enqueue_dma source(%arg17 : memref<8x1024xf32, #tpu.memory_space<vmem>>) target(%dma_start3A_465 : memref<8x1024xf32, #tpu.memory_space<hbm>>) target_semaphore(%arg25 : memref<!tpu.dma_semaphore, #tpu.memory_space<semaphore_mem>>)
    %dma_wait3A_466 = arith.constant 112 : i32
    %dma_wait3A_467 = tpu.memref_slice %arg6[%dma_wait3A_466] : memref<128xi32, #tpu.memory_space<vmem>> -> memref<8xi32, #tpu.memory_space<vmem>>
    %dma_wait3A_468 = arith.constant 0 : i32
    %dma_wait3A_469 = arith.constant 0 : i32
    %dma_wait3A_470 = tpu.memref_slice %arg2[%dma_wait3A_468, %dma_wait3A_469] : memref<32768x1024xf32, #tpu.memory_space<hbm>> -> memref<32768x1024xf32, #tpu.memory_space<hbm>>
    tpu.wait_indirect_dma semaphore(%arg22 : memref<!tpu.dma_semaphore, #tpu.memory_space<semaphore_mem>>) src(%dma_wait3A_470 : memref<32768x1024xf32, #tpu.memory_space<hbm>>) dst(%arg10 : memref<8x1024xf32, #tpu.memory_space<vmem>>)
    %dma_wait3A_471 = arith.constant 112 : i32
    %dma_wait3A_472 = tpu.memref_slice %arg7[%dma_wait3A_471] : memref<128xi32, #tpu.memory_space<vmem>> -> memref<8xi32, #tpu.memory_space<vmem>>
    %dma_wait3A_473 = arith.constant 0 : i32
    %dma_wait3A_474 = arith.constant 0 : i32
    %dma_wait3A_475 = tpu.memref_slice %arg2[%dma_wait3A_473, %dma_wait3A_474] : memref<32768x1024xf32, #tpu.memory_space<hbm>> -> memref<32768x1024xf32, #tpu.memory_space<hbm>>
    tpu.wait_indirect_dma semaphore(%arg22 : memref<!tpu.dma_semaphore, #tpu.memory_space<semaphore_mem>>) src(%dma_wait3A_475 : memref<32768x1024xf32, #tpu.memory_space<hbm>>) dst(%arg14 : memref<8x1024xf32, #tpu.memory_space<vmem>>)
    %dma_wait3A_476 = arith.constant 0 : i32
    %dma_wait3A_477 = tpu.memref_slice %arg5[%add3A_372, %dma_wait3A_476] : memref<4096x1024xf32, #tpu.memory_space<hbm>> -> memref<8x1024xf32, #tpu.memory_space<hbm>>
    %dma_wait3A_478 = arith.constant 0 : i32
    %dma_wait3A_479 = tpu.memref_slice %arg5[%add3A_372, %dma_wait3A_478] : memref<4096x1024xf32, #tpu.memory_space<hbm>> -> memref<8x1024xf32, #tpu.memory_space<hbm>>
    tpu.wait_dma2 semaphore(%arg26 : memref<!tpu.dma_semaphore, #tpu.memory_space<semaphore_mem>>) src(%arg18 : memref<8x1024xf32, #tpu.memory_space<vmem>>) dst(%dma_wait3A_479 : memref<8x1024xf32, #tpu.memory_space<hbm>>)
    %parallel_loop3A_480 = arith.constant 0 : i32
    %parallel_loop3A_481 = arith.constant 512 : i32
    %parallel_loop3A_482 = arith.constant 1 : i32
    scf.for %parallel_loop3A_528 = %parallel_loop3A_480 to %parallel_loop3A_481 step %parallel_loop3A_482  : i32 {
      %parallel_loop3A_529 = arith.constant 6 : i32
      %parallel_loop3A_530 = arith.shrsi %parallel_loop3A_528, %parallel_loop3A_529 : i32
      %parallel_loop3A_531 = arith.constant 63 : i32
      %parallel_loop3A_532 = arith.andi %parallel_loop3A_528, %parallel_loop3A_531 : i32
      %parallel_loop3A_533 = arith.constant 16 : i32
      %parallel_loop3A_534 = arith.muli %parallel_loop3A_532, %parallel_loop3A_533 : i32
      %parallel_loop3A_535 = arith.index_cast %parallel_loop3A_530 : i32 to index
      %parallel_loop3A_536 = arith.index_cast %parallel_loop3A_534 : i32 to index
      %parallel_loop3A_537 = tpu.vector_load %arg10[%parallel_loop3A_535, %parallel_loop3A_536] {strides = array<i32>} : memref<8x1024xf32, #tpu.memory_space<vmem>>, vector<1x16xf32>,
      %parallel_loop3A_538 = vector.shape_cast %parallel_loop3A_537 : vector<1x16xf32> to vector<16xf32>
      %parallel_loop3A_539 = arith.index_cast %parallel_loop3A_530 : i32 to index
      %parallel_loop3A_540 = arith.index_cast %parallel_loop3A_534 : i32 to index
      %parallel_loop3A_541 = tpu.vector_load %arg14[%parallel_loop3A_539, %parallel_loop3A_540] {strides = array<i32>} : memref<8x1024xf32, #tpu.memory_space<vmem>>, vector<1x16xf32>,
      %parallel_loop3A_542 = vector.shape_cast %parallel_loop3A_541 : vector<1x16xf32> to vector<16xf32>
      %parallel_loop3A_543 = arith.addf %parallel_loop3A_538, %parallel_loop3A_542 : vector<16xf32>
      %parallel_loop3A_544 = arith.constant 5.000000e-01 : f32
      %parallel_loop3A_545 = vector.broadcast %parallel_loop3A_544 : f32 to vector<16xf32>
      %parallel_loop3A_546 = arith.mulf %parallel_loop3A_543, %parallel_loop3A_545 : vector<16xf32>
      %parallel_loop3A_547 = arith.index_cast %parallel_loop3A_530 : i32 to index
      %parallel_loop3A_548 = arith.index_cast %parallel_loop3A_534 : i32 to index
      %parallel_loop3A_549 = tpu.vector_load %arg18[%parallel_loop3A_547, %parallel_loop3A_548] {strides = array<i32>} : memref<8x1024xf32, #tpu.memory_space<vmem>>, vector<1x16xf32>,
      %parallel_loop3A_550 = vector.shape_cast %parallel_loop3A_549 : vector<1x16xf32> to vector<16xf32>
      %parallel_loop3A_551 = vector.shape_cast %parallel_loop3A_546 : vector<16xf32> to vector<1x16xf32>
      tpu.vector_store %arg18[%parallel_loop3A_547, %parallel_loop3A_548], %parallel_loop3A_551 {strides = array<i32>} : memref<8x1024xf32, #tpu.memory_space<vmem>>, vector<1x16xf32>,
    } {sc.loop_unroll_factor = 8 : i64, sc.parallel_access}
    %add3A_483 = arith.constant 112 : i32
    %add3A_484 = arith.addi %mul3A_2, %add3A_483 : i32
    %dma_start3A_485 = arith.constant 0 : i32
    %dma_start3A_486 = tpu.memref_slice %arg5[%add3A_484, %dma_start3A_485] : memref<4096x1024xf32, #tpu.memory_space<hbm>> -> memref<8x1024xf32, #tpu.memory_space<hbm>>
    %dma_start3A_487 = arith.constant 0 : i32
    %dma_start3A_488 = tpu.memref_slice %arg5[%add3A_484, %dma_start3A_487] : memref<4096x1024xf32, #tpu.memory_space<hbm>> -> memref<8x1024xf32, #tpu.memory_space<hbm>>
    tpu.enqueue_dma source(%arg18 : memref<8x1024xf32, #tpu.memory_space<vmem>>) target(%dma_start3A_488 : memref<8x1024xf32, #tpu.memory_space<hbm>>) target_semaphore(%arg26 : memref<!tpu.dma_semaphore, #tpu.memory_space<semaphore_mem>>)
    %dma_wait3A_489 = arith.constant 120 : i32
    %dma_wait3A_490 = tpu.memref_slice %arg6[%dma_wait3A_489] : memref<128xi32, #tpu.memory_space<vmem>> -> memref<8xi32, #tpu.memory_space<vmem>>
    %dma_wait3A_491 = arith.constant 0 : i32
    %dma_wait3A_492 = arith.constant 0 : i32
    %dma_wait3A_493 = tpu.memref_slice %arg2[%dma_wait3A_491, %dma_wait3A_492] : memref<32768x1024xf32, #tpu.memory_space<hbm>> -> memref<32768x1024xf32, #tpu.memory_space<hbm>>
    tpu.wait_indirect_dma semaphore(%arg23 : memref<!tpu.dma_semaphore, #tpu.memory_space<semaphore_mem>>) src(%dma_wait3A_493 : memref<32768x1024xf32, #tpu.memory_space<hbm>>) dst(%arg11 : memref<8x1024xf32, #tpu.memory_space<vmem>>)
    %dma_wait3A_494 = arith.constant 120 : i32
    %dma_wait3A_495 = tpu.memref_slice %arg7[%dma_wait3A_494] : memref<128xi32, #tpu.memory_space<vmem>> -> memref<8xi32, #tpu.memory_space<vmem>>
    %dma_wait3A_496 = arith.constant 0 : i32
    %dma_wait3A_497 = arith.constant 0 : i32
    %dma_wait3A_498 = tpu.memref_slice %arg2[%dma_wait3A_496, %dma_wait3A_497] : memref<32768x1024xf32, #tpu.memory_space<hbm>> -> memref<32768x1024xf32, #tpu.memory_space<hbm>>
    tpu.wait_indirect_dma semaphore(%arg23 : memref<!tpu.dma_semaphore, #tpu.memory_space<semaphore_mem>>) src(%dma_wait3A_498 : memref<32768x1024xf32, #tpu.memory_space<hbm>>) dst(%arg15 : memref<8x1024xf32, #tpu.memory_space<vmem>>)
    %dma_wait3A_499 = arith.constant 0 : i32
    %dma_wait3A_500 = tpu.memref_slice %arg5[%add3A_405, %dma_wait3A_499] : memref<4096x1024xf32, #tpu.memory_space<hbm>> -> memref<8x1024xf32, #tpu.memory_space<hbm>>
    %dma_wait3A_501 = arith.constant 0 : i32
    %dma_wait3A_502 = tpu.memref_slice %arg5[%add3A_405, %dma_wait3A_501] : memref<4096x1024xf32, #tpu.memory_space<hbm>> -> memref<8x1024xf32, #tpu.memory_space<hbm>>
    tpu.wait_dma2 semaphore(%arg27 : memref<!tpu.dma_semaphore, #tpu.memory_space<semaphore_mem>>) src(%arg19 : memref<8x1024xf32, #tpu.memory_space<vmem>>) dst(%dma_wait3A_502 : memref<8x1024xf32, #tpu.memory_space<hbm>>)
    %parallel_loop3A_503 = arith.constant 0 : i32
    %parallel_loop3A_504 = arith.constant 512 : i32
    %parallel_loop3A_505 = arith.constant 1 : i32
    scf.for %parallel_loop3A_528 = %parallel_loop3A_503 to %parallel_loop3A_504 step %parallel_loop3A_505  : i32 {
      %parallel_loop3A_529 = arith.constant 6 : i32
      %parallel_loop3A_530 = arith.shrsi %parallel_loop3A_528, %parallel_loop3A_529 : i32
      %parallel_loop3A_531 = arith.constant 63 : i32
      %parallel_loop3A_532 = arith.andi %parallel_loop3A_528, %parallel_loop3A_531 : i32
      %parallel_loop3A_533 = arith.constant 16 : i32
      %parallel_loop3A_534 = arith.muli %parallel_loop3A_532, %parallel_loop3A_533 : i32
      %parallel_loop3A_535 = arith.index_cast %parallel_loop3A_530 : i32 to index
      %parallel_loop3A_536 = arith.index_cast %parallel_loop3A_534 : i32 to index
      %parallel_loop3A_537 = tpu.vector_load %arg11[%parallel_loop3A_535, %parallel_loop3A_536] {strides = array<i32>} : memref<8x1024xf32, #tpu.memory_space<vmem>>, vector<1x16xf32>,
      %parallel_loop3A_538 = vector.shape_cast %parallel_loop3A_537 : vector<1x16xf32> to vector<16xf32>
      %parallel_loop3A_539 = arith.index_cast %parallel_loop3A_530 : i32 to index
      %parallel_loop3A_540 = arith.index_cast %parallel_loop3A_534 : i32 to index
      %parallel_loop3A_541 = tpu.vector_load %arg15[%parallel_loop3A_539, %parallel_loop3A_540] {strides = array<i32>} : memref<8x1024xf32, #tpu.memory_space<vmem>>, vector<1x16xf32>,
      %parallel_loop3A_542 = vector.shape_cast %parallel_loop3A_541 : vector<1x16xf32> to vector<16xf32>
      %parallel_loop3A_543 = arith.addf %parallel_loop3A_538, %parallel_loop3A_542 : vector<16xf32>
      %parallel_loop3A_544 = arith.constant 5.000000e-01 : f32
      %parallel_loop3A_545 = vector.broadcast %parallel_loop3A_544 : f32 to vector<16xf32>
      %parallel_loop3A_546 = arith.mulf %parallel_loop3A_543, %parallel_loop3A_545 : vector<16xf32>
      %parallel_loop3A_547 = arith.index_cast %parallel_loop3A_530 : i32 to index
      %parallel_loop3A_548 = arith.index_cast %parallel_loop3A_534 : i32 to index
      %parallel_loop3A_549 = tpu.vector_load %arg19[%parallel_loop3A_547, %parallel_loop3A_548] {strides = array<i32>} : memref<8x1024xf32, #tpu.memory_space<vmem>>, vector<1x16xf32>,
      %parallel_loop3A_550 = vector.shape_cast %parallel_loop3A_549 : vector<1x16xf32> to vector<16xf32>
      %parallel_loop3A_551 = vector.shape_cast %parallel_loop3A_546 : vector<16xf32> to vector<1x16xf32>
      tpu.vector_store %arg19[%parallel_loop3A_547, %parallel_loop3A_548], %parallel_loop3A_551 {strides = array<i32>} : memref<8x1024xf32, #tpu.memory_space<vmem>>, vector<1x16xf32>,
    } {sc.loop_unroll_factor = 8 : i64, sc.parallel_access}
    %add3A_506 = arith.constant 120 : i32
    %add3A_507 = arith.addi %mul3A_2, %add3A_506 : i32
    %dma_start3A_508 = arith.constant 0 : i32
    %dma_start3A_509 = tpu.memref_slice %arg5[%add3A_507, %dma_start3A_508] : memref<4096x1024xf32, #tpu.memory_space<hbm>> -> memref<8x1024xf32, #tpu.memory_space<hbm>>
    %dma_start3A_510 = arith.constant 0 : i32
    %dma_start3A_511 = tpu.memref_slice %arg5[%add3A_507, %dma_start3A_510] : memref<4096x1024xf32, #tpu.memory_space<hbm>> -> memref<8x1024xf32, #tpu.memory_space<hbm>>
    tpu.enqueue_dma source(%arg19 : memref<8x1024xf32, #tpu.memory_space<vmem>>) target(%dma_start3A_511 : memref<8x1024xf32, #tpu.memory_space<hbm>>) target_semaphore(%arg27 : memref<!tpu.dma_semaphore, #tpu.memory_space<semaphore_mem>>)
    %dma_wait3A_512 = arith.constant 0 : i32
    %dma_wait3A_513 = tpu.memref_slice %arg5[%add3A_438, %dma_wait3A_512] : memref<4096x1024xf32, #tpu.memory_space<hbm>> -> memref<8x1024xf32, #tpu.memory_space<hbm>>
    %dma_wait3A_514 = arith.constant 0 : i32
    %dma_wait3A_515 = tpu.memref_slice %arg5[%add3A_438, %dma_wait3A_514] : memref<4096x1024xf32, #tpu.memory_space<hbm>> -> memref<8x1024xf32, #tpu.memory_space<hbm>>
    tpu.wait_dma2 semaphore(%arg24 : memref<!tpu.dma_semaphore, #tpu.memory_space<semaphore_mem>>) src(%arg16 : memref<8x1024xf32, #tpu.memory_space<vmem>>) dst(%dma_wait3A_515 : memref<8x1024xf32, #tpu.memory_space<hbm>>)
    %dma_wait3A_516 = arith.constant 0 : i32
    %dma_wait3A_517 = tpu.memref_slice %arg5[%add3A_461, %dma_wait3A_516] : memref<4096x1024xf32, #tpu.memory_space<hbm>> -> memref<8x1024xf32, #tpu.memory_space<hbm>>
    %dma_wait3A_518 = arith.constant 0 : i32
    %dma_wait3A_519 = tpu.memref_slice %arg5[%add3A_461, %dma_wait3A_518] : memref<4096x1024xf32, #tpu.memory_space<hbm>> -> memref<8x1024xf32, #tpu.memory_space<hbm>>
    tpu.wait_dma2 semaphore(%arg25 : memref<!tpu.dma_semaphore, #tpu.memory_space<semaphore_mem>>) src(%arg17 : memref<8x1024xf32, #tpu.memory_space<vmem>>) dst(%dma_wait3A_519 : memref<8x1024xf32, #tpu.memory_space<hbm>>)
    %dma_wait3A_520 = arith.constant 0 : i32
    %dma_wait3A_521 = tpu.memref_slice %arg5[%add3A_484, %dma_wait3A_520] : memref<4096x1024xf32, #tpu.memory_space<hbm>> -> memref<8x1024xf32, #tpu.memory_space<hbm>>
    %dma_wait3A_522 = arith.constant 0 : i32
    %dma_wait3A_523 = tpu.memref_slice %arg5[%add3A_484, %dma_wait3A_522] : memref<4096x1024xf32, #tpu.memory_space<hbm>> -> memref<8x1024xf32, #tpu.memory_space<hbm>>
    tpu.wait_dma2 semaphore(%arg26 : memref<!tpu.dma_semaphore, #tpu.memory_space<semaphore_mem>>) src(%arg18 : memref<8x1024xf32, #tpu.memory_space<vmem>>) dst(%dma_wait3A_523 : memref<8x1024xf32, #tpu.memory_space<hbm>>)
    %dma_wait3A_524 = arith.constant 0 : i32
    %dma_wait3A_525 = tpu.memref_slice %arg5[%add3A_507, %dma_wait3A_524] : memref<4096x1024xf32, #tpu.memory_space<hbm>> -> memref<8x1024xf32, #tpu.memory_space<hbm>>
    %dma_wait3A_526 = arith.constant 0 : i32
    %dma_wait3A_527 = tpu.memref_slice %arg5[%add3A_507, %dma_wait3A_526] : memref<4096x1024xf32, #tpu.memory_space<hbm>> -> memref<8x1024xf32, #tpu.memory_space<hbm>>
    tpu.wait_dma2 semaphore(%arg27 : memref<!tpu.dma_semaphore, #tpu.memory_space<semaphore_mem>>) src(%arg19 : memref<8x1024xf32, #tpu.memory_space<vmem>>) dst(%dma_wait3A_527 : memref<8x1024xf32, #tpu.memory_space<hbm>>)
    return
  }
}

module attributes {stable_mosaic.version = 14 : i64} {
  func.func @_tc_route(%arg0: i32, %arg1: memref<1024x8xf32, #tpu.memory_space<vmem>>, %arg2: memref<1024x1024xf32, #tpu.memory_space<vmem>>, %arg3: memref<1x8xf32, #tpu.memory_space<smem>>, %arg4: memref<8x1024xf32, #tpu.memory_space<vmem>>, %arg5: memref<2x2048xf32, #tpu.memory_space<vmem>>, %arg6: memref<1x1xf32, #tpu.memory_space<smem>>, %arg7: memref<1x8x128xi32, #tpu.memory_space<vmem>>, %arg8: memref<1x8x128xi32, #tpu.memory_space<vmem>>, %arg9: memref<1x1xf32, #tpu.memory_space<smem>>) attributes {dimension_semantics = [#tpu.dimension_semantics<arbitrary>], iteration_bounds = array<i64: 4>, scalar_prefetch = 0 : i64, scratch_operands = 0 : i64, tpu.core_type = #tpu.core_type<tc>, window_params = [{pipeline_mode = #tpu.pipeline_mode<synchronous>, transform_indices = @transform_0, window_bounds = array<i64: 1024, 8>}, {transform_indices = @transform_1, window_bounds = array<i64: 1024, 1024>}, {transform_indices = @transform_2, window_bounds = array<i64: 1, 8>}, {transform_indices = @transform_3, window_bounds = array<i64: 8, 1024>}, {pipeline_mode = #tpu.pipeline_mode<synchronous>, transform_indices = @transform_4, window_bounds = array<i64: 2, 2048>}, {transform_indices = @transform_5, window_bounds = array<i64: 1, 1>}, {transform_indices = @transform_6, window_bounds = array<i64: 1, 8, 128>}, {transform_indices = @transform_7, window_bounds = array<i64: 1, 8, 128>}, {transform_indices = @transform_8, window_bounds = array<i64: 1, 1>}]} {
    %get3A = arith.constant 0 : index
    %get3A_0 = arith.constant 0 : index
    %get3A_1 = vector.load %arg1[%get3A, %get3A_0] : memref<1024x8xf32, #tpu.memory_space<vmem>>, vector<1024x8xf32>
    %get3A_2 = arith.constant 0 : index
    %get3A_3 = arith.constant 0 : index
    %get3A_4 = vector.load %arg2[%get3A_2, %get3A_3] : memref<1024x1024xf32, #tpu.memory_space<vmem>>, vector<1024x1024xf32>
    %dot_general3A = arith.constant dense<0.000000e+00> : vector<8x1024xf32>
    %dot_general3A_5 = tpu.matmul %get3A_1, %get3A_4, %dot_general3A {dimension_numbers = #tpu.dot_dimension_numbers<[0], [1], [1], [0], [0, 1, 1, 0], [], []>, transpose_lhs_hint = false} : vector<1024x8xf32>, vector<1024x1024xf32>, vector<8x1024xf32> -> vector<8x1024xf32>
    %iota3A = tpu.iota {dimensions = array<i32: 0>} : vector<8x1024xi32>
    %eq3A = arith.constant 0 : i32
    %eq3A_6 = vector.broadcast %eq3A : i32 to vector<8x1024xi32>
    %eq3A_7 = arith.cmpi eq, %iota3A, %eq3A_6 : vector<8x1024xi32>
    %get3A_8 = arith.constant 0 : index
    %get3A_9 = arith.constant 0 : index
    %get3A_10 = memref.load %arg3[%get3A_8, %get3A_9] : memref<1x8xf32, #tpu.memory_space<smem>>
    %jit3A = arith.constant 0.000000e+00 : f32
    %broadcast_in_dim3A = vector.broadcast %get3A_10 : f32 to vector<8x1024xf32>
    %broadcast_in_dim3A_11 = vector.broadcast %jit3A : f32 to vector<8x1024xf32>
    %select_n3A = arith.select %eq3A_7, %broadcast_in_dim3A, %broadcast_in_dim3A_11 : vector<8x1024xi1>, vector<8x1024xf32>
    %add3A = arith.addf %dot_general3A_5, %select_n3A : vector<8x1024xf32>
    %eq3A_12 = arith.constant 1 : i32
    %eq3A_13 = vector.broadcast %eq3A_12 : i32 to vector<8x1024xi32>
    %eq3A_14 = arith.cmpi eq, %iota3A, %eq3A_13 : vector<8x1024xi32>
    %get3A_15 = arith.constant 0 : index
    %get3A_16 = arith.constant 1 : index
    %get3A_17 = memref.load %arg3[%get3A_15, %get3A_16] : memref<1x8xf32, #tpu.memory_space<smem>>
    %jit3A_18 = arith.constant 0.000000e+00 : f32
    %broadcast_in_dim3A_19 = vector.broadcast %get3A_17 : f32 to vector<8x1024xf32>
    %broadcast_in_dim3A_20 = vector.broadcast %jit3A_18 : f32 to vector<8x1024xf32>
    %select_n3A_21 = arith.select %eq3A_14, %broadcast_in_dim3A_19, %broadcast_in_dim3A_20 : vector<8x1024xi1>, vector<8x1024xf32>
    %add3A_22 = arith.addf %add3A, %select_n3A_21 : vector<8x1024xf32>
    %eq3A_23 = arith.constant 2 : i32
    %eq3A_24 = vector.broadcast %eq3A_23 : i32 to vector<8x1024xi32>
    %eq3A_25 = arith.cmpi eq, %iota3A, %eq3A_24 : vector<8x1024xi32>
    %get3A_26 = arith.constant 0 : index
    %get3A_27 = arith.constant 2 : index
    %get3A_28 = memref.load %arg3[%get3A_26, %get3A_27] : memref<1x8xf32, #tpu.memory_space<smem>>
    %jit3A_29 = arith.constant 0.000000e+00 : f32
    %broadcast_in_dim3A_30 = vector.broadcast %get3A_28 : f32 to vector<8x1024xf32>
    %broadcast_in_dim3A_31 = vector.broadcast %jit3A_29 : f32 to vector<8x1024xf32>
    %select_n3A_32 = arith.select %eq3A_25, %broadcast_in_dim3A_30, %broadcast_in_dim3A_31 : vector<8x1024xi1>, vector<8x1024xf32>
    %add3A_33 = arith.addf %add3A_22, %select_n3A_32 : vector<8x1024xf32>
    %eq3A_34 = arith.constant 3 : i32
    %eq3A_35 = vector.broadcast %eq3A_34 : i32 to vector<8x1024xi32>
    %eq3A_36 = arith.cmpi eq, %iota3A, %eq3A_35 : vector<8x1024xi32>
    %get3A_37 = arith.constant 0 : index
    %get3A_38 = arith.constant 3 : index
    %get3A_39 = memref.load %arg3[%get3A_37, %get3A_38] : memref<1x8xf32, #tpu.memory_space<smem>>
    %jit3A_40 = arith.constant 0.000000e+00 : f32
    %broadcast_in_dim3A_41 = vector.broadcast %get3A_39 : f32 to vector<8x1024xf32>
    %broadcast_in_dim3A_42 = vector.broadcast %jit3A_40 : f32 to vector<8x1024xf32>
    %select_n3A_43 = arith.select %eq3A_36, %broadcast_in_dim3A_41, %broadcast_in_dim3A_42 : vector<8x1024xi1>, vector<8x1024xf32>
    %add3A_44 = arith.addf %add3A_33, %select_n3A_43 : vector<8x1024xf32>
    %eq3A_45 = arith.constant 4 : i32
    %eq3A_46 = vector.broadcast %eq3A_45 : i32 to vector<8x1024xi32>
    %eq3A_47 = arith.cmpi eq, %iota3A, %eq3A_46 : vector<8x1024xi32>
    %get3A_48 = arith.constant 0 : index
    %get3A_49 = arith.constant 4 : index
    %get3A_50 = memref.load %arg3[%get3A_48, %get3A_49] : memref<1x8xf32, #tpu.memory_space<smem>>
    %jit3A_51 = arith.constant 0.000000e+00 : f32
    %broadcast_in_dim3A_52 = vector.broadcast %get3A_50 : f32 to vector<8x1024xf32>
    %broadcast_in_dim3A_53 = vector.broadcast %jit3A_51 : f32 to vector<8x1024xf32>
    %select_n3A_54 = arith.select %eq3A_47, %broadcast_in_dim3A_52, %broadcast_in_dim3A_53 : vector<8x1024xi1>, vector<8x1024xf32>
    %add3A_55 = arith.addf %add3A_44, %select_n3A_54 : vector<8x1024xf32>
    %eq3A_56 = arith.constant 5 : i32
    %eq3A_57 = vector.broadcast %eq3A_56 : i32 to vector<8x1024xi32>
    %eq3A_58 = arith.cmpi eq, %iota3A, %eq3A_57 : vector<8x1024xi32>
    %get3A_59 = arith.constant 0 : index
    %get3A_60 = arith.constant 5 : index
    %get3A_61 = memref.load %arg3[%get3A_59, %get3A_60] : memref<1x8xf32, #tpu.memory_space<smem>>
    %jit3A_62 = arith.constant 0.000000e+00 : f32
    %broadcast_in_dim3A_63 = vector.broadcast %get3A_61 : f32 to vector<8x1024xf32>
    %broadcast_in_dim3A_64 = vector.broadcast %jit3A_62 : f32 to vector<8x1024xf32>
    %select_n3A_65 = arith.select %eq3A_58, %broadcast_in_dim3A_63, %broadcast_in_dim3A_64 : vector<8x1024xi1>, vector<8x1024xf32>
    %add3A_66 = arith.addf %add3A_55, %select_n3A_65 : vector<8x1024xf32>
    %eq3A_67 = arith.constant 6 : i32
    %eq3A_68 = vector.broadcast %eq3A_67 : i32 to vector<8x1024xi32>
    %eq3A_69 = arith.cmpi eq, %iota3A, %eq3A_68 : vector<8x1024xi32>
    %get3A_70 = arith.constant 0 : index
    %get3A_71 = arith.constant 6 : index
    %get3A_72 = memref.load %arg3[%get3A_70, %get3A_71] : memref<1x8xf32, #tpu.memory_space<smem>>
    %jit3A_73 = arith.constant 0.000000e+00 : f32
    %broadcast_in_dim3A_74 = vector.broadcast %get3A_72 : f32 to vector<8x1024xf32>
    %broadcast_in_dim3A_75 = vector.broadcast %jit3A_73 : f32 to vector<8x1024xf32>
    %select_n3A_76 = arith.select %eq3A_69, %broadcast_in_dim3A_74, %broadcast_in_dim3A_75 : vector<8x1024xi1>, vector<8x1024xf32>
    %add3A_77 = arith.addf %add3A_66, %select_n3A_76 : vector<8x1024xf32>
    %eq3A_78 = arith.constant 7 : i32
    %eq3A_79 = vector.broadcast %eq3A_78 : i32 to vector<8x1024xi32>
    %eq3A_80 = arith.cmpi eq, %iota3A, %eq3A_79 : vector<8x1024xi32>
    %get3A_81 = arith.constant 0 : index
    %get3A_82 = arith.constant 7 : index
    %get3A_83 = memref.load %arg3[%get3A_81, %get3A_82] : memref<1x8xf32, #tpu.memory_space<smem>>
    %jit3A_84 = arith.constant 0.000000e+00 : f32
    %broadcast_in_dim3A_85 = vector.broadcast %get3A_83 : f32 to vector<8x1024xf32>
    %broadcast_in_dim3A_86 = vector.broadcast %jit3A_84 : f32 to vector<8x1024xf32>
    %select_n3A_87 = arith.select %eq3A_80, %broadcast_in_dim3A_85, %broadcast_in_dim3A_86 : vector<8x1024xi1>, vector<8x1024xf32>
    %add3A_88 = arith.addf %add3A_77, %select_n3A_87 : vector<8x1024xf32>
    %reduce_max3A = arith.constant dense<0xFF800000> : vector<1024xf32>
    %reduce_max3A_89 = vector.multi_reduction <maximumf>, %add3A_88, %reduce_max3A [0] : vector<8x1024xf32> to vector<1024xf32>
    %broadcast_in_dim3A_90 = vector.shape_cast %reduce_max3A_89 : vector<1024xf32> to vector<1x1024xf32>
    %sub3A = vector.broadcast %broadcast_in_dim3A_90 : vector<1x1024xf32> to vector<8x1024xf32>
    %sub3A_91 = arith.subf %add3A_88, %sub3A : vector<8x1024xf32>
    %exp3A = math.exp %sub3A_91 : vector<8x1024xf32>
    %reduce_sum3A = arith.constant dense<0.000000e+00> : vector<1024xf32>
    %reduce_sum3A_92 = vector.multi_reduction <add>, %exp3A, %reduce_sum3A [0] : vector<8x1024xf32> to vector<1024xf32>
    %broadcast_in_dim3A_93 = vector.shape_cast %reduce_sum3A_92 : vector<1024xf32> to vector<1x1024xf32>
    %div3A = vector.broadcast %broadcast_in_dim3A_93 : vector<1x1024xf32> to vector<8x1024xf32>
    %div3A_94 = arith.divf %exp3A, %div3A : vector<8x1024xf32>
    %add3A_95 = arith.constant 9.99999971E-10 : f32
    %add3A_96 = vector.broadcast %add3A_95 : f32 to vector<8x1024xf32>
    %add3A_97 = arith.addf %div3A_94, %add3A_96 : vector<8x1024xf32>
    %log3A = math.log %add3A_97 : vector<8x1024xf32>
    %get3A_98 = arith.constant 0 : index
    %get3A_99 = arith.constant 0 : index
    %get3A_100 = vector.load %arg4[%get3A_98, %get3A_99] : memref<8x1024xf32, #tpu.memory_space<vmem>>, vector<8x1024xf32>
    %add3A_101 = arith.addf %log3A, %get3A_100 : vector<8x1024xf32>
    %iota3A_102 = tpu.iota {dimensions = array<i32: 0>} : vector<8x1024xi32>
    %reduce_max3A_103 = arith.constant dense<0xFF800000> : vector<1024xf32>
    %reduce_max3A_104 = vector.multi_reduction <maximumf>, %add3A_101, %reduce_max3A_103 [0] : vector<8x1024xf32> to vector<1024xf32>
    %broadcast_in_dim3A_105 = vector.shape_cast %reduce_max3A_104 : vector<1024xf32> to vector<1x1024xf32>
    %eq3A_106 = vector.broadcast %broadcast_in_dim3A_105 : vector<1x1024xf32> to vector<8x1024xf32>
    %eq3A_107 = arith.cmpf oeq, %add3A_101, %eq3A_106 : vector<8x1024xf32>
    %jit3A_108 = arith.constant 8 : i32
    %broadcast_in_dim3A_109 = vector.broadcast %jit3A_108 : i32 to vector<8x1024xi32>
    %select_n3A_110 = arith.select %eq3A_107, %iota3A_102, %broadcast_in_dim3A_109 : vector<8x1024xi1>, vector<8x1024xi32>
    %reduce_min3A = arith.constant dense<2147483647> : vector<1024xi32>
    %reduce_min3A_111 = vector.multi_reduction <minsi>, %select_n3A_110, %reduce_min3A [0] : vector<8x1024xi32> to vector<1024xi32>
    %broadcast_in_dim3A_112 = vector.shape_cast %reduce_min3A_111 : vector<1024xi32> to vector<1x1024xi32>
    %eq3A_113 = vector.broadcast %broadcast_in_dim3A_112 : vector<1x1024xi32> to vector<8x1024xi32>
    %eq3A_114 = arith.cmpi eq, %iota3A_102, %eq3A_113 : vector<8x1024xi32>
    %jit3A_115 = arith.constant 0xFF800000 : f32
    %broadcast_in_dim3A_116 = vector.broadcast %jit3A_115 : f32 to vector<8x1024xf32>
    %select_n3A_117 = arith.select %eq3A_114, %broadcast_in_dim3A_116, %add3A_101 : vector<8x1024xi1>, vector<8x1024xf32>
    %reduce_max3A_118 = arith.constant dense<0xFF800000> : vector<1024xf32>
    %reduce_max3A_119 = vector.multi_reduction <maximumf>, %select_n3A_117, %reduce_max3A_118 [0] : vector<8x1024xf32> to vector<1024xf32>
    %broadcast_in_dim3A_120 = vector.shape_cast %reduce_max3A_119 : vector<1024xf32> to vector<1x1024xf32>
    %eq3A_121 = vector.broadcast %broadcast_in_dim3A_120 : vector<1x1024xf32> to vector<8x1024xf32>
    %eq3A_122 = arith.cmpf oeq, %select_n3A_117, %eq3A_121 : vector<8x1024xf32>
    %jit3A_123 = arith.constant 8 : i32
    %broadcast_in_dim3A_124 = vector.broadcast %jit3A_123 : i32 to vector<8x1024xi32>
    %select_n3A_125 = arith.select %eq3A_122, %iota3A_102, %broadcast_in_dim3A_124 : vector<8x1024xi1>, vector<8x1024xi32>
    %reduce_min3A_126 = arith.constant dense<2147483647> : vector<1024xi32>
    %reduce_min3A_127 = vector.multi_reduction <minsi>, %select_n3A_125, %reduce_min3A_126 [0] : vector<8x1024xi32> to vector<1024xi32>
    %broadcast_in_dim3A_128 = vector.shape_cast %reduce_min3A_127 : vector<1024xi32> to vector<1x1024xi32>
    %eq3A_129 = vector.broadcast %broadcast_in_dim3A_112 : vector<1x1024xi32> to vector<8x1024xi32>
    %eq3A_130 = arith.cmpi eq, %iota3A_102, %eq3A_129 : vector<8x1024xi32>
    %eq3A_131 = vector.broadcast %broadcast_in_dim3A_128 : vector<1x1024xi32> to vector<8x1024xi32>
    %eq3A_132 = arith.cmpi eq, %iota3A_102, %eq3A_131 : vector<8x1024xi32>
    %or3A = arith.ori %eq3A_130, %eq3A_132 : vector<8x1024xi1>
    %jit3A_133 = arith.constant 0.000000e+00 : f32
    %broadcast_in_dim3A_134 = vector.broadcast %jit3A_133 : f32 to vector<8x1024xf32>
    %select_n3A_135 = arith.select %or3A, %log3A, %broadcast_in_dim3A_134 : vector<8x1024xi1>, vector<8x1024xf32>
    %reduce_sum3A_136 = arith.constant dense<0.000000e+00> : vector<1024xf32>
    %reduce_sum3A_137 = vector.multi_reduction <add>, %select_n3A_135, %reduce_sum3A_136 [0] : vector<8x1024xf32> to vector<1024xf32>
    %broadcast_in_dim3A_138 = vector.shape_cast %reduce_sum3A_137 : vector<1024xf32> to vector<1x1024xf32>
    %jit3A_139 = arith.constant 2 : i32
    %div3A_140 = arith.divsi %arg0, %jit3A_139 : i32
    %sign3A = arith.constant 0 : i32
    %sign3A_141 = arith.cmpi sgt, %arg0, %sign3A : i32
    %sign3A_142 = arith.extui %sign3A_141 : i1 to i32
    %sign3A_143 = arith.constant 0 : i32
    %sign3A_144 = arith.cmpi slt, %arg0, %sign3A_143 : i32
    %sign3A_145 = arith.extui %sign3A_144 : i1 to i32
    %sign3A_146 = arith.subi %sign3A_142, %sign3A_145 : i32
    %sign3A_147 = arith.constant 0 : i32
    %sign3A_148 = arith.cmpi sgt, %jit3A_139, %sign3A_147 : i32
    %sign3A_149 = arith.extui %sign3A_148 : i1 to i32
    %sign3A_150 = arith.constant 0 : i32
    %sign3A_151 = arith.cmpi slt, %jit3A_139, %sign3A_150 : i32
    %sign3A_152 = arith.extui %sign3A_151 : i1 to i32
    %sign3A_153 = arith.subi %sign3A_149, %sign3A_152 : i32
    %ne3A = arith.cmpi ne, %sign3A_146, %sign3A_153 : i32
    %rem3A = arith.remsi %arg0, %jit3A_139 : i32
    %ne3A_154 = arith.constant 0 : i32
    %ne3A_155 = arith.cmpi ne, %rem3A, %ne3A_154 : i32
    %and3A = arith.andi %ne3A, %ne3A_155 : i1
    %sub3A_156 = arith.constant 1 : i32
    %sub3A_157 = arith.subi %div3A_140, %sub3A_156 : i32
    %select_n3A_158 = arith.select %and3A, %sub3A_157, %div3A_140 : i32
    %jit3A_159 = arith.constant 2 : i32
    %eq3A_160 = arith.constant 0 : i32
    %eq3A_161 = arith.cmpi eq, %jit3A_159, %eq3A_160 : i32
    %jit3A_162 = arith.constant 1 : i32
    %select_n3A_163 = arith.select %eq3A_161, %jit3A_162, %jit3A_159 : i32
    %rem3A_164 = arith.remsi %arg0, %select_n3A_163 : i32
    %ne3A_165 = arith.constant 0 : i32
    %ne3A_166 = arith.cmpi ne, %rem3A_164, %ne3A_165 : i32
    %lt3A = arith.constant 0 : i32
    %lt3A_167 = arith.cmpi slt, %rem3A_164, %lt3A : i32
    %lt3A_168 = arith.constant 0 : i32
    %lt3A_169 = arith.cmpi slt, %select_n3A_163, %lt3A_168 : i32
    %ne3A_170 = arith.xori %lt3A_167, %lt3A_169 : i1
    %and3A_171 = arith.andi %ne3A_170, %ne3A_166 : i1
    %add3A_172 = arith.addi %rem3A_164, %select_n3A_163 : i32
    %select_n3A_173 = arith.select %and3A_171, %add3A_172, %rem3A_164 : i32
    %mul3A = arith.constant 1024 : i32
    %mul3A_174 = arith.muli %select_n3A_173, %mul3A : i32
    %get3A_175 = arith.index_cast %select_n3A_158 : i32 to index
    %get3A_176 = arith.index_cast %mul3A_174 : i32 to index
    %get3A_177 = vector.load %arg5[%get3A_175, %get3A_176] : memref<2x2048xf32, #tpu.memory_space<vmem>>, vector<1x1024xf32>
    %get3A_178 = arith.constant 0 : index
    %get3A_179 = arith.constant 0 : index
    %get3A_180 = memref.load %arg6[%get3A_178, %get3A_179] : memref<1x1xf32, #tpu.memory_space<smem>>
    %sub3A_181 = vector.broadcast %get3A_180 : f32 to vector<1x1024xf32>
    %sub3A_182 = arith.subf %get3A_177, %sub3A_181 : vector<1x1024xf32>
    %mul3A_183 = arith.mulf %sub3A_182, %broadcast_in_dim3A_138 : vector<1x1024xf32>
    %reduce_sum3A_184 = vector.shape_cast %mul3A_183 : vector<1x1024xf32> to vector<1x1x1024xf32>
    %reduce_sum3A_185 = arith.constant dense<0.000000e+00> : vector<1xf32>
    %reduce_sum3A_186 = vector.multi_reduction <add>, %reduce_sum3A_184, %reduce_sum3A_185 [1, 2] : vector<1x1x1024xf32> to vector<1xf32>
    %reduce_sum3A_187 = vector.shape_cast %reduce_sum3A_186 : vector<1xf32> to vector<1x1x1xf32>
    %reduce_sum3A_188 = vector.extract %reduce_sum3A_187[0, 0, 0] : f32 from vector<1x1x1xf32>
    %iota3A_189 = tpu.iota {dimensions = array<i32: 1>} : vector<1x1024xi32>
    %mul3A_190 = arith.constant 1024 : i32
    %mul3A_191 = arith.muli %arg0, %mul3A_190 : i32
    %add3A_192 = vector.broadcast %mul3A_191 : i32 to vector<1x1024xi32>
    %add3A_193 = arith.addi %iota3A_189, %add3A_192 : vector<1x1024xi32>
    %mul3A_194 = arith.constant 4096 : i32
    %mul3A_195 = vector.broadcast %mul3A_194 : i32 to vector<1x1024xi32>
    %mul3A_196 = arith.muli %broadcast_in_dim3A_112, %mul3A_195 : vector<1x1024xi32>
    %add3A_197 = arith.addi %mul3A_196, %add3A_193 : vector<1x1024xi32>
    %reshape3A = vector.shape_cast %add3A_197 : vector<1x1024xi32> to vector<8x128xi32>
    %swap3A = arith.constant 0 : index
    %swap3A_198 = arith.constant 0 : index
    %swap3A_199 = arith.constant 0 : index
    %swap3A_200 = vector.load %arg7[%swap3A, %swap3A_198, %swap3A_199] : memref<1x8x128xi32, #tpu.memory_space<vmem>>, vector<1x8x128xi32>
    %swap3A_201 = vector.shape_cast %swap3A_200 : vector<1x8x128xi32> to vector<8x128xi32>
    %swap3A_202 = vector.shape_cast %reshape3A : vector<8x128xi32> to vector<1x8x128xi32>
    tpu.vector_store %arg7[%swap3A, %swap3A_198, %swap3A_199], %swap3A_202 {strides = array<i32>} : memref<1x8x128xi32, #tpu.memory_space<vmem>>, vector<1x8x128xi32>,
    %mul3A_203 = arith.constant 4096 : i32
    %mul3A_204 = vector.broadcast %mul3A_203 : i32 to vector<1x1024xi32>
    %mul3A_205 = arith.muli %broadcast_in_dim3A_128, %mul3A_204 : vector<1x1024xi32>
    %add3A_206 = arith.addi %mul3A_205, %add3A_193 : vector<1x1024xi32>
    %reshape3A_207 = vector.shape_cast %add3A_206 : vector<1x1024xi32> to vector<8x128xi32>
    %swap3A_208 = arith.constant 0 : index
    %swap3A_209 = arith.constant 0 : index
    %swap3A_210 = arith.constant 0 : index
    %swap3A_211 = vector.load %arg8[%swap3A_208, %swap3A_209, %swap3A_210] : memref<1x8x128xi32, #tpu.memory_space<vmem>>, vector<1x8x128xi32>
    %swap3A_212 = vector.shape_cast %swap3A_211 : vector<1x8x128xi32> to vector<8x128xi32>
    %swap3A_213 = vector.shape_cast %reshape3A_207 : vector<8x128xi32> to vector<1x8x128xi32>
    tpu.vector_store %arg8[%swap3A_208, %swap3A_209, %swap3A_210], %swap3A_213 {strides = array<i32>} : memref<1x8x128xi32, #tpu.memory_space<vmem>>, vector<1x8x128xi32>,
    %eq3A_214 = arith.constant 0 : i32
    %eq3A_215 = arith.cmpi eq, %arg0, %eq3A_214 : i32
    %convert_element_type3A = arith.extui %eq3A_215 : i1 to i32
    %cond3A = arith.constant 0 : i32
    %cond3A_216 = arith.cmpi ne, %convert_element_type3A, %cond3A : i32
    scf.if %cond3A_216 {
      %swap3A_229 = arith.constant 0.000000e+00 : f32
      %swap3A_230 = arith.constant 0 : index
      %swap3A_231 = arith.constant 0 : index
      %swap3A_232 = memref.load %arg9[%swap3A_230, %swap3A_231] : memref<1x1xf32, #tpu.memory_space<smem>>
      memref.store %swap3A_229, %arg9[%swap3A_230, %swap3A_231] : memref<1x1xf32, #tpu.memory_space<smem>>
    } else {
    }
    %get3A_217 = arith.constant 0 : index
    %get3A_218 = arith.constant 0 : index
    %get3A_219 = memref.load %arg9[%get3A_217, %get3A_218] : memref<1x1xf32, #tpu.memory_space<smem>>
    %add3A_220 = arith.addf %get3A_219, %reduce_sum3A_188 : f32
    %swap3A_221 = arith.constant 0 : index
    %swap3A_222 = arith.constant 0 : index
    %swap3A_223 = memref.load %arg9[%swap3A_221, %swap3A_222] : memref<1x1xf32, #tpu.memory_space<smem>>
    memref.store %add3A_220, %arg9[%swap3A_221, %swap3A_222] : memref<1x1xf32, #tpu.memory_space<smem>>
    %eq3A_224 = arith.constant 3 : i32
    %eq3A_225 = arith.cmpi eq, %arg0, %eq3A_224 : i32
    %convert_element_type3A_226 = arith.extui %eq3A_225 : i1 to i32
    %cond3A_227 = arith.constant 0 : i32
    %cond3A_228 = arith.cmpi ne, %convert_element_type3A_226, %cond3A_227 : i32
    scf.if %cond3A_228 {
      %get3A_229 = arith.constant 0 : index
      %get3A_230 = arith.constant 0 : index
      %get3A_231 = memref.load %arg9[%get3A_229, %get3A_230] : memref<1x1xf32, #tpu.memory_space<smem>>
      %mul3A_232 = arith.constant -2.44140625E-4 : f32
      %mul3A_233 = arith.mulf %get3A_231, %mul3A_232 : f32
      %swap3A_234 = arith.constant 0 : index
      %swap3A_235 = arith.constant 0 : index
      %swap3A_236 = memref.load %arg9[%swap3A_234, %swap3A_235] : memref<1x1xf32, #tpu.memory_space<smem>>
      memref.store %mul3A_233, %arg9[%swap3A_234, %swap3A_235] : memref<1x1xf32, #tpu.memory_space<smem>>
    } else {
    }
    return
  }
  func.func @transform_0(%arg0: i32) -> (i32, i32) {
    %c0_i32 = arith.constant 0 : i32
    %c0_i32_0 = arith.constant 0 : i32
    %c0_i32_1 = arith.constant 0 : i32
    return %c0_i32, %c0_i32_0 : i32, i32
  }
  func.func @transform_1(%arg0: i32) -> (i32, i32) {
    %c0_i32 = arith.constant 0 : i32
    %c0_i32_0 = arith.constant 0 : i32
    return %arg0, %c0_i32 : i32, i32
  }
  func.func @transform_2(%arg0: i32) -> (i32, i32) {
    %c0_i32 = arith.constant 0 : i32
    %c0_i32_0 = arith.constant 0 : i32
    %c0_i32_1 = arith.constant 0 : i32
    return %c0_i32, %c0_i32_0 : i32, i32
  }
  func.func @transform_3(%arg0: i32) -> (i32, i32) {
    %c0_i32 = arith.constant 0 : i32
    %c0_i32_0 = arith.constant 0 : i32
    return %c0_i32, %arg0 : i32, i32
  }
  func.func @transform_4(%arg0: i32) -> (i32, i32) {
    %c0_i32 = arith.constant 0 : i32
    %c0_i32_0 = arith.constant 0 : i32
    %c0_i32_1 = arith.constant 0 : i32
    return %c0_i32, %c0_i32_0 : i32, i32
  }
  func.func @transform_5(%arg0: i32) -> (i32, i32) {
    %c0_i32 = arith.constant 0 : i32
    %c0_i32_0 = arith.constant 0 : i32
    %c0_i32_1 = arith.constant 0 : i32
    return %c0_i32, %c0_i32_0 : i32, i32
  }
  func.func @transform_6(%arg0: i32) -> (i32, i32, i32) {
    %c0_i32 = arith.constant 0 : i32
    %c0_i32_0 = arith.constant 0 : i32
    %c0_i32_1 = arith.constant 0 : i32
    return %arg0, %c0_i32, %c0_i32_0 : i32, i32, i32
  }
  func.func @transform_7(%arg0: i32) -> (i32, i32, i32) {
    %c0_i32 = arith.constant 0 : i32
    %c0_i32_0 = arith.constant 0 : i32
    %c0_i32_1 = arith.constant 0 : i32
    return %arg0, %c0_i32, %c0_i32_0 : i32, i32, i32
  }
  func.func @transform_8(%arg0: i32) -> (i32, i32) {
    %c0_i32 = arith.constant 0 : i32
    %c0_i32_0 = arith.constant 0 : i32
    %c0_i32_1 = arith.constant 0 : i32
    return %c0_i32, %c0_i32_0 : i32, i32
  }
}

</mosaic_0001>

<sc_bundles>
// kernel: kernel.4.cloned.1.call-start
scs
__scs_entry_jumppad:
0x0: {  	(pc) =	sbr.rel $0x88, $3  }
0x1: {  	(tag) =	ssettag $0x0;
	lr =	simm.s32 $0x1  }
0x2: {  	[smem:$0x3F9B] =	sst lr;
	_ =	strace $0xD0000000  }
0x3: {  	_ = 	snop  }
0x4: {  	_ = 	snop  }
0x5: {  	_ = 	snop  }
0x6: {  	_ = 	snop  }
0x7: {  	_ = 	snop  }
__scs_overlays_trampoline_lowered:
0x8: {  	[smem:$0x3FAA] =	sst s0  }
0x9: {  	[smem:$0x3FAB] =	sst s1  }
0xa: {  	[smem:$0x3FAC] =	sst s2  }
0xb: {  	[smem:$0x3FAD] =	sst s3  }
0xc: {  	[smem:$0x3FAE] =	sst s4  }
0xd: {  	[smem:$0x3FAF] =	sst s5  }
0xe: {  	[smem:$0x3FB0] =	sst s6  }
0xf: {  	[smem:$0x3FB1] =	sst s7  }
0x10: {  	[smem:$0x3FB2] =	sst s8  }
0x11: {  	[smem:$0x3FB3] =	sst s9;
	s0 =	simm.s32 @!p0 $0x0  }
0x12: {  	s1 =	sld [smem:$0x3F99];
	s0 =	simm.s32 @p0 $0x1  }
0x13: {  	[smem:$0x3FB4] =	sst s0;
	s0 =	simm.s32 @!p1 $0x0  }
0x14: {  	s2 =	sld [smem:$0x3F98];
	s0 =	simm.s32 @p1 $0x1  }
0x15: {  	[smem:$0x3FB5] =	sst s0;
	s0 =	simm.s32 @!p2 $0x0  }
0x16: {  	s3 =	sld [smem:$0x3FDB];
	s0 =	simm.s32 @p2 $0x1  }
0x17: {  	s4 =	simm.s32 $0x1BF5;
	[smem:$0x3FB7] =	sst s0  }
0x18: {  	s0 =	sld [smem:$0x3F9A];
	_ =	swait.ge [sflag:s4], $0x0  }
0x19: {  	s7 =	sld [smem:$0x3F9B]  }
0x1a: {  	s8 =	sadd.s32 $0xFFFFE003, lr  }
0x1b: {  	s9 =	sadd.s32 $0xFFFFFEF7, lr;
	s5 =	simm.s32 $0xFFFFFFFF;
	p2 =	slt.u32 s8, $0xFFFFF086  }
0x1c: {  	p1 =	slt.u32 s9, $0xF7A;
	s5 =	simm.s32 @!p2 $0x0  }
0x1d: {  	s5 =	simm.s32 @p1 $0x1;
	p0 =	seq.s32 s7, s2  }
0x1e: {  	s7 =	smul.u32 @!p0 $0xF7A, s2;
	p2 =	seq.s32 @!p0 s5, $0x0  }
0x1f: {  	s9 =	smul.u32 $0xF7A, s1;
	s8 =	simm.s32 @!p0 $0x1BF5;
	p2 =	por !p2, p0  }
0x20: {  	[sflag:s8] =	ssyncset.s32 @!p0 $0xFFFFF086;
	s6 =	sadd.s32 @!p0 s3, s7;
	s7 =	simm.s32 @!p0 $0x108  }
0x21: {  	s3 =	sadd.s32 s3, s9;
	s6 =	sadd.s32 @!p0 $0x88, s6;
	s7 =	simm.s32 @p2 $0x1082  }
0x22: {  	[simem:s7], [sflag:s8] =	dma.local @!p0 [hbm:s6], $0xF7A  }
0x23: {  	s9 =	sor.u32 $0xD0000000, s2;
	s6 =	simm.s32 $0x108;
	_ =	swait.ge @!p0 [sflag:s8], $0x0  }
0x24: {  	s3 =	sadd.s32 $0x88, s3;
	s6 =	simm.s32 @!p1 $0x1082;
	[sflag:s4] =	ssyncset.s32 $0xFFFFF086  }
0x25: {  	[simem:s6], [sflag:s4] =	dma.local [hbm:s3], $0xF7A  }
0x26: {  	[smem:$0x3F9B] =	sst s1;
	(tag) =	ssettag s2;
	_ =	strace s9  }
0x27: {  	s1 =	sld [smem:$0x3FAB]  }
0x28: {  	s2 =	sld [smem:$0x3FAC]  }
0x29: {  	s4 =	sld [smem:$0x3FAE]  }
0x2a: {  	p0 =	seq.s32 s5, $0x0;
	s5 =	sld [smem:$0x3FAF]  }
0x2b: {  	s6 =	sld [smem:$0x3FB0]  }
0x2c: {  	s7 =	sld [smem:$0x3FB1]  }
0x2d: {  	s3 =	simm.s32 $0x108;
	s8 =	sld [smem:$0x3FB2]  }
0x2e: {  	s3 =	simm.s32 @!p0 $0x1082;
	s9 =	sld [smem:$0x3FB3]  }
0x2f: {  	lr =	sadd.s32 s0, s3;
	s0 =	sld [smem:$0x3FAA]  }
0x30: {  	s3 =	sld [smem:$0x3FAD]  }
0x31: {  	[smem:$0x3FB6] =	sst s10  }
0x32: {  	s10 =	sld [smem:$0x3FB4];
	_ =	sdelay $0x3  }
0x33: {  	p0 =	seq.s32 s10, $0x1;
	s10 =	sld [smem:$0x3FB6];
	_ =	sdelay $0x3  }
0x34: {  	[smem:$0x3FB6] =	sst s10  }
0x35: {  	s10 =	sld [smem:$0x3FB5];
	_ =	sdelay $0x3  }
0x36: {  	p1 =	seq.s32 s10, $0x1;
	s10 =	sld [smem:$0x3FB6];
	_ =	sdelay $0x3  }
0x37: {  	[smem:$0x3FB6] =	sst s10  }
0x38: {  	s10 =	sld [smem:$0x3FB7]  }
0x39: {  	_ = 	snop;
	(pc) =	sbr.ind lr, $3  }
0x3a: {  	_ = 	snop  }
0x3b: {  	_ = 	snop  }
0x3c: {  	p2 =	seq.s32 s10, $0x1;
	s10 =	sld [smem:$0x3FB6]  }
0x3d: {  	_ =	shalt  }
0x3e: {  	_ =	shalt  }
0x3f: {  	_ =	shalt  }
0x40: {  	_ =	shalt  }
0x41: {  	_ =	shalt  }
0x42: {  	_ =	shalt  }
0x43: {  	_ =	shalt  }
0x44: {  	_ =	shalt  }
0x45: {  	_ =	shalt  }
0x46: {  	_ =	shalt  }
0x47: {  	_ =	shalt  }
0x48: {  	_ =	shalt  }
0x49: {  	_ =	shalt  }
0x4a: {  	_ =	shalt  }
0x4b: {  	_ =	shalt  }
0x4c: {  	_ =	shalt  }
0x4d: {  	_ =	shalt  }
0x4e: {  	_ =	shalt  }
0x4f: {  	_ =	shalt  }
0x50: {  	_ =	shalt  }
0x51: {  	_ =	shalt  }
0x52: {  	_ =	shalt  }
0x53: {  	_ =	shalt  }
0x54: {  	_ =	shalt  }
0x55: {  	_ =	shalt  }
0x56: {  	_ =	shalt  }
0x57: {  	_ =	shalt  }
0x58: {  	_ =	shalt  }
0x59: {  	_ =	shalt  }
0x5a: {  	_ =	shalt  }
0x5b: {  	_ =	shalt  }
0x5c: {  	_ =	shalt  }
0x5d: {  	_ =	shalt  }
0x5e: {  	_ =	shalt  }
0x5f: {  	_ =	shalt  }
0x60: {  	_ =	shalt  }
0x61: {  	_ =	shalt  }
0x62: {  	_ =	shalt  }
0x63: {  	_ =	shalt  }
0x64: {  	_ =	shalt  }
0x65: {  	_ =	shalt  }
0x66: {  	_ =	shalt  }
0x67: {  	_ =	shalt  }
0x68: {  	_ =	shalt  }
0x69: {  	_ =	shalt  }
0x6a: {  	_ =	shalt  }
0x6b: {  	_ =	shalt  }
0x6c: {  	_ =	shalt  }
0x6d: {  	_ =	shalt  }
0x6e: {  	_ =	shalt  }
0x6f: {  	_ =	shalt  }
0x70: {  	_ =	shalt  }
0x71: {  	_ =	shalt  }
0x72: {  	_ =	shalt  }
0x73: {  	_ =	shalt  }
0x74: {  	_ =	shalt  }
0x75: {  	_ =	shalt  }
0x76: {  	_ =	shalt  }
0x77: {  	_ =	shalt  }
0x78: {  	_ =	shalt  }
0x79: {  	_ =	shalt  }
0x7a: {  	_ =	shalt  }
0x7b: {  	_ =	shalt  }
0x7c: {  	_ =	shalt  }
0x7d: {  	_ =	shalt  }
0x7e: {  	_ =	shalt  }
0x7f: {  	_ =	shalt  }
0x80: {  	_ =	shalt  }
0x81: {  	_ =	shalt  }
0x82: {  	_ =	shalt  }
0x83: {  	_ =	shalt  }
0x84: {  	_ =	shalt  }
0x85: {  	_ =	shalt  }
0x86: {  	_ =	shalt  }
0x87: {  	_ =	shalt  }
.Lfunc_end0:
.L_simem_size_0:
called_computation_lowered:
.L_overlay_start_0:
0x88: {  	s2 =	sld [smem:$0x3FD9]  }
0x89: {  	s3 =	sld [smem:$0x3FFE];
	_ =	sdelay $0x1  }
0x8a: {  	s1 =	srdreg.scid  }
0x8b: {  	s0 =	sand.u32 $0x1, s1  }
0x8c: {  	s14 =	sshll.u32 s0, $0xA;
	s2 =	sadd.s32 s3, s2  }
0x8d: {  	s2 =	sadd.s32 s2, s14  }
0x8e: {  	[smem:$0x3FC2] =	sst s2  }
0x8f: {  	_ = 	snop  }
0x90: {  	s2 =	sld [smem:$0x3FD0];
	_ =	sdelay $0x2  }
0x91: {  	s4 =	simm.s32 $0xA;
	s5 =	simm.s32 $0x10;
	s15 =	sld [smem:$0x3FC8]  }
0x92: {  	[smem:s5], [sflag:s4] =	dma.local [hbm:s2], $0x1  }
0x93: {  	_ =	swait.eq [sflag:s4], $0x1  }
0x94: {  	[sflag:s4] =	ssyncset.done $0x0  }
0x95: {  	[sflag:s4] =	ssyncadd.s32 $0xFFFFFFFF  }
0x96: {  	s16 =	sld [smem:$0x10];
	(tm) =	ssettm $0x1  }
0x97: {  	s17 =	sld [smem:$0x3FFB];
	_ =	sdelay $0x3  }
0x98: {  	_ =	strace s17  }
0x99: {  	s4 =	sld [smem:$0x3FFC];
	_ =	sdelay $0x3  }
0x9a: {  	_ =	strace s4  }
0x9b: {  	s4 =	sld [smem:$0x3FFD];
	_ =	sdelay $0x3  }
0x9c: {  	_ =	strace s4  }
0x9d: {  	_ =	strace $0x8FFFFFFF  }
0x9e: {  	s18 =	sld [smem:$0x3FDB];
	_ =	sdelay $0x1  }
0x9f: {  	s19 =	simm.s32 $_scs_section_size  }
0xa0: {  	s6 =	simm.s32 $_size__tile_overlayer_lowered;
	s7 =	simm.s32 $_tile_overlayer_lowered  }
0xa1: {  	s22 =	simm.s32 $0x1BFF;
	s21 =	sshll.u32 s7, $0x1;
	s4 =	sadd.s32 s19, s18  }
0xa2: {  	s8 =	simm.s32 $0x0;
	s20 =	sshll.u32 s6, $0x1;
	s6 =	sadd.s32 s21, s4  }
0xa3: {  	[timem:s8], [sflag:s22] =	dma.local [hbm:s6], s20  }
0xa4: {  	_ =	swait.ge [sflag:s22], s20  }
0xa5: {  	s5 =	ssub.s32 $0x0, s20;
	[sflag:s22] =	ssyncset.done $0x0  }
0xa6: {  	[sflag:s22] =	ssyncadd.s32 s5;
	_ =	sdelay $0x1  }
0xa7: {  	s23 =	simm.s32 $0x1B8B  }
0xa8: {  	_ =	swait.ge [sflag:s23], $0x1  }
0xa9: {  	[sflag:s23] =	ssyncset.done $0x0  }
0xaa: {  	s25 =	simm.s32 $0x1B8E;
	s24 =	sld [smem:$0x3FFE];
	[sflag:s23] =	ssyncadd.s32 $0xFFFFFFFF  }
0xab: {  	s26 =	simm.s32 $execute0_lowered;
	[smem:$0x3FD2] =	sst s25  }
0xac: {  	s6 =	sshll.u32 s26, $0x1;
	_ =	strace $0x80000046;
	[dreg:$0x1] =	wrdreg $0xFFFFFFFF  }
0xad: {  	s28 =	simm.s32 $_size_execute0_lowered;
	s4 =	sadd.s32 s4, s6;
	[dreg:$0x0] =	wrdreg $0x0  }
0xae: {  	s6 =	sshll.u32 s28, $0x1;
	[dreg:$0x2] =	wrdreg s4  }
0xaf: {  	[dreg:$0x3] =	wrdreg s6  }
0xb0: {  	[dreg:$0x4] =	wrdreg $0xC0  }
0xb1: {  	_ =	task [dreg:s8], $0x5FFFF  }
0xb2: {  	[dreg:$0x1] =	wrdreg $0xFFFFFFFF  }
0xb3: {  	[dreg:$0x0] =	wrdreg $0x60  }
0xb4: {  	[dreg:$0x2] =	wrdreg s15  }
0xb5: {  	[dreg:$0x3] =	wrdreg s24  }
0xb6: {  	[dreg:$0x4] =	wrdreg s16  }
0xb7: {  	[dreg:$0x5] =	wrdreg $0x9  }
0xb8: {  	_ =	task.clear_ibuf [dreg:s8], $0x6FFFF;
	_ =	strace $0x90000046  }
0xb9: {  	s29 =	simm.s32 $0x9;
	_ =	strace $0x80000048  }
0xba: {  	_ =	swait.ge [sflag:s29], $0x1  }
0xbb: {  	[sflag:s29] =	ssyncadd.s32 $0xFFFFFFFF  }
0xbc: {  	_ =	strace $0x90000048  }
0xbd: {  	_ =	sfence  }
0xbe: {  	s30 =	sld [smem:$0x0];
	_ =	sdelay $0x2  }
0xbf: {  	s31 =	sshll.u32 s1, $0xD;
	s1 =	sshrl.u32 s1, $0x2  }
0xc0: {  	s3 =	sand.u32 $0x4000, s31;
	s1 =	sadd.s32 s1, s30  }
0xc1: {  	s0 =	sor.u32 s3, s0;
	s1 =	sshll.u32 s1, $0x11  }
0xc2: {  	s0 =	sor.u32 s1, s0  }
0xc3: {  	s0 =	sadd.s32 $0x8F2B, s0  }
0xc4: {  	[sflag:s0] =	ssyncadd.remote.s32 $0x1  }
0xc5: {  	_ =	sfence.sel $0xFFFF  }
0xc6: {  	[dreg:$0x0] =	wrdreg $0xFFFFFFFF;
	(pc) =	sbr.abs _section_cstart, $3  }
0xc7: {  	[dreg:$0x1] =	wrdreg $0xFFFFFFFF  }
0xc8: {  	_ =	task.clear_ibuf [dreg:s8], $0x2FFFF;
	_ =	strace $0x9FFFFFFF  }
0xc9: {  	(tm) =	ssettm $0x7FFFFFFF  }
tec
execute0_lowered:
.L_overlay_start_1:
0x0: {  	(tag) =	ssettag $0x1  }
0x1: {  	s1 =	rddreg [dreg:$0x0];
	s0 =	srdreg.scid  }
0x2: {  	s2 =	rddreg [dreg:$0x1];
	s3 =	stileid.u32;
	s0 =	sand.u32 $0x1, s0  }
0x3: {  	s3 =	sshll.u32 s3, $0x8;
	s5 =	sshll.u32 s0, $0x7;
	s0 =	ssub.s32 $0x2, s0  }
0x4: {  	s4 =	rddreg [dreg:$0x2];
	s5 =	sor.u32 s5, s3;
	s14 =	sshrl.u32 s0, $0x1  }
0x5: {  	s3 =	simm.s32 $0x0;
	s6 =	sshrl.u32 s5, $0x3;
	s0 =	ssub.s32 s0, s14  }
0x6: {  	[smem:$0x7FF] =	sst s3;
	s2 =	sadd.s32 s6, s2;
	s0 =	smax.u32 s0, $0x1  }
0x7: {  	_ =	strace $0x80000047;
	s15 =	sadd.s32 $0x1200, s2;
	[dreg:$0x16] =	wrdreg s0  }
0x8: {  	s16 =	sshll.u32 s5, $0x7;
	s2 =	sadd.s32 $0x1400, s2;
	[dreg:$0x4] =	wrdreg s15  }
0x9: {  	[dreg:$0x5] =	wrdreg s2;
	s2 =	sadd.s32 s4, s16  }
0xa: {  	s4 =	sadd.s32 $0x400, s2;
	[dreg:$0x6] =	wrdreg s2  }
0xb: {  	s9 =	simm.s32 $0x1;
	s17 =	sadd.s32 $0x800, s2;
	[dreg:$0x7] =	wrdreg s4  }
0xc: {  	s28 =	simm.s32 $0xE900;
	s18 =	sadd.s32 $0xC00, s2;
	[dreg:$0x8] =	wrdreg s17  }
0xd: {  	s10 =	simm.s32 $0x10100;
	s19 =	sadd.s32 $0x1000, s2;
	[dreg:$0x9] =	wrdreg s18  }
0xe: {  	s11 =	simm.s32 $0x2;
	s20 =	sadd.s32 $0x1400, s2;
	[dreg:$0xa] =	wrdreg s19  }
0xf: {  	s12 =	simm.s32 $0x12100;
	s21 =	sadd.s32 $0x1800, s2;
	[dreg:$0xb] =	wrdreg s20  }
0x10: {  	s13 =	simm.s32 $0x3;
	s22 =	sadd.s32 $0x1C00, s2;
	[dreg:$0xc] =	wrdreg s21  }
0x11: {  	s7 =	sadd.s32 $0x200, s1;
	s23 =	sadd.s32 $0x2000, s2;
	[dreg:$0xd] =	wrdreg s22  }
0x12: {  	s8 =	sadd.s32 $0x300, s1;
	s24 =	sadd.s32 $0x2400, s2;
	[dreg:$0xe] =	wrdreg s23  }
0x13: {  	s5 =	simm.s32 $0xF900;
	s25 =	sadd.s32 $0x2800, s2;
	[dreg:$0xf] =	wrdreg s24  }
0x14: {  	s14 =	simm.s32 $0x14100;
	s26 =	sadd.s32 $0x2C00, s2;
	[dreg:$0x10] =	wrdreg s25  }
0x15: {  	s6 =	sadd.s32 $0x100, s1;
	s29 =	sadd.s32 $0x3000, s2;
	[dreg:$0x11] =	wrdreg s26  }
0x16: {  	s0 =	simm.s32 $0xE100;
	s30 =	sadd.s32 $0x3400, s2;
	[dreg:$0x12] =	wrdreg s29  }
0x17: {  	s15 =	simm.s32 $0x4;
	s31 =	sadd.s32 $0x3800, s2;
	[dreg:$0x13] =	wrdreg s30  }
0x18: {  	s16 =	simm.s32 $0x16100;
	s2 =	sadd.s32 $0x3C00, s2;
	[dreg:$0x14] =	wrdreg s31  }
0x19: {  	v0 =	vlaneseq.u32;
	[dreg:$0x15] =	wrdreg s2;
	s26 =	simm.s32 $0x9;
	s2 =	simm.s32 $0x7900  }
0x1a: {  	v1 =	vshrl.u32 v0, $0x3;
	s4 =	simm.s32 $0xF100;
	s17 =	simm.s32 $0x5;
	s18 =	simm.s32 $0x6  }
0x1b: {  	vm0 =	vmmov $0xffff;
	v0 =	vand.u32 $0x7, v0;
	v1 =	vmul.u32 $0x8, v1;
	s19 =	simm.s32 $0x7;
	s20 =	simm.s32 $0x8;
	s21 =	simm.s32 $0x0  }
.LBB2_1:
0x1c: {  	s22 =	rddreg [dreg:$0x4]  }
0x1d: {  	[tilespmem:s3], [sflag:$0x9] =	stream.linear.gather [hbm4b:s22+s3], $0x80, $0x38;
	[tilespmem:$0x18100] =	vst v63  }
0x1e: {  	_ =	swait.ge [sflag:s26], $0x80  }
0x1f: {  	[sflag:s26] =	ssyncset.done $0x0  }
0x20: {  	s23 =	simm.s32 $0x80;
	s31 =	rddreg [dreg:$0x5];
	[sflag:s26] =	ssyncadd.s32 $0xFFFFFF80  }
0x21: {  	[tilespmem:s23], [sflag:$0x9] =	stream.linear.gather [hbm4b:s31+s3], $0x80, $0x38;
	[tilespmem:$0x18100] =	vst v63  }
0x22: {  	_ =	swait.ge [sflag:s26], $0x80  }
0x23: {  	[sflag:s26] =	ssyncset.done $0x0  }
0x24: {  	[sflag:s26] =	ssyncadd.s32 $0xFFFFFF80  }
0x25: {  	v2 =	vld.msk [tilespmem:$0x0], $0xff;
	_ =	sdelay $0x4  }
0x26: {  	v3 =	vshll.u32 v2, $0x3  }
0x27: {  	v2 =	vand.u32 $0x7, v2;
	v3 =	vand.u32 $0xFFFFFFC0, v3  }
0x28: {  	v2 =	vor.u32 v2, v3  }
0x29: {  	v2 =	vperm.xlane v2, v0;
	_ =	sdelay $0x1  }
0x2a: {  	v2 =	vadd.s32 v1, v2;
	_ =	sdelay $0x3  }
0x2b: {  	s24 =	simm.s32 $0x100  }
0x2c: {  	[tilespmem:s24], [sflag:$0x1] =	stream.indirect_vreg.gather [hbm4b:s1+s3], $0x80, v2, vm0, $0xb8;
	[tilespmem:$0x18100] =	vst v63  }
0x2d: {  	s25 =	simm.s32 $0x900  }
0x2e: {  	[tilespmem:s25], [sflag:$0x1] =	stream.indirect_vreg.gather [hbm4b:s6+s3], $0x80, v2, vm0, $0xb8;
	[tilespmem:$0x18100] =	vst v63  }
0x2f: {  	s29 =	simm.s32 $0x1100  }
0x30: {  	[tilespmem:s29], [sflag:$0x1] =	stream.indirect_vreg.gather [hbm4b:s7+s3], $0x80, v2, vm0, $0xb8;
	[tilespmem:$0x18100] =	vst v63  }
0x31: {  	s30 =	simm.s32 $0x1900  }
0x32: {  	[tilespmem:s30], [sflag:$0x1] =	stream.indirect_vreg.gather [hbm4b:s8+s3], $0x80, v2, vm0, $0xb8;
	[tilespmem:$0x18100] =	vst v63  }
0x33: {  	v2 =	vld.msk [tilespmem:$0x80], $0xff;
	_ =	sdelay $0x4  }
0x34: {  	v3 =	vshll.u32 v2, $0x3  }
0x35: {  	v2 =	vand.u32 $0x7, v2;
	v3 =	vand.u32 $0xFFFFFFC0, v3  }
0x36: {  	v2 =	vor.u32 v2, v3  }
0x37: {  	v2 =	vperm.xlane v2, v0;
	_ =	sdelay $0x1  }
0x38: {  	v2 =	vadd.s32 v1, v2;
	_ =	sdelay $0x3  }
0x39: {  	s31 =	simm.s32 $0x8100  }
0x3a: {  	[tilespmem:s31], [sflag:$0x1] =	stream.indirect_vreg.gather [hbm4b:s1+s3], $0x80, v2, vm0, $0xb8;
	[tilespmem:$0x18100] =	vst v63  }
0x3b: {  	s23 =	simm.s32 $0x8900  }
0x3c: {  	[tilespmem:s23], [sflag:$0x1] =	stream.indirect_vreg.gather [hbm4b:s6+s3], $0x80, v2, vm0, $0xb8;
	[tilespmem:$0x18100] =	vst v63  }
0x3d: {  	s24 =	simm.s32 $0x9100  }
0x3e: {  	[tilespmem:s24], [sflag:$0x1] =	stream.indirect_vreg.gather [hbm4b:s7+s3], $0x80, v2, vm0, $0xb8;
	[tilespmem:$0x18100] =	vst v63  }
0x3f: {  	s25 =	simm.s32 $0x9900  }
0x40: {  	[tilespmem:s25], [sflag:$0x1] =	stream.indirect_vreg.gather [hbm4b:s8+s3], $0x80, v2, vm0, $0xb8;
	[tilespmem:$0x18100] =	vst v63  }
0x41: {  	v2 =	vld.msk [tilespmem:$0x8], $0xff;
	_ =	sdelay $0x4  }
0x42: {  	v3 =	vshll.u32 v2, $0x3  }
0x43: {  	v2 =	vand.u32 $0x7, v2;
	v3 =	vand.u32 $0xFFFFFFC0, v3  }
0x44: {  	v2 =	vor.u32 v2, v3  }
0x45: {  	v2 =	vperm.xlane v2, v0;
	_ =	sdelay $0x1  }
0x46: {  	v2 =	vadd.s32 v1, v2;
	_ =	sdelay $0x3  }
0x47: {  	s29 =	simm.s32 $0x2100  }
0x48: {  	[tilespmem:s29], [sflag:$0x2] =	stream.indirect_vreg.gather [hbm4b:s1+s3], $0x80, v2, vm0, $0xb8;
	[tilespmem:$0x18100] =	vst v63  }
0x49: {  	s30 =	simm.s32 $0x2900  }
0x4a: {  	[tilespmem:s30], [sflag:$0x2] =	stream.indirect_vreg.gather [hbm4b:s6+s3], $0x80, v2, vm0, $0xb8;
	[tilespmem:$0x18100] =	vst v63  }
0x4b: {  	s31 =	simm.s32 $0x3100  }
0x4c: {  	[tilespmem:s31], [sflag:$0x2] =	stream.indirect_vreg.gather [hbm4b:s7+s3], $0x80, v2, vm0, $0xb8;
	[tilespmem:$0x18100] =	vst v63  }
0x4d: {  	s23 =	simm.s32 $0x3900  }
0x4e: {  	[tilespmem:s23], [sflag:$0x2] =	stream.indirect_vreg.gather [hbm4b:s8+s3], $0x80, v2, vm0, $0xb8;
	[tilespmem:$0x18100] =	vst v63  }
0x4f: {  	v2 =	vld.msk [tilespmem:$0x88], $0xff;
	_ =	sdelay $0x4  }
0x50: {  	v3 =	vshll.u32 v2, $0x3  }
0x51: {  	v2 =	vand.u32 $0x7, v2;
	v3 =	vand.u32 $0xFFFFFFC0, v3  }
0x52: {  	v2 =	vor.u32 v2, v3  }
0x53: {  	v2 =	vperm.xlane v2, v0;
	_ =	sdelay $0x1  }
0x54: {  	v2 =	vadd.s32 v1, v2;
	_ =	sdelay $0x3  }
0x55: {  	s24 =	simm.s32 $0xA100  }
0x56: {  	[tilespmem:s24], [sflag:$0x2] =	stream.indirect_vreg.gather [hbm4b:s1+s3], $0x80, v2, vm0, $0xb8;
	[tilespmem:$0x18100] =	vst v63  }
0x57: {  	s25 =	simm.s32 $0xA900  }
0x58: {  	[tilespmem:s25], [sflag:$0x2] =	stream.indirect_vreg.gather [hbm4b:s6+s3], $0x80, v2, vm0, $0xb8;
	[tilespmem:$0x18100] =	vst v63  }
0x59: {  	s29 =	simm.s32 $0xB100  }
0x5a: {  	[tilespmem:s29], [sflag:$0x2] =	stream.indirect_vreg.gather [hbm4b:s7+s3], $0x80, v2, vm0, $0xb8;
	[tilespmem:$0x18100] =	vst v63  }
0x5b: {  	s30 =	simm.s32 $0xB900  }
0x5c: {  	[tilespmem:s30], [sflag:$0x2] =	stream.indirect_vreg.gather [hbm4b:s8+s3], $0x80, v2, vm0, $0xb8;
	[tilespmem:$0x18100] =	vst v63  }
0x5d: {  	v2 =	vld.msk [tilespmem:$0x10], $0xff;
	_ =	sdelay $0x4  }
0x5e: {  	v3 =	vshll.u32 v2, $0x3  }
0x5f: {  	v2 =	vand.u32 $0x7, v2;
	v3 =	vand.u32 $0xFFFFFFC0, v3  }
0x60: {  	v2 =	vor.u32 v2, v3  }
0x61: {  	v2 =	vperm.xlane v2, v0;
	_ =	sdelay $0x1  }
0x62: {  	v2 =	vadd.s32 v1, v2;
	_ =	sdelay $0x3  }
0x63: {  	s31 =	simm.s32 $0x4100  }
0x64: {  	[tilespmem:s31], [sflag:$0x3] =	stream.indirect_vreg.gather [hbm4b:s1+s3], $0x80, v2, vm0, $0xb8;
	[tilespmem:$0x18100] =	vst v63  }
0x65: {  	s23 =	simm.s32 $0x4900  }
0x66: {  	[tilespmem:s23], [sflag:$0x3] =	stream.indirect_vreg.gather [hbm4b:s6+s3], $0x80, v2, vm0, $0xb8;
	[tilespmem:$0x18100] =	vst v63  }
0x67: {  	s24 =	simm.s32 $0x5100  }
0x68: {  	[tilespmem:s24], [sflag:$0x3] =	stream.indirect_vreg.gather [hbm4b:s7+s3], $0x80, v2, vm0, $0xb8;
	[tilespmem:$0x18100] =	vst v63  }
0x69: {  	s25 =	simm.s32 $0x5900  }
0x6a: {  	[tilespmem:s25], [sflag:$0x3] =	stream.indirect_vreg.gather [hbm4b:s8+s3], $0x80, v2, vm0, $0xb8;
	[tilespmem:$0x18100] =	vst v63  }
0x6b: {  	v2 =	vld.msk [tilespmem:$0x90], $0xff;
	_ =	sdelay $0x4  }
0x6c: {  	v3 =	vshll.u32 v2, $0x3  }
0x6d: {  	v2 =	vand.u32 $0x7, v2;
	v3 =	vand.u32 $0xFFFFFFC0, v3  }
0x6e: {  	v2 =	vor.u32 v2, v3  }
0x6f: {  	v2 =	vperm.xlane v2, v0;
	_ =	sdelay $0x1  }
0x70: {  	v2 =	vadd.s32 v1, v2;
	_ =	sdelay $0x3  }
0x71: {  	s29 =	simm.s32 $0xC100  }
0x72: {  	[tilespmem:s29], [sflag:$0x3] =	stream.indirect_vreg.gather [hbm4b:s1+s3], $0x80, v2, vm0, $0xb8;
	[tilespmem:$0x18100] =	vst v63  }
0x73: {  	s30 =	simm.s32 $0xC900  }
0x74: {  	[tilespmem:s30], [sflag:$0x3] =	stream.indirect_vreg.gather [hbm4b:s6+s3], $0x80, v2, vm0, $0xb8;
	[tilespmem:$0x18100] =	vst v63  }
0x75: {  	s31 =	simm.s32 $0xD100  }
0x76: {  	[tilespmem:s31], [sflag:$0x3] =	stream.indirect_vreg.gather [hbm4b:s7+s3], $0x80, v2, vm0, $0xb8;
	[tilespmem:$0x18100] =	vst v63  }
0x77: {  	s23 =	simm.s32 $0xD900  }
0x78: {  	[tilespmem:s23], [sflag:$0x3] =	stream.indirect_vreg.gather [hbm4b:s8+s3], $0x80, v2, vm0, $0xb8;
	[tilespmem:$0x18100] =	vst v63  }
0x79: {  	_ =	swait.ge [sflag:s9], $0x2000  }
0x7a: {  	[sflag:s9] =	ssyncset.done $0x0  }
0x7b: {  	[sflag:s9] =	ssyncadd.s32 $0xFFFFE000  }
0x7c: {  	_ =	swait.ge [sflag:s9], $0x2000  }
0x7d: {  	[sflag:s9] =	ssyncset.done $0x0  }
0x7e: {  	[sflag:s9] =	ssyncadd.s32 $0xFFFFE000  }
0x7f: {  	v2 =	vld.msk [tilespmem:$0x18], $0xff;
	_ =	sdelay $0x4  }
0x80: {  	v3 =	vshll.u32 v2, $0x3  }
0x81: {  	v2 =	vand.u32 $0x7, v2;
	v3 =	vand.u32 $0xFFFFFFC0, v3  }
0x82: {  	v2 =	vor.u32 v2, v3  }
0x83: {  	v2 =	vperm.xlane v2, v0;
	_ =	sdelay $0x1  }
0x84: {  	v2 =	vadd.s32 v1, v2;
	_ =	sdelay $0x3  }
0x85: {  	s24 =	simm.s32 $0x6100  }
0x86: {  	[tilespmem:s24], [sflag:$0x4] =	stream.indirect_vreg.gather [hbm4b:s1+s3], $0x80, v2, vm0, $0xb8;
	[tilespmem:$0x18100] =	vst v63  }
0x87: {  	s25 =	simm.s32 $0x6900  }
0x88: {  	[tilespmem:s25], [sflag:$0x4] =	stream.indirect_vreg.gather [hbm4b:s6+s3], $0x80, v2, vm0, $0xb8;
	[tilespmem:$0x18100] =	vst v63  }
0x89: {  	s29 =	simm.s32 $0x7100  }
0x8a: {  	[tilespmem:s29], [sflag:$0x4] =	stream.indirect_vreg.gather [hbm4b:s7+s3], $0x80, v2, vm0, $0xb8;
	[tilespmem:$0x18100] =	vst v63  }
0x8b: {  	_ = 	snop  }
0x8c: {  	[tilespmem:s2], [sflag:$0x4] =	stream.indirect_vreg.gather [hbm4b:s8+s3], $0x80, v2, vm0, $0xb8;
	[tilespmem:$0x18100] =	vst v63  }
0x8d: {  	v2 =	vld.msk [tilespmem:$0x98], $0xff;
	_ =	sdelay $0x4  }
0x8e: {  	v3 =	vshll.u32 v2, $0x3  }
0x8f: {  	v2 =	vand.u32 $0x7, v2;
	v3 =	vand.u32 $0xFFFFFFC0, v3  }
0x90: {  	v2 =	vor.u32 v2, v3  }
0x91: {  	v2 =	vperm.xlane v2, v0;
	_ =	sdelay $0x1  }
0x92: {  	v2 =	vadd.s32 v1, v2;
	_ =	sdelay $0x4  }
0x93: {  	[tilespmem:s0], [sflag:$0x4] =	stream.indirect_vreg.gather [hbm4b:s1+s3], $0x80, v2, vm0, $0xb8;
	[tilespmem:$0x18100] =	vst v63  }
0x94: {  	s30 =	sand.u32 $0x1C00, s3  }
0x95: {  	[tilespmem:s28], [sflag:$0x4] =	stream.indirect_vreg.gather [hbm4b:s6+s3], $0x80, v2, vm0, $0xb8;
	[tilespmem:$0x18100] =	vst v63  }
0x96: {  	s31 =	sor.u32 s30, s3  }
0x97: {  	[tilespmem:s4], [sflag:$0x4] =	stream.indirect_vreg.gather [hbm4b:s7+s3], $0x80, v2, vm0, $0xb8;
	[tilespmem:$0x18100] =	vst v63  }
0x98: {  	s23 =	sor.u32 $0x70, s31  }
0x99: {  	[tilespmem:s5], [sflag:$0x4] =	stream.indirect_vreg.gather [hbm4b:s8+s3], $0x80, v2, vm0, $0xb8;
	[tilespmem:$0x18100] =	vst v63  }
0x9a: {  	s24 =	sand.u32 $0x380, s3;
	v2 =	vld [tilespmem:s23+$0x100]  }
0x9b: {  	s22 =	sor.u32 s24, s30;
	v3 =	vld [tilespmem:s23+$0x8100]  }
0x9c: {  	v4 =	vld [tilespmem:s22+$0x100]  }
0x9d: {  	v5 =	vld [tilespmem:s22+$0x8100]  }
0x9e: {  	v6 =	vld [tilespmem:s22+$0x110]  }
0x9f: {  	v7 =	vld [tilespmem:s22+$0x8110]  }
0xa0: {  	v8 =	vld [tilespmem:s22+$0x120]  }
0xa1: {  	v9 =	vld [tilespmem:s22+$0x8120];
	v3 =	vadd.f32 v3, v2  }
0xa2: {  	v4 =	vadd.f32 v5, v4;
	v2 =	vld [tilespmem:s22+$0x130]  }
0xa3: {  	v5 =	vld [tilespmem:s22+$0x8130];
	v10 =	vmul.f32 $5.000000000e-01, v3  }
0xa4: {  	v7 =	vadd.f32 v7, v6;
	v6 =	vld [tilespmem:s22+$0x8140];
	v4 =	vmul.f32 $5.000000000e-01, v4  }
0xa5: {  	v3 =	vld [tilespmem:s22+$0x140];
	[tilespmem:s23+$0x10100] =	vst v10  }
0xa6: {  	s24 =	simm.s32 $0x400;
	s25 =	simm.s32 $0x0;
	v8 =	vadd.f32 v9, v8;
	v7 =	vmul.f32 $5.000000000e-01, v7;
	s23 =	simm.s32 $0x0;
	[tilespmem:s22+$0x10100] =	vst v4;
	v4 =	vld [tilespmem:s22+$0x150]  }
.LBB2_2:
0xa7: {  	s29 =	sand.u32 $0x1C00, s24;
	v9 =	vld [tilespmem:s22+$0x8150];
	s25 =	sadd.s32 $0x10, s25  }
0xa8: {  	s23 =	sadd.s32 $0x8, s23;
	s30 =	sand.u32 $0x380, s25;
	s31 =	sor.u32 s29, s25;
	[tilespmem:s22+$0x10110] =	vst v7;
	v7 =	vmul.f32 $5.000000000e-01, v8;
	v2 =	vadd.f32 v5, v2;
	v5 =	vld [tilespmem:s22+$0x160]  }
0xa9: {  	p0 =	slt.u32 s23, $0x1F8;
	s29 =	sor.u32 s30, s29;
	s30 =	sor.u32 $0x70, s31;
	v8 =	vld [tilespmem:s22+$0x8160]  }
0xaa: {  	v10 =	vld [tilespmem:s30+$0x100];
	[tilespmem:s22+$0x10120] =	vst v7;
	v2 =	vmul.f32 $5.000000000e-01, v2;
	v3 =	vadd.f32 v6, v3  }
0xab: {  	v6 =	vld [tilespmem:s30+$0x8100]  }
0xac: {  	v7 =	vld [tilespmem:s29+$0x100];
	[tilespmem:s22+$0x10130] =	vst v2;
	v2 =	vmul.f32 $5.000000000e-01, v3;
	v3 =	vadd.f32 v9, v4  }
0xad: {  	v4 =	vld [tilespmem:s29+$0x8100]  }
0xae: {  	v9 =	vld [tilespmem:s29+$0x110];
	[tilespmem:s22+$0x10140] =	vst v2;
	v2 =	vmul.f32 $5.000000000e-01, v3;
	v3 =	vadd.f32 v8, v5  }
0xaf: {  	v8 =	vld [tilespmem:s29+$0x8110]  }
0xb0: {  	v11 =	vld [tilespmem:s29+$0x120];
	v5 =	vadd.f32 v6, v10;
	[tilespmem:s22+$0x10150] =	vst v2;
	v3 =	vmul.f32 $5.000000000e-01, v3  }
0xb1: {  	v10 =	vld [tilespmem:s29+$0x8120]  }
.Ltmp0:
0xb2: {  	v4 =	vadd.f32 v4, v7;
	v2 =	vld [tilespmem:s29+$0x130];
	v6 =	vmul.f32 $5.000000000e-01, v5;
	[tilespmem:s22+$0x10160] =	vst v3;
	s22 =	smov.u32 s29;
	(pc) =	sbr.rel @p0 .LBB2_2-.Ltmp0, $4  }
0xb3: {  	v5 =	vld [tilespmem:s22+$0x8130]  }
0xb4: {  	v4 =	vmul.f32 $5.000000000e-01, v4;
	v7 =	vadd.f32 v8, v9;
	v3 =	vld [tilespmem:s22+$0x140];
	[tilespmem:s30+$0x10100] =	vst v6  }
0xb5: {  	v6 =	vld [tilespmem:s22+$0x8140]  }
0xb6: {  	s24 =	sadd.s32 $0x400, s24;
	[tilespmem:s22+$0x10100] =	vst v4;
	v7 =	vmul.f32 $5.000000000e-01, v7;
	v8 =	vadd.f32 v10, v11;
	v4 =	vld [tilespmem:s22+$0x150]  }
0xb7: {  	v9 =	vld [tilespmem:s22+$0x8150]  }
0xb8: {  	v10 =	vld [tilespmem:s22+$0x160]  }
0xb9: {  	v11 =	vld [tilespmem:s22+$0x8160];
	_ =	sdelay $0x1  }
0xba: {  	v2 =	vadd.f32 v5, v2  }
0xbb: {  	v5 =	vmul.f32 $5.000000000e-01, v8;
	v3 =	vadd.f32 v6, v3  }
0xbc: {  	[tilespmem:s22+$0x10110] =	vst v7;
	v2 =	vmul.f32 $5.000000000e-01, v2;
	v4 =	vadd.f32 v9, v4  }
0xbd: {  	[tilespmem:s22+$0x10120] =	vst v5;
	v3 =	vmul.f32 $5.000000000e-01, v3;
	v5 =	vadd.f32 v11, v10  }
0xbe: {  	[tilespmem:s22+$0x10130] =	vst v2;
	v2 =	vmul.f32 $5.000000000e-01, v4  }
0xbf: {  	[tilespmem:s22+$0x10140] =	vst v3;
	v3 =	vmul.f32 $5.000000000e-01, v5  }
0xc0: {  	[tilespmem:s22+$0x10150] =	vst v2  }
0xc1: {  	[tilespmem:s22+$0x10160] =	vst v3  }
0xc2: {  	s22 =	simm.s32 $0x0;
	s23 =	rddreg [dreg:$0x6]  }
0xc3: {  	[hbm4b:s23+s22] =	stream.linear.scatter [tilespmem:s10], [sflag:$0x5], $0x2000, $0x38;
	[tilespmem:$0x18100] =	vst v63  }
0xc4: {  	_ =	swait.ge [sflag:s11], $0x2000  }
0xc5: {  	[sflag:s11] =	ssyncset.done $0x0  }
0xc6: {  	[sflag:s11] =	ssyncadd.s32 $0xFFFFE000  }
0xc7: {  	_ =	swait.ge [sflag:s11], $0x2000  }
0xc8: {  	[sflag:s11] =	ssyncset.done $0x0  }
0xc9: {  	[sflag:s11] =	ssyncadd.s32 $0xFFFFE000  }
0xca: {  	v2 =	vld.msk [tilespmem:$0x20], $0xff;
	_ =	sdelay $0x4  }
0xcb: {  	v3 =	vshll.u32 v2, $0x3  }
0xcc: {  	v2 =	vand.u32 $0x7, v2;
	v3 =	vand.u32 $0xFFFFFFC0, v3  }
0xcd: {  	v2 =	vor.u32 v2, v3  }
0xce: {  	v2 =	vperm.xlane v2, v0;
	_ =	sdelay $0x1  }
0xcf: {  	v2 =	vadd.s32 v1, v2;
	_ =	sdelay $0x3  }
0xd0: {  	s25 =	simm.s32 $0x100  }
0xd1: {  	[tilespmem:s25], [sflag:$0x1] =	stream.indirect_vreg.gather [hbm4b:s1+s22], $0x80, v2, vm0, $0xb8;
	[tilespmem:$0x18100] =	vst v63  }
0xd2: {  	s29 =	simm.s32 $0x900  }
0xd3: {  	[tilespmem:s29], [sflag:$0x1] =	stream.indirect_vreg.gather [hbm4b:s6+s22], $0x80, v2, vm0, $0xb8;
	[tilespmem:$0x18100] =	vst v63  }
0xd4: {  	s30 =	simm.s32 $0x1100  }
0xd5: {  	[tilespmem:s30], [sflag:$0x1] =	stream.indirect_vreg.gather [hbm4b:s7+s22], $0x80, v2, vm0, $0xb8;
	[tilespmem:$0x18100] =	vst v63  }
0xd6: {  	s31 =	simm.s32 $0x1900  }
0xd7: {  	[tilespmem:s31], [sflag:$0x1] =	stream.indirect_vreg.gather [hbm4b:s8+s22], $0x80, v2, vm0, $0xb8;
	[tilespmem:$0x18100] =	vst v63  }
0xd8: {  	v2 =	vld.msk [tilespmem:$0xA0], $0xff;
	_ =	sdelay $0x4  }
0xd9: {  	v3 =	vshll.u32 v2, $0x3  }
0xda: {  	v2 =	vand.u32 $0x7, v2;
	v3 =	vand.u32 $0xFFFFFFC0, v3  }
0xdb: {  	v2 =	vor.u32 v2, v3  }
0xdc: {  	v2 =	vperm.xlane v2, v0;
	_ =	sdelay $0x1  }
0xdd: {  	v2 =	vadd.s32 v1, v2;
	_ =	sdelay $0x3  }
0xde: {  	s24 =	simm.s32 $0x8100  }
0xdf: {  	[tilespmem:s24], [sflag:$0x1] =	stream.indirect_vreg.gather [hbm4b:s1+s22], $0x80, v2, vm0, $0xb8;
	[tilespmem:$0x18100] =	vst v63  }
0xe0: {  	s25 =	simm.s32 $0x8900;
	s31 =	sand.u32 $0x1C00, s22  }
0xe1: {  	[tilespmem:s25], [sflag:$0x1] =	stream.indirect_vreg.gather [hbm4b:s6+s22], $0x80, v2, vm0, $0xb8;
	[tilespmem:$0x18100] =	vst v63  }
0xe2: {  	s29 =	simm.s32 $0x9100;
	s24 =	sor.u32 s31, s22  }
0xe3: {  	[tilespmem:s29], [sflag:$0x1] =	stream.indirect_vreg.gather [hbm4b:s7+s22], $0x80, v2, vm0, $0xb8;
	[tilespmem:$0x18100] =	vst v63  }
0xe4: {  	s30 =	simm.s32 $0x9900;
	s24 =	sor.u32 $0x70, s24  }
0xe5: {  	[tilespmem:s30], [sflag:$0x1] =	stream.indirect_vreg.gather [hbm4b:s8+s22], $0x80, v2, vm0, $0xb8;
	[tilespmem:$0x18100] =	vst v63  }
0xe6: {  	s25 =	sand.u32 $0x380, s22;
	v2 =	vld [tilespmem:s24+$0x2100]  }
0xe7: {  	s23 =	sor.u32 s25, s31;
	v3 =	vld [tilespmem:s24+$0xA100]  }
0xe8: {  	v4 =	vld [tilespmem:s23+$0x2100]  }
0xe9: {  	v5 =	vld [tilespmem:s23+$0xA100]  }
0xea: {  	v6 =	vld [tilespmem:s23+$0x2110]  }
0xeb: {  	v7 =	vld [tilespmem:s23+$0xA110]  }
0xec: {  	v8 =	vld [tilespmem:s23+$0x2120]  }
0xed: {  	v9 =	vld [tilespmem:s23+$0xA120];
	v3 =	vadd.f32 v3, v2  }
0xee: {  	v4 =	vadd.f32 v5, v4;
	v2 =	vld [tilespmem:s23+$0x2130]  }
0xef: {  	v5 =	vld [tilespmem:s23+$0xA130];
	v10 =	vmul.f32 $5.000000000e-01, v3  }
0xf0: {  	v7 =	vadd.f32 v7, v6;
	v6 =	vld [tilespmem:s23+$0xA140];
	v4 =	vmul.f32 $5.000000000e-01, v4  }
0xf1: {  	v3 =	vld [tilespmem:s23+$0x2140];
	[tilespmem:s24+$0x12100] =	vst v10  }
0xf2: {  	s25 =	simm.s32 $0x400;
	v8 =	vadd.f32 v9, v8;
	v7 =	vmul.f32 $5.000000000e-01, v7;
	s24 =	simm.s32 $0x0;
	[tilespmem:s23+$0x12100] =	vst v4;
	v4 =	vld [tilespmem:s23+$0x2150]  }
.LBB2_4:
0xf3: {  	s29 =	sand.u32 $0x1C00, s25;
	v9 =	vld [tilespmem:s23+$0xA150];
	s22 =	sadd.s32 $0x10, s22  }
0xf4: {  	s24 =	sadd.s32 $0x8, s24;
	s30 =	sand.u32 $0x380, s22;
	s31 =	sor.u32 s29, s22;
	[tilespmem:s23+$0x12110] =	vst v7;
	v7 =	vmul.f32 $5.000000000e-01, v8;
	v2 =	vadd.f32 v5, v2;
	v5 =	vld [tilespmem:s23+$0x2160]  }
0xf5: {  	p0 =	slt.u32 s24, $0x1F8;
	s29 =	sor.u32 s30, s29;
	s30 =	sor.u32 $0x70, s31;
	v8 =	vld [tilespmem:s23+$0xA160]  }
0xf6: {  	v10 =	vld [tilespmem:s30+$0x2100];
	[tilespmem:s23+$0x12120] =	vst v7;
	v2 =	vmul.f32 $5.000000000e-01, v2;
	v3 =	vadd.f32 v6, v3  }
0xf7: {  	v6 =	vld [tilespmem:s30+$0xA100]  }
0xf8: {  	v7 =	vld [tilespmem:s29+$0x2100];
	[tilespmem:s23+$0x12130] =	vst v2;
	v2 =	vmul.f32 $5.000000000e-01, v3;
	v3 =	vadd.f32 v9, v4  }
0xf9: {  	v4 =	vld [tilespmem:s29+$0xA100]  }
0xfa: {  	v9 =	vld [tilespmem:s29+$0x2110];
	[tilespmem:s23+$0x12140] =	vst v2;
	v2 =	vmul.f32 $5.000000000e-01, v3;
	v3 =	vadd.f32 v8, v5  }
0xfb: {  	v8 =	vld [tilespmem:s29+$0xA110]  }
0xfc: {  	v11 =	vld [tilespmem:s29+$0x2120];
	v5 =	vadd.f32 v6, v10;
	[tilespmem:s23+$0x12150] =	vst v2;
	v3 =	vmul.f32 $5.000000000e-01, v3  }
0xfd: {  	v10 =	vld [tilespmem:s29+$0xA120]  }
.Ltmp1:
0xfe: {  	v4 =	vadd.f32 v4, v7;
	v2 =	vld [tilespmem:s29+$0x2130];
	v6 =	vmul.f32 $5.000000000e-01, v5;
	[tilespmem:s23+$0x12160] =	vst v3;
	s23 =	smov.u32 s29;
	(pc) =	sbr.rel @p0 .LBB2_4-.Ltmp1, $4  }
0xff: {  	v5 =	vld [tilespmem:s23+$0xA130]  }
0x100: {  	v4 =	vmul.f32 $5.000000000e-01, v4;
	v7 =	vadd.f32 v8, v9;
	v3 =	vld [tilespmem:s23+$0x2140];
	[tilespmem:s30+$0x12100] =	vst v6  }
0x101: {  	v6 =	vld [tilespmem:s23+$0xA140]  }
0x102: {  	s25 =	sadd.s32 $0x400, s25;
	[tilespmem:s23+$0x12100] =	vst v4;
	v7 =	vmul.f32 $5.000000000e-01, v7;
	v8 =	vadd.f32 v10, v11;
	v4 =	vld [tilespmem:s23+$0x2150]  }
0x103: {  	v9 =	vld [tilespmem:s23+$0xA150]  }
0x104: {  	v10 =	vld [tilespmem:s23+$0x2160]  }
0x105: {  	v11 =	vld [tilespmem:s23+$0xA160];
	_ =	sdelay $0x1  }
0x106: {  	v2 =	vadd.f32 v5, v2  }
0x107: {  	v5 =	vmul.f32 $5.000000000e-01, v8;
	v3 =	vadd.f32 v6, v3  }
0x108: {  	[tilespmem:s23+$0x12110] =	vst v7;
	v2 =	vmul.f32 $5.000000000e-01, v2;
	v4 =	vadd.f32 v9, v4  }
0x109: {  	[tilespmem:s23+$0x12120] =	vst v5;
	v3 =	vmul.f32 $5.000000000e-01, v3;
	v5 =	vadd.f32 v11, v10  }
0x10a: {  	[tilespmem:s23+$0x12130] =	vst v2;
	v2 =	vmul.f32 $5.000000000e-01, v4  }
0x10b: {  	[tilespmem:s23+$0x12140] =	vst v3;
	v3 =	vmul.f32 $5.000000000e-01, v5  }
0x10c: {  	[tilespmem:s23+$0x12150] =	vst v2  }
0x10d: {  	[tilespmem:s23+$0x12160] =	vst v3  }
0x10e: {  	s22 =	simm.s32 $0x0;
	s23 =	rddreg [dreg:$0x7]  }
0x10f: {  	[hbm4b:s23+s22] =	stream.linear.scatter [tilespmem:s12], [sflag:$0x6], $0x2000, $0x38;
	[tilespmem:$0x18100] =	vst v63  }
0x110: {  	_ =	swait.ge [sflag:s13], $0x2000  }
0x111: {  	[sflag:s13] =	ssyncset.done $0x0  }
0x112: {  	[sflag:s13] =	ssyncadd.s32 $0xFFFFE000  }
0x113: {  	_ =	swait.ge [sflag:s13], $0x2000  }
0x114: {  	[sflag:s13] =	ssyncset.done $0x0  }
0x115: {  	[sflag:s13] =	ssyncadd.s32 $0xFFFFE000  }
0x116: {  	v2 =	vld.msk [tilespmem:$0x28], $0xff;
	_ =	sdelay $0x4  }
0x117: {  	v3 =	vshll.u32 v2, $0x3  }
0x118: {  	v2 =	vand.u32 $0x7, v2;
	v3 =	vand.u32 $0xFFFFFFC0, v3  }
0x119: {  	v2 =	vor.u32 v2, v3  }
0x11a: {  	v2 =	vperm.xlane v2, v0;
	_ =	sdelay $0x1  }
0x11b: {  	v2 =	vadd.s32 v1, v2;
	_ =	sdelay $0x3  }
0x11c: {  	s25 =	simm.s32 $0x2100  }
0x11d: {  	[tilespmem:s25], [sflag:$0x2] =	stream.indirect_vreg.gather [hbm4b:s1+s22], $0x80, v2, vm0, $0xb8;
	[tilespmem:$0x18100] =	vst v63  }
0x11e: {  	s29 =	simm.s32 $0x2900  }
0x11f: {  	[tilespmem:s29], [sflag:$0x2] =	stream.indirect_vreg.gather [hbm4b:s6+s22], $0x80, v2, vm0, $0xb8;
	[tilespmem:$0x18100] =	vst v63  }
0x120: {  	s30 =	simm.s32 $0x3100  }
0x121: {  	[tilespmem:s30], [sflag:$0x2] =	stream.indirect_vreg.gather [hbm4b:s7+s22], $0x80, v2, vm0, $0xb8;
	[tilespmem:$0x18100] =	vst v63  }
0x122: {  	s31 =	simm.s32 $0x3900  }
0x123: {  	[tilespmem:s31], [sflag:$0x2] =	stream.indirect_vreg.gather [hbm4b:s8+s22], $0x80, v2, vm0, $0xb8;
	[tilespmem:$0x18100] =	vst v63  }
0x124: {  	v2 =	vld.msk [tilespmem:$0xA8], $0xff;
	_ =	sdelay $0x4  }
0x125: {  	v3 =	vshll.u32 v2, $0x3  }
0x126: {  	v2 =	vand.u32 $0x7, v2;
	v3 =	vand.u32 $0xFFFFFFC0, v3  }
0x127: {  	v2 =	vor.u32 v2, v3  }
0x128: {  	v2 =	vperm.xlane v2, v0;
	_ =	sdelay $0x1  }
0x129: {  	v2 =	vadd.s32 v1, v2;
	_ =	sdelay $0x3  }
0x12a: {  	s24 =	simm.s32 $0xA100  }
0x12b: {  	[tilespmem:s24], [sflag:$0x2] =	stream.indirect_vreg.gather [hbm4b:s1+s22], $0x80, v2, vm0, $0xb8;
	[tilespmem:$0x18100] =	vst v63  }
0x12c: {  	s25 =	simm.s32 $0xA900;
	s31 =	sand.u32 $0x1C00, s22  }
0x12d: {  	[tilespmem:s25], [sflag:$0x2] =	stream.indirect_vreg.gather [hbm4b:s6+s22], $0x80, v2, vm0, $0xb8;
	[tilespmem:$0x18100] =	vst v63  }
0x12e: {  	s29 =	simm.s32 $0xB100;
	s24 =	sor.u32 s31, s22  }
0x12f: {  	[tilespmem:s29], [sflag:$0x2] =	stream.indirect_vreg.gather [hbm4b:s7+s22], $0x80, v2, vm0, $0xb8;
	[tilespmem:$0x18100] =	vst v63  }
0x130: {  	s30 =	simm.s32 $0xB900;
	s24 =	sor.u32 $0x70, s24  }
0x131: {  	[tilespmem:s30], [sflag:$0x2] =	stream.indirect_vreg.gather [hbm4b:s8+s22], $0x80, v2, vm0, $0xb8;
	[tilespmem:$0x18100] =	vst v63  }
0x132: {  	s25 =	sand.u32 $0x380, s22;
	v2 =	vld [tilespmem:s24+$0x4100]  }
0x133: {  	s23 =	sor.u32 s25, s31;
	v3 =	vld [tilespmem:s24+$0xC100]  }
0x134: {  	v4 =	vld [tilespmem:s23+$0x4100]  }
0x135: {  	v5 =	vld [tilespmem:s23+$0xC100]  }
0x136: {  	v6 =	vld [tilespmem:s23+$0x4110]  }
0x137: {  	v7 =	vld [tilespmem:s23+$0xC110]  }
0x138: {  	v8 =	vld [tilespmem:s23+$0x4120]  }
0x139: {  	v9 =	vld [tilespmem:s23+$0xC120];
	v3 =	vadd.f32 v3, v2  }
0x13a: {  	v4 =	vadd.f32 v5, v4;
	v2 =	vld [tilespmem:s23+$0x4130]  }
0x13b: {  	v5 =	vld [tilespmem:s23+$0xC130];
	v10 =	vmul.f32 $5.000000000e-01, v3  }
0x13c: {  	v7 =	vadd.f32 v7, v6;
	v6 =	vld [tilespmem:s23+$0xC140];
	v4 =	vmul.f32 $5.000000000e-01, v4  }
0x13d: {  	v3 =	vld [tilespmem:s23+$0x4140];
	[tilespmem:s24+$0x14100] =	vst v10  }
0x13e: {  	s25 =	simm.s32 $0x400;
	v8 =	vadd.f32 v9, v8;
	v7 =	vmul.f32 $5.000000000e-01, v7;
	s24 =	simm.s32 $0x0;
	[tilespmem:s23+$0x14100] =	vst v4;
	v4 =	vld [tilespmem:s23+$0x4150]  }
.LBB2_6:
0x13f: {  	s29 =	sand.u32 $0x1C00, s25;
	v9 =	vld [tilespmem:s23+$0xC150];
	s22 =	sadd.s32 $0x10, s22  }
0x140: {  	s24 =	sadd.s32 $0x8, s24;
	s30 =	sand.u32 $0x380, s22;
	s31 =	sor.u32 s29, s22;
	[tilespmem:s23+$0x14110] =	vst v7;
	v7 =	vmul.f32 $5.000000000e-01, v8;
	v2 =	vadd.f32 v5, v2;
	v5 =	vld [tilespmem:s23+$0x4160]  }
0x141: {  	p0 =	slt.u32 s24, $0x1F8;
	s29 =	sor.u32 s30, s29;
	s30 =	sor.u32 $0x70, s31;
	v8 =	vld [tilespmem:s23+$0xC160]  }
0x142: {  	v10 =	vld [tilespmem:s30+$0x4100];
	[tilespmem:s23+$0x14120] =	vst v7;
	v2 =	vmul.f32 $5.000000000e-01, v2;
	v3 =	vadd.f32 v6, v3  }
0x143: {  	v6 =	vld [tilespmem:s30+$0xC100]  }
0x144: {  	v7 =	vld [tilespmem:s29+$0x4100];
	[tilespmem:s23+$0x14130] =	vst v2;
	v2 =	vmul.f32 $5.000000000e-01, v3;
	v3 =	vadd.f32 v9, v4  }
0x145: {  	v4 =	vld [tilespmem:s29+$0xC100]  }
0x146: {  	v9 =	vld [tilespmem:s29+$0x4110];
	[tilespmem:s23+$0x14140] =	vst v2;
	v2 =	vmul.f32 $5.000000000e-01, v3;
	v3 =	vadd.f32 v8, v5  }
0x147: {  	v8 =	vld [tilespmem:s29+$0xC110]  }
0x148: {  	v11 =	vld [tilespmem:s29+$0x4120];
	v5 =	vadd.f32 v6, v10;
	[tilespmem:s23+$0x14150] =	vst v2;
	v3 =	vmul.f32 $5.000000000e-01, v3  }
0x149: {  	v10 =	vld [tilespmem:s29+$0xC120]  }
.Ltmp2:
0x14a: {  	v4 =	vadd.f32 v4, v7;
	v2 =	vld [tilespmem:s29+$0x4130];
	v6 =	vmul.f32 $5.000000000e-01, v5;
	[tilespmem:s23+$0x14160] =	vst v3;
	s23 =	smov.u32 s29;
	(pc) =	sbr.rel @p0 .LBB2_6-.Ltmp2, $4  }
0x14b: {  	v5 =	vld [tilespmem:s23+$0xC130]  }
0x14c: {  	v4 =	vmul.f32 $5.000000000e-01, v4;
	v7 =	vadd.f32 v8, v9;
	v3 =	vld [tilespmem:s23+$0x4140];
	[tilespmem:s30+$0x14100] =	vst v6  }
0x14d: {  	v6 =	vld [tilespmem:s23+$0xC140]  }
0x14e: {  	s25 =	sadd.s32 $0x400, s25;
	[tilespmem:s23+$0x14100] =	vst v4;
	v7 =	vmul.f32 $5.000000000e-01, v7;
	v8 =	vadd.f32 v10, v11;
	v4 =	vld [tilespmem:s23+$0x4150]  }
0x14f: {  	v9 =	vld [tilespmem:s23+$0xC150]  }
0x150: {  	v10 =	vld [tilespmem:s23+$0x4160]  }
0x151: {  	v11 =	vld [tilespmem:s23+$0xC160];
	_ =	sdelay $0x1  }
0x152: {  	v2 =	vadd.f32 v5, v2  }
0x153: {  	v5 =	vmul.f32 $5.000000000e-01, v8;
	v3 =	vadd.f32 v6, v3  }
0x154: {  	[tilespmem:s23+$0x14110] =	vst v7;
	v2 =	vmul.f32 $5.000000000e-01, v2;
	v4 =	vadd.f32 v9, v4  }
0x155: {  	[tilespmem:s23+$0x14120] =	vst v5;
	v3 =	vmul.f32 $5.000000000e-01, v3;
	v5 =	vadd.f32 v11, v10  }
0x156: {  	[tilespmem:s23+$0x14130] =	vst v2;
	v2 =	vmul.f32 $5.000000000e-01, v4  }
0x157: {  	[tilespmem:s23+$0x14140] =	vst v3;
	v3 =	vmul.f32 $5.000000000e-01, v5  }
0x158: {  	[tilespmem:s23+$0x14150] =	vst v2  }
0x159: {  	[tilespmem:s23+$0x14160] =	vst v3  }
0x15a: {  	s22 =	simm.s32 $0x0;
	s23 =	rddreg [dreg:$0x8]  }
0x15b: {  	[hbm4b:s23+s22] =	stream.linear.scatter [tilespmem:s14], [sflag:$0x7], $0x2000, $0x38;
	[tilespmem:$0x18100] =	vst v63  }
0x15c: {  	_ =	swait.ge [sflag:s15], $0x2000  }
0x15d: {  	[sflag:s15] =	ssyncset.done $0x0  }
0x15e: {  	[sflag:s15] =	ssyncadd.s32 $0xFFFFE000  }
0x15f: {  	_ =	swait.ge [sflag:s15], $0x2000  }
0x160: {  	[sflag:s15] =	ssyncset.done $0x0  }
0x161: {  	[sflag:s15] =	ssyncadd.s32 $0xFFFFE000  }
0x162: {  	v2 =	vld.msk [tilespmem:$0x30], $0xff;
	_ =	sdelay $0x4  }
0x163: {  	v3 =	vshll.u32 v2, $0x3  }
0x164: {  	v2 =	vand.u32 $0x7, v2;
	v3 =	vand.u32 $0xFFFFFFC0, v3  }
0x165: {  	v2 =	vor.u32 v2, v3  }
0x166: {  	v2 =	vperm.xlane v2, v0;
	_ =	sdelay $0x1  }
0x167: {  	v2 =	vadd.s32 v1, v2;
	_ =	sdelay $0x3  }
0x168: {  	s25 =	simm.s32 $0x4100  }
0x169: {  	[tilespmem:s25], [sflag:$0x3] =	stream.indirect_vreg.gather [hbm4b:s1+s22], $0x80, v2, vm0, $0xb8;
	[tilespmem:$0x18100] =	vst v63  }
0x16a: {  	s29 =	simm.s32 $0x4900  }
0x16b: {  	[tilespmem:s29], [sflag:$0x3] =	stream.indirect_vreg.gather [hbm4b:s6+s22], $0x80, v2, vm0, $0xb8;
	[tilespmem:$0x18100] =	vst v63  }
0x16c: {  	s30 =	simm.s32 $0x5100  }
0x16d: {  	[tilespmem:s30], [sflag:$0x3] =	stream.indirect_vreg.gather [hbm4b:s7+s22], $0x80, v2, vm0, $0xb8;
	[tilespmem:$0x18100] =	vst v63  }
0x16e: {  	s31 =	simm.s32 $0x5900  }
0x16f: {  	[tilespmem:s31], [sflag:$0x3] =	stream.indirect_vreg.gather [hbm4b:s8+s22], $0x80, v2, vm0, $0xb8;
	[tilespmem:$0x18100] =	vst v63  }
0x170: {  	v2 =	vld.msk [tilespmem:$0xB0], $0xff;
	_ =	sdelay $0x4  }
0x171: {  	v3 =	vshll.u32 v2, $0x3  }
0x172: {  	v2 =	vand.u32 $0x7, v2;
	v3 =	vand.u32 $0xFFFFFFC0, v3  }
0x173: {  	v2 =	vor.u32 v2, v3  }
0x174: {  	v2 =	vperm.xlane v2, v0;
	_ =	sdelay $0x1  }
0x175: {  	v2 =	vadd.s32 v1, v2;
	_ =	sdelay $0x3  }
0x176: {  	s24 =	simm.s32 $0xC100  }
0x177: {  	[tilespmem:s24], [sflag:$0x3] =	stream.indirect_vreg.gather [hbm4b:s1+s22], $0x80, v2, vm0, $0xb8;
	[tilespmem:$0x18100] =	vst v63  }
0x178: {  	s25 =	simm.s32 $0xC900;
	s31 =	sand.u32 $0x1C00, s22  }
0x179: {  	[tilespmem:s25], [sflag:$0x3] =	stream.indirect_vreg.gather [hbm4b:s6+s22], $0x80, v2, vm0, $0xb8;
	[tilespmem:$0x18100] =	vst v63  }
0x17a: {  	s29 =	simm.s32 $0xD100;
	s24 =	sor.u32 s31, s22  }
0x17b: {  	[tilespmem:s29], [sflag:$0x3] =	stream.indirect_vreg.gather [hbm4b:s7+s22], $0x80, v2, vm0, $0xb8;
	[tilespmem:$0x18100] =	vst v63  }
0x17c: {  	s30 =	simm.s32 $0xD900;
	s24 =	sor.u32 $0x70, s24  }
0x17d: {  	[tilespmem:s30], [sflag:$0x3] =	stream.indirect_vreg.gather [hbm4b:s8+s22], $0x80, v2, vm0, $0xb8;
	[tilespmem:$0x18100] =	vst v63  }
0x17e: {  	s25 =	sand.u32 $0x380, s22;
	v2 =	vld [tilespmem:s24+$0x6100]  }
0x17f: {  	s23 =	sor.u32 s25, s31;
	v3 =	vld [tilespmem:s24+$0xE100]  }
0x180: {  	v4 =	vld [tilespmem:s23+$0x6100]  }
0x181: {  	v5 =	vld [tilespmem:s23+$0xE100]  }
0x182: {  	v6 =	vld [tilespmem:s23+$0x6110]  }
0x183: {  	v7 =	vld [tilespmem:s23+$0xE110]  }
0x184: {  	v8 =	vld [tilespmem:s23+$0x6120]  }
0x185: {  	v9 =	vld [tilespmem:s23+$0xE120];
	v3 =	vadd.f32 v3, v2  }
0x186: {  	v4 =	vadd.f32 v5, v4;
	v2 =	vld [tilespmem:s23+$0x6130]  }
0x187: {  	v5 =	vld [tilespmem:s23+$0xE130];
	v10 =	vmul.f32 $5.000000000e-01, v3  }
0x188: {  	v7 =	vadd.f32 v7, v6;
	v6 =	vld [tilespmem:s23+$0xE140];
	v4 =	vmul.f32 $5.000000000e-01, v4  }
0x189: {  	v3 =	vld [tilespmem:s23+$0x6140];
	[tilespmem:s24+$0x16100] =	vst v10  }
0x18a: {  	s25 =	simm.s32 $0x400;
	v8 =	vadd.f32 v9, v8;
	v7 =	vmul.f32 $5.000000000e-01, v7;
	s24 =	simm.s32 $0x0;
	[tilespmem:s23+$0x16100] =	vst v4;
	v4 =	vld [tilespmem:s23+$0x6150]  }
.LBB2_8:
0x18b: {  	s29 =	sand.u32 $0x1C00, s25;
	v9 =	vld [tilespmem:s23+$0xE150];
	s22 =	sadd.s32 $0x10, s22  }
0x18c: {  	s24 =	sadd.s32 $0x8, s24;
	s30 =	sand.u32 $0x380, s22;
	s31 =	sor.u32 s29, s22;
	[tilespmem:s23+$0x16110] =	vst v7;
	v7 =	vmul.f32 $5.000000000e-01, v8;
	v2 =	vadd.f32 v5, v2;
	v5 =	vld [tilespmem:s23+$0x6160]  }
0x18d: {  	p0 =	slt.u32 s24, $0x1F8;
	s29 =	sor.u32 s30, s29;
	s30 =	sor.u32 $0x70, s31;
	v8 =	vld [tilespmem:s23+$0xE160]  }
0x18e: {  	v10 =	vld [tilespmem:s30+$0x6100];
	[tilespmem:s23+$0x16120] =	vst v7;
	v2 =	vmul.f32 $5.000000000e-01, v2;
	v3 =	vadd.f32 v6, v3  }
0x18f: {  	v6 =	vld [tilespmem:s30+$0xE100]  }
0x190: {  	v7 =	vld [tilespmem:s29+$0x6100];
	[tilespmem:s23+$0x16130] =	vst v2;
	v2 =	vmul.f32 $5.000000000e-01, v3;
	v3 =	vadd.f32 v9, v4  }
0x191: {  	v4 =	vld [tilespmem:s29+$0xE100]  }
0x192: {  	v9 =	vld [tilespmem:s29+$0x6110];
	[tilespmem:s23+$0x16140] =	vst v2;
	v2 =	vmul.f32 $5.000000000e-01, v3;
	v3 =	vadd.f32 v8, v5  }
0x193: {  	v8 =	vld [tilespmem:s29+$0xE110]  }
0x194: {  	v11 =	vld [tilespmem:s29+$0x6120];
	v5 =	vadd.f32 v6, v10;
	[tilespmem:s23+$0x16150] =	vst v2;
	v3 =	vmul.f32 $5.000000000e-01, v3  }
0x195: {  	v10 =	vld [tilespmem:s29+$0xE120]  }
.Ltmp3:
0x196: {  	v4 =	vadd.f32 v4, v7;
	v2 =	vld [tilespmem:s29+$0x6130];
	v6 =	vmul.f32 $5.000000000e-01, v5;
	[tilespmem:s23+$0x16160] =	vst v3;
	s23 =	smov.u32 s29;
	(pc) =	sbr.rel @p0 .LBB2_8-.Ltmp3, $4  }
0x197: {  	v5 =	vld [tilespmem:s23+$0xE130]  }
0x198: {  	v4 =	vmul.f32 $5.000000000e-01, v4;
	v7 =	vadd.f32 v8, v9;
	v3 =	vld [tilespmem:s23+$0x6140];
	[tilespmem:s30+$0x16100] =	vst v6  }
0x199: {  	v6 =	vld [tilespmem:s23+$0xE140]  }
0x19a: {  	s25 =	sadd.s32 $0x400, s25;
	[tilespmem:s23+$0x16100] =	vst v4;
	v7 =	vmul.f32 $5.000000000e-01, v7;
	v8 =	vadd.f32 v10, v11;
	v4 =	vld [tilespmem:s23+$0x6150]  }
0x19b: {  	v9 =	vld [tilespmem:s23+$0xE150]  }
0x19c: {  	v10 =	vld [tilespmem:s23+$0x6160]  }
0x19d: {  	v11 =	vld [tilespmem:s23+$0xE160];
	_ =	sdelay $0x1  }
0x19e: {  	v2 =	vadd.f32 v5, v2  }
0x19f: {  	v5 =	vmul.f32 $5.000000000e-01, v8;
	v3 =	vadd.f32 v6, v3  }
0x1a0: {  	[tilespmem:s23+$0x16110] =	vst v7;
	v2 =	vmul.f32 $5.000000000e-01, v2;
	v4 =	vadd.f32 v9, v4  }
0x1a1: {  	[tilespmem:s23+$0x16120] =	vst v5;
	v3 =	vmul.f32 $5.000000000e-01, v3;
	v5 =	vadd.f32 v11, v10  }
0x1a2: {  	[tilespmem:s23+$0x16130] =	vst v2;
	v2 =	vmul.f32 $5.000000000e-01, v4  }
0x1a3: {  	[tilespmem:s23+$0x16140] =	vst v3;
	v3 =	vmul.f32 $5.000000000e-01, v5  }
0x1a4: {  	[tilespmem:s23+$0x16150] =	vst v2  }
0x1a5: {  	[tilespmem:s23+$0x16160] =	vst v3  }
0x1a6: {  	s22 =	simm.s32 $0x0;
	s23 =	rddreg [dreg:$0x9]  }
0x1a7: {  	[hbm4b:s23+s22] =	stream.linear.scatter [tilespmem:s16], [sflag:$0x8], $0x2000, $0x38;
	[tilespmem:$0x18100] =	vst v63  }
0x1a8: {  	_ =	swait.ge [sflag:s9], $0x2000  }
0x1a9: {  	[sflag:s9] =	ssyncset.done $0x0  }
0x1aa: {  	[sflag:s9] =	ssyncadd.s32 $0xFFFFE000  }
0x1ab: {  	_ =	swait.ge [sflag:s9], $0x2000  }
0x1ac: {  	[sflag:s9] =	ssyncset.done $0x0  }
0x1ad: {  	[sflag:s9] =	ssyncadd.s32 $0xFFFFE000  }
0x1ae: {  	_ =	swait.ge [sflag:s17], $0x2000  }
0x1af: {  	[sflag:s17] =	ssyncset.done $0x0  }
0x1b0: {  	[sflag:s17] =	ssyncadd.s32 $0xFFFFE000  }
0x1b1: {  	v2 =	vld.msk [tilespmem:$0x38], $0xff;
	_ =	sdelay $0x4  }
0x1b2: {  	v3 =	vshll.u32 v2, $0x3  }
0x1b3: {  	v2 =	vand.u32 $0x7, v2;
	v3 =	vand.u32 $0xFFFFFFC0, v3  }
0x1b4: {  	v2 =	vor.u32 v2, v3  }
0x1b5: {  	v2 =	vperm.xlane v2, v0;
	_ =	sdelay $0x1  }
0x1b6: {  	v2 =	vadd.s32 v1, v2;
	_ =	sdelay $0x3  }
0x1b7: {  	s25 =	simm.s32 $0x6100  }
0x1b8: {  	[tilespmem:s25], [sflag:$0x4] =	stream.indirect_vreg.gather [hbm4b:s1+s22], $0x80, v2, vm0, $0xb8;
	[tilespmem:$0x18100] =	vst v63  }
0x1b9: {  	s29 =	simm.s32 $0x6900  }
0x1ba: {  	[tilespmem:s29], [sflag:$0x4] =	stream.indirect_vreg.gather [hbm4b:s6+s22], $0x80, v2, vm0, $0xb8;
	[tilespmem:$0x18100] =	vst v63  }
0x1bb: {  	s30 =	simm.s32 $0x7100  }
0x1bc: {  	[tilespmem:s30], [sflag:$0x4] =	stream.indirect_vreg.gather [hbm4b:s7+s22], $0x80, v2, vm0, $0xb8;
	[tilespmem:$0x18100] =	vst v63  }
0x1bd: {  	_ = 	snop  }
0x1be: {  	[tilespmem:s2], [sflag:$0x4] =	stream.indirect_vreg.gather [hbm4b:s8+s22], $0x80, v2, vm0, $0xb8;
	[tilespmem:$0x18100] =	vst v63  }
0x1bf: {  	v2 =	vld.msk [tilespmem:$0xB8], $0xff;
	_ =	sdelay $0x4  }
0x1c0: {  	v3 =	vshll.u32 v2, $0x3  }
0x1c1: {  	v2 =	vand.u32 $0x7, v2;
	v3 =	vand.u32 $0xFFFFFFC0, v3  }
0x1c2: {  	v2 =	vor.u32 v2, v3  }
0x1c3: {  	v2 =	vperm.xlane v2, v0;
	_ =	sdelay $0x1  }
0x1c4: {  	v2 =	vadd.s32 v1, v2;
	_ =	sdelay $0x4  }
0x1c5: {  	[tilespmem:s0], [sflag:$0x4] =	stream.indirect_vreg.gather [hbm4b:s1+s22], $0x80, v2, vm0, $0xb8;
	[tilespmem:$0x18100] =	vst v63  }
0x1c6: {  	s31 =	sand.u32 $0x1C00, s22  }
0x1c7: {  	[tilespmem:s28], [sflag:$0x4] =	stream.indirect_vreg.gather [hbm4b:s6+s22], $0x80, v2, vm0, $0xb8;
	[tilespmem:$0x18100] =	vst v63  }
0x1c8: {  	s24 =	sor.u32 s31, s22  }
0x1c9: {  	[tilespmem:s4], [sflag:$0x4] =	stream.indirect_vreg.gather [hbm4b:s7+s22], $0x80, v2, vm0, $0xb8;
	[tilespmem:$0x18100] =	vst v63  }
0x1ca: {  	s24 =	sor.u32 $0x70, s24  }
0x1cb: {  	[tilespmem:s5], [sflag:$0x4] =	stream.indirect_vreg.gather [hbm4b:s8+s22], $0x80, v2, vm0, $0xb8;
	[tilespmem:$0x18100] =	vst v63  }
0x1cc: {  	s25 =	sand.u32 $0x380, s22;
	v2 =	vld [tilespmem:s24+$0x100]  }
0x1cd: {  	s23 =	sor.u32 s25, s31;
	v3 =	vld [tilespmem:s24+$0x8100]  }
0x1ce: {  	v4 =	vld [tilespmem:s23+$0x100]  }
0x1cf: {  	v5 =	vld [tilespmem:s23+$0x8100]  }
0x1d0: {  	v6 =	vld [tilespmem:s23+$0x110]  }
0x1d1: {  	v7 =	vld [tilespmem:s23+$0x8110]  }
0x1d2: {  	v8 =	vld [tilespmem:s23+$0x120]  }
0x1d3: {  	v9 =	vld [tilespmem:s23+$0x8120];
	v3 =	vadd.f32 v3, v2  }
0x1d4: {  	v4 =	vadd.f32 v5, v4;
	v2 =	vld [tilespmem:s23+$0x130]  }
0x1d5: {  	v5 =	vld [tilespmem:s23+$0x8130];
	v10 =	vmul.f32 $5.000000000e-01, v3  }
0x1d6: {  	v7 =	vadd.f32 v7, v6;
	v6 =	vld [tilespmem:s23+$0x8140];
	v4 =	vmul.f32 $5.000000000e-01, v4  }
0x1d7: {  	v3 =	vld [tilespmem:s23+$0x140];
	[tilespmem:s24+$0x10100] =	vst v10  }
0x1d8: {  	s25 =	simm.s32 $0x400;
	v8 =	vadd.f32 v9, v8;
	v7 =	vmul.f32 $5.000000000e-01, v7;
	s24 =	simm.s32 $0x0;
	[tilespmem:s23+$0x10100] =	vst v4;
	v4 =	vld [tilespmem:s23+$0x150]  }
.LBB2_10:
0x1d9: {  	s29 =	sand.u32 $0x1C00, s25;
	v9 =	vld [tilespmem:s23+$0x8150];
	s22 =	sadd.s32 $0x10, s22  }
0x1da: {  	s24 =	sadd.s32 $0x8, s24;
	s30 =	sand.u32 $0x380, s22;
	s31 =	sor.u32 s29, s22;
	[tilespmem:s23+$0x10110] =	vst v7;
	v7 =	vmul.f32 $5.000000000e-01, v8;
	v2 =	vadd.f32 v5, v2;
	v5 =	vld [tilespmem:s23+$0x160]  }
0x1db: {  	p0 =	slt.u32 s24, $0x1F8;
	s29 =	sor.u32 s30, s29;
	s30 =	sor.u32 $0x70, s31;
	v8 =	vld [tilespmem:s23+$0x8160]  }
0x1dc: {  	v10 =	vld [tilespmem:s30+$0x100];
	[tilespmem:s23+$0x10120] =	vst v7;
	v2 =	vmul.f32 $5.000000000e-01, v2;
	v3 =	vadd.f32 v6, v3  }
0x1dd: {  	v6 =	vld [tilespmem:s30+$0x8100]  }
0x1de: {  	v7 =	vld [tilespmem:s29+$0x100];
	[tilespmem:s23+$0x10130] =	vst v2;
	v2 =	vmul.f32 $5.000000000e-01, v3;
	v3 =	vadd.f32 v9, v4  }
0x1df: {  	v4 =	vld [tilespmem:s29+$0x8100]  }
0x1e0: {  	v9 =	vld [tilespmem:s29+$0x110];
	[tilespmem:s23+$0x10140] =	vst v2;
	v2 =	vmul.f32 $5.000000000e-01, v3;
	v3 =	vadd.f32 v8, v5  }
0x1e1: {  	v8 =	vld [tilespmem:s29+$0x8110]  }
0x1e2: {  	v11 =	vld [tilespmem:s29+$0x120];
	v5 =	vadd.f32 v6, v10;
	[tilespmem:s23+$0x10150] =	vst v2;
	v3 =	vmul.f32 $5.000000000e-01, v3  }
0x1e3: {  	v10 =	vld [tilespmem:s29+$0x8120]  }
.Ltmp4:
0x1e4: {  	v4 =	vadd.f32 v4, v7;
	v2 =	vld [tilespmem:s29+$0x130];
	v6 =	vmul.f32 $5.000000000e-01, v5;
	[tilespmem:s23+$0x10160] =	vst v3;
	s23 =	smov.u32 s29;
	(pc) =	sbr.rel @p0 .LBB2_10-.Ltmp4, $4  }
0x1e5: {  	v5 =	vld [tilespmem:s23+$0x8130]  }
0x1e6: {  	v4 =	vmul.f32 $5.000000000e-01, v4;
	v7 =	vadd.f32 v8, v9;
	v3 =	vld [tilespmem:s23+$0x140];
	[tilespmem:s30+$0x10100] =	vst v6  }
0x1e7: {  	v6 =	vld [tilespmem:s23+$0x8140]  }
0x1e8: {  	s25 =	sadd.s32 $0x400, s25;
	[tilespmem:s23+$0x10100] =	vst v4;
	v7 =	vmul.f32 $5.000000000e-01, v7;
	v8 =	vadd.f32 v10, v11;
	v4 =	vld [tilespmem:s23+$0x150]  }
0x1e9: {  	v9 =	vld [tilespmem:s23+$0x8150]  }
0x1ea: {  	v10 =	vld [tilespmem:s23+$0x160]  }
0x1eb: {  	v11 =	vld [tilespmem:s23+$0x8160];
	_ =	sdelay $0x1  }
0x1ec: {  	v2 =	vadd.f32 v5, v2  }
0x1ed: {  	v5 =	vmul.f32 $5.000000000e-01, v8;
	v3 =	vadd.f32 v6, v3  }
0x1ee: {  	[tilespmem:s23+$0x10110] =	vst v7;
	v2 =	vmul.f32 $5.000000000e-01, v2;
	v4 =	vadd.f32 v9, v4  }
0x1ef: {  	[tilespmem:s23+$0x10120] =	vst v5;
	v3 =	vmul.f32 $5.000000000e-01, v3;
	v5 =	vadd.f32 v11, v10  }
0x1f0: {  	[tilespmem:s23+$0x10130] =	vst v2;
	v2 =	vmul.f32 $5.000000000e-01, v4  }
0x1f1: {  	[tilespmem:s23+$0x10140] =	vst v3;
	v3 =	vmul.f32 $5.000000000e-01, v5  }
0x1f2: {  	[tilespmem:s23+$0x10150] =	vst v2  }
0x1f3: {  	[tilespmem:s23+$0x10160] =	vst v3  }
0x1f4: {  	s22 =	simm.s32 $0x0;
	s23 =	rddreg [dreg:$0xa]  }
0x1f5: {  	[hbm4b:s23+s22] =	stream.linear.scatter [tilespmem:s10], [sflag:$0x5], $0x2000, $0x38;
	[tilespmem:$0x18100] =	vst v63  }
0x1f6: {  	_ =	swait.ge [sflag:s11], $0x2000  }
0x1f7: {  	[sflag:s11] =	ssyncset.done $0x0  }
0x1f8: {  	[sflag:s11] =	ssyncadd.s32 $0xFFFFE000  }
0x1f9: {  	_ =	swait.ge [sflag:s11], $0x2000  }
0x1fa: {  	[sflag:s11] =	ssyncset.done $0x0  }
0x1fb: {  	[sflag:s11] =	ssyncadd.s32 $0xFFFFE000  }
0x1fc: {  	_ =	swait.ge [sflag:s18], $0x2000  }
0x1fd: {  	[sflag:s18] =	ssyncset.done $0x0  }
0x1fe: {  	[sflag:s18] =	ssyncadd.s32 $0xFFFFE000  }
0x1ff: {  	v2 =	vld.msk [tilespmem:$0x40], $0xff;
	_ =	sdelay $0x4  }
0x200: {  	v3 =	vshll.u32 v2, $0x3  }
0x201: {  	v2 =	vand.u32 $0x7, v2;
	v3 =	vand.u32 $0xFFFFFFC0, v3  }
0x202: {  	v2 =	vor.u32 v2, v3  }
0x203: {  	v2 =	vperm.xlane v2, v0;
	_ =	sdelay $0x1  }
0x204: {  	v2 =	vadd.s32 v1, v2;
	_ =	sdelay $0x3  }
0x205: {  	s25 =	simm.s32 $0x100  }
0x206: {  	[tilespmem:s25], [sflag:$0x1] =	stream.indirect_vreg.gather [hbm4b:s1+s22], $0x80, v2, vm0, $0xb8;
	[tilespmem:$0x18100] =	vst v63  }
0x207: {  	s29 =	simm.s32 $0x900  }
0x208: {  	[tilespmem:s29], [sflag:$0x1] =	stream.indirect_vreg.gather [hbm4b:s6+s22], $0x80, v2, vm0, $0xb8;
	[tilespmem:$0x18100] =	vst v63  }
0x209: {  	s30 =	simm.s32 $0x1100  }
0x20a: {  	[tilespmem:s30], [sflag:$0x1] =	stream.indirect_vreg.gather [hbm4b:s7+s22], $0x80, v2, vm0, $0xb8;
	[tilespmem:$0x18100] =	vst v63  }
0x20b: {  	s31 =	simm.s32 $0x1900  }
0x20c: {  	[tilespmem:s31], [sflag:$0x1] =	stream.indirect_vreg.gather [hbm4b:s8+s22], $0x80, v2, vm0, $0xb8;
	[tilespmem:$0x18100] =	vst v63  }
0x20d: {  	v2 =	vld.msk [tilespmem:$0xC0], $0xff;
	_ =	sdelay $0x4  }
0x20e: {  	v3 =	vshll.u32 v2, $0x3  }
0x20f: {  	v2 =	vand.u32 $0x7, v2;
	v3 =	vand.u32 $0xFFFFFFC0, v3  }
0x210: {  	v2 =	vor.u32 v2, v3  }
0x211: {  	v2 =	vperm.xlane v2, v0;
	_ =	sdelay $0x1  }
0x212: {  	v2 =	vadd.s32 v1, v2;
	_ =	sdelay $0x3  }
0x213: {  	s24 =	simm.s32 $0x8100  }
0x214: {  	[tilespmem:s24], [sflag:$0x1] =	stream.indirect_vreg.gather [hbm4b:s1+s22], $0x80, v2, vm0, $0xb8;
	[tilespmem:$0x18100] =	vst v63  }
0x215: {  	s25 =	simm.s32 $0x8900;
	s31 =	sand.u32 $0x1C00, s22  }
0x216: {  	[tilespmem:s25], [sflag:$0x1] =	stream.indirect_vreg.gather [hbm4b:s6+s22], $0x80, v2, vm0, $0xb8;
	[tilespmem:$0x18100] =	vst v63  }
0x217: {  	s29 =	simm.s32 $0x9100;
	s24 =	sor.u32 s31, s22  }
0x218: {  	[tilespmem:s29], [sflag:$0x1] =	stream.indirect_vreg.gather [hbm4b:s7+s22], $0x80, v2, vm0, $0xb8;
	[tilespmem:$0x18100] =	vst v63  }
0x219: {  	s30 =	simm.s32 $0x9900;
	s24 =	sor.u32 $0x70, s24  }
0x21a: {  	[tilespmem:s30], [sflag:$0x1] =	stream.indirect_vreg.gather [hbm4b:s8+s22], $0x80, v2, vm0, $0xb8;
	[tilespmem:$0x18100] =	vst v63  }
0x21b: {  	s25 =	sand.u32 $0x380, s22;
	v2 =	vld [tilespmem:s24+$0x2100]  }
0x21c: {  	s23 =	sor.u32 s25, s31;
	v3 =	vld [tilespmem:s24+$0xA100]  }
0x21d: {  	v4 =	vld [tilespmem:s23+$0x2100]  }
0x21e: {  	v5 =	vld [tilespmem:s23+$0xA100]  }
0x21f: {  	v6 =	vld [tilespmem:s23+$0x2110]  }
0x220: {  	v7 =	vld [tilespmem:s23+$0xA110]  }
0x221: {  	v8 =	vld [tilespmem:s23+$0x2120]  }
0x222: {  	v9 =	vld [tilespmem:s23+$0xA120];
	v3 =	vadd.f32 v3, v2  }
0x223: {  	v4 =	vadd.f32 v5, v4;
	v2 =	vld [tilespmem:s23+$0x2130]  }
0x224: {  	v5 =	vld [tilespmem:s23+$0xA130];
	v10 =	vmul.f32 $5.000000000e-01, v3  }
0x225: {  	v7 =	vadd.f32 v7, v6;
	v6 =	vld [tilespmem:s23+$0xA140];
	v4 =	vmul.f32 $5.000000000e-01, v4  }
0x226: {  	v3 =	vld [tilespmem:s23+$0x2140];
	[tilespmem:s24+$0x12100] =	vst v10  }
0x227: {  	s25 =	simm.s32 $0x400;
	v8 =	vadd.f32 v9, v8;
	v7 =	vmul.f32 $5.000000000e-01, v7;
	s24 =	simm.s32 $0x0;
	[tilespmem:s23+$0x12100] =	vst v4;
	v4 =	vld [tilespmem:s23+$0x2150]  }
.LBB2_12:
0x228: {  	s29 =	sand.u32 $0x1C00, s25;
	v9 =	vld [tilespmem:s23+$0xA150];
	s22 =	sadd.s32 $0x10, s22  }
0x229: {  	s24 =	sadd.s32 $0x8, s24;
	s30 =	sand.u32 $0x380, s22;
	s31 =	sor.u32 s29, s22;
	[tilespmem:s23+$0x12110] =	vst v7;
	v7 =	vmul.f32 $5.000000000e-01, v8;
	v2 =	vadd.f32 v5, v2;
	v5 =	vld [tilespmem:s23+$0x2160]  }
0x22a: {  	p0 =	slt.u32 s24, $0x1F8;
	s29 =	sor.u32 s30, s29;
	s30 =	sor.u32 $0x70, s31;
	v8 =	vld [tilespmem:s23+$0xA160]  }
0x22b: {  	v10 =	vld [tilespmem:s30+$0x2100];
	[tilespmem:s23+$0x12120] =	vst v7;
	v2 =	vmul.f32 $5.000000000e-01, v2;
	v3 =	vadd.f32 v6, v3  }
0x22c: {  	v6 =	vld [tilespmem:s30+$0xA100]  }
0x22d: {  	v7 =	vld [tilespmem:s29+$0x2100];
	[tilespmem:s23+$0x12130] =	vst v2;
	v2 =	vmul.f32 $5.000000000e-01, v3;
	v3 =	vadd.f32 v9, v4  }
0x22e: {  	v4 =	vld [tilespmem:s29+$0xA100]  }
0x22f: {  	v9 =	vld [tilespmem:s29+$0x2110];
	[tilespmem:s23+$0x12140] =	vst v2;
	v2 =	vmul.f32 $5.000000000e-01, v3;
	v3 =	vadd.f32 v8, v5  }
0x230: {  	v8 =	vld [tilespmem:s29+$0xA110]  }
0x231: {  	v11 =	vld [tilespmem:s29+$0x2120];
	v5 =	vadd.f32 v6, v10;
	[tilespmem:s23+$0x12150] =	vst v2;
	v3 =	vmul.f32 $5.000000000e-01, v3  }
0x232: {  	v10 =	vld [tilespmem:s29+$0xA120]  }
.Ltmp5:
0x233: {  	v4 =	vadd.f32 v4, v7;
	v2 =	vld [tilespmem:s29+$0x2130];
	v6 =	vmul.f32 $5.000000000e-01, v5;
	[tilespmem:s23+$0x12160] =	vst v3;
	s23 =	smov.u32 s29;
	(pc) =	sbr.rel @p0 .LBB2_12-.Ltmp5, $4  }
0x234: {  	v5 =	vld [tilespmem:s23+$0xA130]  }
0x235: {  	v4 =	vmul.f32 $5.000000000e-01, v4;
	v7 =	vadd.f32 v8, v9;
	v3 =	vld [tilespmem:s23+$0x2140];
	[tilespmem:s30+$0x12100] =	vst v6  }
0x236: {  	v6 =	vld [tilespmem:s23+$0xA140]  }
0x237: {  	s25 =	sadd.s32 $0x400, s25;
	[tilespmem:s23+$0x12100] =	vst v4;
	v7 =	vmul.f32 $5.000000000e-01, v7;
	v8 =	vadd.f32 v10, v11;
	v4 =	vld [tilespmem:s23+$0x2150]  }
0x238: {  	v9 =	vld [tilespmem:s23+$0xA150]  }
0x239: {  	v10 =	vld [tilespmem:s23+$0x2160]  }
0x23a: {  	v11 =	vld [tilespmem:s23+$0xA160];
	_ =	sdelay $0x1  }
0x23b: {  	v2 =	vadd.f32 v5, v2  }
0x23c: {  	v5 =	vmul.f32 $5.000000000e-01, v8;
	v3 =	vadd.f32 v6, v3  }
0x23d: {  	[tilespmem:s23+$0x12110] =	vst v7;
	v2 =	vmul.f32 $5.000000000e-01, v2;
	v4 =	vadd.f32 v9, v4  }
0x23e: {  	[tilespmem:s23+$0x12120] =	vst v5;
	v3 =	vmul.f32 $5.000000000e-01, v3;
	v5 =	vadd.f32 v11, v10  }
0x23f: {  	[tilespmem:s23+$0x12130] =	vst v2;
	v2 =	vmul.f32 $5.000000000e-01, v4  }
0x240: {  	[tilespmem:s23+$0x12140] =	vst v3;
	v3 =	vmul.f32 $5.000000000e-01, v5  }
0x241: {  	[tilespmem:s23+$0x12150] =	vst v2  }
0x242: {  	[tilespmem:s23+$0x12160] =	vst v3  }
0x243: {  	s22 =	simm.s32 $0x0;
	s23 =	rddreg [dreg:$0xb]  }
0x244: {  	[hbm4b:s23+s22] =	stream.linear.scatter [tilespmem:s12], [sflag:$0x6], $0x2000, $0x38;
	[tilespmem:$0x18100] =	vst v63  }
0x245: {  	_ =	swait.ge [sflag:s13], $0x2000  }
0x246: {  	[sflag:s13] =	ssyncset.done $0x0  }
0x247: {  	[sflag:s13] =	ssyncadd.s32 $0xFFFFE000  }
0x248: {  	_ =	swait.ge [sflag:s13], $0x2000  }
0x249: {  	[sflag:s13] =	ssyncset.done $0x0  }
0x24a: {  	[sflag:s13] =	ssyncadd.s32 $0xFFFFE000  }
0x24b: {  	_ =	swait.ge [sflag:s19], $0x2000  }
0x24c: {  	[sflag:s19] =	ssyncset.done $0x0  }
0x24d: {  	[sflag:s19] =	ssyncadd.s32 $0xFFFFE000  }
0x24e: {  	v2 =	vld.msk [tilespmem:$0x48], $0xff;
	_ =	sdelay $0x4  }
0x24f: {  	v3 =	vshll.u32 v2, $0x3  }
0x250: {  	v2 =	vand.u32 $0x7, v2;
	v3 =	vand.u32 $0xFFFFFFC0, v3  }
0x251: {  	v2 =	vor.u32 v2, v3  }
0x252: {  	v2 =	vperm.xlane v2, v0;
	_ =	sdelay $0x1  }
0x253: {  	v2 =	vadd.s32 v1, v2;
	_ =	sdelay $0x3  }
0x254: {  	s25 =	simm.s32 $0x2100  }
0x255: {  	[tilespmem:s25], [sflag:$0x2] =	stream.indirect_vreg.gather [hbm4b:s1+s22], $0x80, v2, vm0, $0xb8;
	[tilespmem:$0x18100] =	vst v63  }
0x256: {  	s29 =	simm.s32 $0x2900  }
0x257: {  	[tilespmem:s29], [sflag:$0x2] =	stream.indirect_vreg.gather [hbm4b:s6+s22], $0x80, v2, vm0, $0xb8;
	[tilespmem:$0x18100] =	vst v63  }
0x258: {  	s30 =	simm.s32 $0x3100  }
0x259: {  	[tilespmem:s30], [sflag:$0x2] =	stream.indirect_vreg.gather [hbm4b:s7+s22], $0x80, v2, vm0, $0xb8;
	[tilespmem:$0x18100] =	vst v63  }
0x25a: {  	s31 =	simm.s32 $0x3900  }
0x25b: {  	[tilespmem:s31], [sflag:$0x2] =	stream.indirect_vreg.gather [hbm4b:s8+s22], $0x80, v2, vm0, $0xb8;
	[tilespmem:$0x18100] =	vst v63  }
0x25c: {  	v2 =	vld.msk [tilespmem:$0xC8], $0xff;
	_ =	sdelay $0x4  }
0x25d: {  	v3 =	vshll.u32 v2, $0x3  }
0x25e: {  	v2 =	vand.u32 $0x7, v2;
	v3 =	vand.u32 $0xFFFFFFC0, v3  }
0x25f: {  	v2 =	vor.u32 v2, v3  }
0x260: {  	v2 =	vperm.xlane v2, v0;
	_ =	sdelay $0x1  }
0x261: {  	v2 =	vadd.s32 v1, v2;
	_ =	sdelay $0x3  }
0x262: {  	s24 =	simm.s32 $0xA100  }
0x263: {  	[tilespmem:s24], [sflag:$0x2] =	stream.indirect_vreg.gather [hbm4b:s1+s22], $0x80, v2, vm0, $0xb8;
	[tilespmem:$0x18100] =	vst v63  }
0x264: {  	s25 =	simm.s32 $0xA900;
	s31 =	sand.u32 $0x1C00, s22  }
0x265: {  	[tilespmem:s25], [sflag:$0x2] =	stream.indirect_vreg.gather [hbm4b:s6+s22], $0x80, v2, vm0, $0xb8;
	[tilespmem:$0x18100] =	vst v63  }
0x266: {  	s29 =	simm.s32 $0xB100;
	s24 =	sor.u32 s31, s22  }
0x267: {  	[tilespmem:s29], [sflag:$0x2] =	stream.indirect_vreg.gather [hbm4b:s7+s22], $0x80, v2, vm0, $0xb8;
	[tilespmem:$0x18100] =	vst v63  }
0x268: {  	s30 =	simm.s32 $0xB900;
	s24 =	sor.u32 $0x70, s24  }
0x269: {  	[tilespmem:s30], [sflag:$0x2] =	stream.indirect_vreg.gather [hbm4b:s8+s22], $0x80, v2, vm0, $0xb8;
	[tilespmem:$0x18100] =	vst v63  }
0x26a: {  	s25 =	sand.u32 $0x380, s22;
	v2 =	vld [tilespmem:s24+$0x4100]  }
0x26b: {  	s23 =	sor.u32 s25, s31;
	v3 =	vld [tilespmem:s24+$0xC100]  }
0x26c: {  	v4 =	vld [tilespmem:s23+$0x4100]  }
0x26d: {  	v5 =	vld [tilespmem:s23+$0xC100]  }
0x26e: {  	v6 =	vld [tilespmem:s23+$0x4110]  }
0x26f: {  	v7 =	vld [tilespmem:s23+$0xC110]  }
0x270: {  	v8 =	vld [tilespmem:s23+$0x4120]  }
0x271: {  	v9 =	vld [tilespmem:s23+$0xC120];
	v3 =	vadd.f32 v3, v2  }
0x272: {  	v4 =	vadd.f32 v5, v4;
	v2 =	vld [tilespmem:s23+$0x4130]  }
0x273: {  	v5 =	vld [tilespmem:s23+$0xC130];
	v10 =	vmul.f32 $5.000000000e-01, v3  }
0x274: {  	v7 =	vadd.f32 v7, v6;
	v6 =	vld [tilespmem:s23+$0xC140];
	v4 =	vmul.f32 $5.000000000e-01, v4  }
0x275: {  	v3 =	vld [tilespmem:s23+$0x4140];
	[tilespmem:s24+$0x14100] =	vst v10  }
0x276: {  	s25 =	simm.s32 $0x400;
	v8 =	vadd.f32 v9, v8;
	v7 =	vmul.f32 $5.000000000e-01, v7;
	s24 =	simm.s32 $0x0;
	[tilespmem:s23+$0x14100] =	vst v4;
	v4 =	vld [tilespmem:s23+$0x4150]  }
.LBB2_14:
0x277: {  	s29 =	sand.u32 $0x1C00, s25;
	v9 =	vld [tilespmem:s23+$0xC150];
	s22 =	sadd.s32 $0x10, s22  }
0x278: {  	s24 =	sadd.s32 $0x8, s24;
	s30 =	sand.u32 $0x380, s22;
	s31 =	sor.u32 s29, s22;
	[tilespmem:s23+$0x14110] =	vst v7;
	v7 =	vmul.f32 $5.000000000e-01, v8;
	v2 =	vadd.f32 v5, v2;
	v5 =	vld [tilespmem:s23+$0x4160]  }
0x279: {  	p0 =	slt.u32 s24, $0x1F8;
	s29 =	sor.u32 s30, s29;
	s30 =	sor.u32 $0x70, s31;
	v8 =	vld [tilespmem:s23+$0xC160]  }
0x27a: {  	v10 =	vld [tilespmem:s30+$0x4100];
	[tilespmem:s23+$0x14120] =	vst v7;
	v2 =	vmul.f32 $5.000000000e-01, v2;
	v3 =	vadd.f32 v6, v3  }
0x27b: {  	v6 =	vld [tilespmem:s30+$0xC100]  }
0x27c: {  	v7 =	vld [tilespmem:s29+$0x4100];
	[tilespmem:s23+$0x14130] =	vst v2;
	v2 =	vmul.f32 $5.000000000e-01, v3;
	v3 =	vadd.f32 v9, v4  }
0x27d: {  	v4 =	vld [tilespmem:s29+$0xC100]  }
0x27e: {  	v9 =	vld [tilespmem:s29+$0x4110];
	[tilespmem:s23+$0x14140] =	vst v2;
	v2 =	vmul.f32 $5.000000000e-01, v3;
	v3 =	vadd.f32 v8, v5  }
0x27f: {  	v8 =	vld [tilespmem:s29+$0xC110]  }
0x280: {  	v11 =	vld [tilespmem:s29+$0x4120];
	v5 =	vadd.f32 v6, v10;
	[tilespmem:s23+$0x14150] =	vst v2;
	v3 =	vmul.f32 $5.000000000e-01, v3  }
0x281: {  	v10 =	vld [tilespmem:s29+$0xC120]  }
.Ltmp6:
0x282: {  	v4 =	vadd.f32 v4, v7;
	v2 =	vld [tilespmem:s29+$0x4130];
	v6 =	vmul.f32 $5.000000000e-01, v5;
	[tilespmem:s23+$0x14160] =	vst v3;
	s23 =	smov.u32 s29;
	(pc) =	sbr.rel @p0 .LBB2_14-.Ltmp6, $4  }
0x283: {  	v5 =	vld [tilespmem:s23+$0xC130]  }
0x284: {  	v4 =	vmul.f32 $5.000000000e-01, v4;
	v7 =	vadd.f32 v8, v9;
	v3 =	vld [tilespmem:s23+$0x4140];
	[tilespmem:s30+$0x14100] =	vst v6  }
0x285: {  	v6 =	vld [tilespmem:s23+$0xC140]  }
0x286: {  	s25 =	sadd.s32 $0x400, s25;
	[tilespmem:s23+$0x14100] =	vst v4;
	v7 =	vmul.f32 $5.000000000e-01, v7;
	v8 =	vadd.f32 v10, v11;
	v4 =	vld [tilespmem:s23+$0x4150]  }
0x287: {  	v9 =	vld [tilespmem:s23+$0xC150]  }
0x288: {  	v10 =	vld [tilespmem:s23+$0x4160]  }
0x289: {  	v11 =	vld [tilespmem:s23+$0xC160];
	_ =	sdelay $0x1  }
0x28a: {  	v2 =	vadd.f32 v5, v2  }
0x28b: {  	v5 =	vmul.f32 $5.000000000e-01, v8;
	v3 =	vadd.f32 v6, v3  }
0x28c: {  	[tilespmem:s23+$0x14110] =	vst v7;
	v2 =	vmul.f32 $5.000000000e-01, v2;
	v4 =	vadd.f32 v9, v4  }
0x28d: {  	[tilespmem:s23+$0x14120] =	vst v5;
	v3 =	vmul.f32 $5.000000000e-01, v3;
	v5 =	vadd.f32 v11, v10  }
0x28e: {  	[tilespmem:s23+$0x14130] =	vst v2;
	v2 =	vmul.f32 $5.000000000e-01, v4  }
0x28f: {  	[tilespmem:s23+$0x14140] =	vst v3;
	v3 =	vmul.f32 $5.000000000e-01, v5  }
0x290: {  	[tilespmem:s23+$0x14150] =	vst v2  }
0x291: {  	[tilespmem:s23+$0x14160] =	vst v3  }
0x292: {  	s22 =	simm.s32 $0x0;
	s23 =	rddreg [dreg:$0xc]  }
0x293: {  	[hbm4b:s23+s22] =	stream.linear.scatter [tilespmem:s14], [sflag:$0x7], $0x2000, $0x38;
	[tilespmem:$0x18100] =	vst v63  }
0x294: {  	_ =	swait.ge [sflag:s15], $0x2000  }
0x295: {  	[sflag:s15] =	ssyncset.done $0x0  }
0x296: {  	[sflag:s15] =	ssyncadd.s32 $0xFFFFE000  }
0x297: {  	_ =	swait.ge [sflag:s15], $0x2000  }
0x298: {  	[sflag:s15] =	ssyncset.done $0x0  }
0x299: {  	[sflag:s15] =	ssyncadd.s32 $0xFFFFE000  }
0x29a: {  	_ =	swait.ge [sflag:s20], $0x2000  }
0x29b: {  	[sflag:s20] =	ssyncset.done $0x0  }
0x29c: {  	[sflag:s20] =	ssyncadd.s32 $0xFFFFE000  }
0x29d: {  	v2 =	vld.msk [tilespmem:$0x50], $0xff;
	_ =	sdelay $0x4  }
0x29e: {  	v3 =	vshll.u32 v2, $0x3  }
0x29f: {  	v2 =	vand.u32 $0x7, v2;
	v3 =	vand.u32 $0xFFFFFFC0, v3  }
0x2a0: {  	v2 =	vor.u32 v2, v3  }
0x2a1: {  	v2 =	vperm.xlane v2, v0;
	_ =	sdelay $0x1  }
0x2a2: {  	v2 =	vadd.s32 v1, v2;
	_ =	sdelay $0x3  }
0x2a3: {  	s25 =	simm.s32 $0x4100  }
0x2a4: {  	[tilespmem:s25], [sflag:$0x3] =	stream.indirect_vreg.gather [hbm4b:s1+s22], $0x80, v2, vm0, $0xb8;
	[tilespmem:$0x18100] =	vst v63  }
0x2a5: {  	s29 =	simm.s32 $0x4900  }
0x2a6: {  	[tilespmem:s29], [sflag:$0x3] =	stream.indirect_vreg.gather [hbm4b:s6+s22], $0x80, v2, vm0, $0xb8;
	[tilespmem:$0x18100] =	vst v63  }
0x2a7: {  	s30 =	simm.s32 $0x5100  }
0x2a8: {  	[tilespmem:s30], [sflag:$0x3] =	stream.indirect_vreg.gather [hbm4b:s7+s22], $0x80, v2, vm0, $0xb8;
	[tilespmem:$0x18100] =	vst v63  }
0x2a9: {  	s31 =	simm.s32 $0x5900  }
0x2aa: {  	[tilespmem:s31], [sflag:$0x3] =	stream.indirect_vreg.gather [hbm4b:s8+s22], $0x80, v2, vm0, $0xb8;
	[tilespmem:$0x18100] =	vst v63  }
0x2ab: {  	v2 =	vld.msk [tilespmem:$0xD0], $0xff;
	_ =	sdelay $0x4  }
0x2ac: {  	v3 =	vshll.u32 v2, $0x3  }
0x2ad: {  	v2 =	vand.u32 $0x7, v2;
	v3 =	vand.u32 $0xFFFFFFC0, v3  }
0x2ae: {  	v2 =	vor.u32 v2, v3  }
0x2af: {  	v2 =	vperm.xlane v2, v0;
	_ =	sdelay $0x1  }
0x2b0: {  	v2 =	vadd.s32 v1, v2;
	_ =	sdelay $0x3  }
0x2b1: {  	s24 =	simm.s32 $0xC100  }
0x2b2: {  	[tilespmem:s24], [sflag:$0x3] =	stream.indirect_vreg.gather [hbm4b:s1+s22], $0x80, v2, vm0, $0xb8;
	[tilespmem:$0x18100] =	vst v63  }
0x2b3: {  	s25 =	simm.s32 $0xC900;
	s31 =	sand.u32 $0x1C00, s22  }
0x2b4: {  	[tilespmem:s25], [sflag:$0x3] =	stream.indirect_vreg.gather [hbm4b:s6+s22], $0x80, v2, vm0, $0xb8;
	[tilespmem:$0x18100] =	vst v63  }
0x2b5: {  	s29 =	simm.s32 $0xD100;
	s24 =	sor.u32 s31, s22  }
0x2b6: {  	[tilespmem:s29], [sflag:$0x3] =	stream.indirect_vreg.gather [hbm4b:s7+s22], $0x80, v2, vm0, $0xb8;
	[tilespmem:$0x18100] =	vst v63  }
0x2b7: {  	s30 =	simm.s32 $0xD900;
	s24 =	sor.u32 $0x70, s24  }
0x2b8: {  	[tilespmem:s30], [sflag:$0x3] =	stream.indirect_vreg.gather [hbm4b:s8+s22], $0x80, v2, vm0, $0xb8;
	[tilespmem:$0x18100] =	vst v63  }
0x2b9: {  	s25 =	sand.u32 $0x380, s22;
	v2 =	vld [tilespmem:s24+$0x6100]  }
0x2ba: {  	s23 =	sor.u32 s25, s31;
	v3 =	vld [tilespmem:s24+$0xE100]  }
0x2bb: {  	v4 =	vld [tilespmem:s23+$0x6100]  }
0x2bc: {  	v5 =	vld [tilespmem:s23+$0xE100]  }
0x2bd: {  	v6 =	vld [tilespmem:s23+$0x6110]  }
0x2be: {  	v7 =	vld [tilespmem:s23+$0xE110]  }
0x2bf: {  	v8 =	vld [tilespmem:s23+$0x6120]  }
0x2c0: {  	v9 =	vld [tilespmem:s23+$0xE120];
	v3 =	vadd.f32 v3, v2  }
0x2c1: {  	v4 =	vadd.f32 v5, v4;
	v2 =	vld [tilespmem:s23+$0x6130]  }
0x2c2: {  	v5 =	vld [tilespmem:s23+$0xE130];
	v10 =	vmul.f32 $5.000000000e-01, v3  }
0x2c3: {  	v7 =	vadd.f32 v7, v6;
	v6 =	vld [tilespmem:s23+$0xE140];
	v4 =	vmul.f32 $5.000000000e-01, v4  }
0x2c4: {  	v3 =	vld [tilespmem:s23+$0x6140];
	[tilespmem:s24+$0x16100] =	vst v10  }
0x2c5: {  	s25 =	simm.s32 $0x400;
	v8 =	vadd.f32 v9, v8;
	v7 =	vmul.f32 $5.000000000e-01, v7;
	s24 =	simm.s32 $0x0;
	[tilespmem:s23+$0x16100] =	vst v4;
	v4 =	vld [tilespmem:s23+$0x6150]  }
.LBB2_16:
0x2c6: {  	s29 =	sand.u32 $0x1C00, s25;
	v9 =	vld [tilespmem:s23+$0xE150];
	s22 =	sadd.s32 $0x10, s22  }
0x2c7: {  	s24 =	sadd.s32 $0x8, s24;
	s30 =	sand.u32 $0x380, s22;
	s31 =	sor.u32 s29, s22;
	[tilespmem:s23+$0x16110] =	vst v7;
	v7 =	vmul.f32 $5.000000000e-01, v8;
	v2 =	vadd.f32 v5, v2;
	v5 =	vld [tilespmem:s23+$0x6160]  }
0x2c8: {  	p0 =	slt.u32 s24, $0x1F8;
	s29 =	sor.u32 s30, s29;
	s30 =	sor.u32 $0x70, s31;
	v8 =	vld [tilespmem:s23+$0xE160]  }
0x2c9: {  	v10 =	vld [tilespmem:s30+$0x6100];
	[tilespmem:s23+$0x16120] =	vst v7;
	v2 =	vmul.f32 $5.000000000e-01, v2;
	v3 =	vadd.f32 v6, v3  }
0x2ca: {  	v6 =	vld [tilespmem:s30+$0xE100]  }
0x2cb: {  	v7 =	vld [tilespmem:s29+$0x6100];
	[tilespmem:s23+$0x16130] =	vst v2;
	v2 =	vmul.f32 $5.000000000e-01, v3;
	v3 =	vadd.f32 v9, v4  }
0x2cc: {  	v4 =	vld [tilespmem:s29+$0xE100]  }
0x2cd: {  	v9 =	vld [tilespmem:s29+$0x6110];
	[tilespmem:s23+$0x16140] =	vst v2;
	v2 =	vmul.f32 $5.000000000e-01, v3;
	v3 =	vadd.f32 v8, v5  }
0x2ce: {  	v8 =	vld [tilespmem:s29+$0xE110]  }
0x2cf: {  	v11 =	vld [tilespmem:s29+$0x6120];
	v5 =	vadd.f32 v6, v10;
	[tilespmem:s23+$0x16150] =	vst v2;
	v3 =	vmul.f32 $5.000000000e-01, v3  }
0x2d0: {  	v10 =	vld [tilespmem:s29+$0xE120]  }
.Ltmp7:
0x2d1: {  	v4 =	vadd.f32 v4, v7;
	v2 =	vld [tilespmem:s29+$0x6130];
	v6 =	vmul.f32 $5.000000000e-01, v5;
	[tilespmem:s23+$0x16160] =	vst v3;
	s23 =	smov.u32 s29;
	(pc) =	sbr.rel @p0 .LBB2_16-.Ltmp7, $4  }
0x2d2: {  	v5 =	vld [tilespmem:s23+$0xE130]  }
0x2d3: {  	v4 =	vmul.f32 $5.000000000e-01, v4;
	v7 =	vadd.f32 v8, v9;
	v3 =	vld [tilespmem:s23+$0x6140];
	[tilespmem:s30+$0x16100] =	vst v6  }
0x2d4: {  	v6 =	vld [tilespmem:s23+$0xE140]  }
0x2d5: {  	s25 =	sadd.s32 $0x400, s25;
	[tilespmem:s23+$0x16100] =	vst v4;
	v7 =	vmul.f32 $5.000000000e-01, v7;
	v8 =	vadd.f32 v10, v11;
	v4 =	vld [tilespmem:s23+$0x6150]  }
0x2d6: {  	v9 =	vld [tilespmem:s23+$0xE150]  }
0x2d7: {  	v10 =	vld [tilespmem:s23+$0x6160]  }
0x2d8: {  	v11 =	vld [tilespmem:s23+$0xE160];
	_ =	sdelay $0x1  }
0x2d9: {  	v2 =	vadd.f32 v5, v2  }
0x2da: {  	v5 =	vmul.f32 $5.000000000e-01, v8;
	v3 =	vadd.f32 v6, v3  }
0x2db: {  	[tilespmem:s23+$0x16110] =	vst v7;
	v2 =	vmul.f32 $5.000000000e-01, v2;
	v4 =	vadd.f32 v9, v4  }
0x2dc: {  	[tilespmem:s23+$0x16120] =	vst v5;
	v3 =	vmul.f32 $5.000000000e-01, v3;
	v5 =	vadd.f32 v11, v10  }
0x2dd: {  	[tilespmem:s23+$0x16130] =	vst v2;
	v2 =	vmul.f32 $5.000000000e-01, v4  }
0x2de: {  	[tilespmem:s23+$0x16140] =	vst v3;
	v3 =	vmul.f32 $5.000000000e-01, v5  }
0x2df: {  	[tilespmem:s23+$0x16150] =	vst v2  }
0x2e0: {  	[tilespmem:s23+$0x16160] =	vst v3  }
0x2e1: {  	s22 =	simm.s32 $0x0;
	s23 =	rddreg [dreg:$0xd]  }
0x2e2: {  	[hbm4b:s23+s22] =	stream.linear.scatter [tilespmem:s16], [sflag:$0x8], $0x2000, $0x38;
	[tilespmem:$0x18100] =	vst v63  }
0x2e3: {  	_ =	swait.ge [sflag:s9], $0x2000  }
0x2e4: {  	[sflag:s9] =	ssyncset.done $0x0  }
0x2e5: {  	[sflag:s9] =	ssyncadd.s32 $0xFFFFE000  }
0x2e6: {  	_ =	swait.ge [sflag:s9], $0x2000  }
0x2e7: {  	[sflag:s9] =	ssyncset.done $0x0  }
0x2e8: {  	[sflag:s9] =	ssyncadd.s32 $0xFFFFE000  }
0x2e9: {  	_ =	swait.ge [sflag:s17], $0x2000  }
0x2ea: {  	[sflag:s17] =	ssyncset.done $0x0  }
0x2eb: {  	[sflag:s17] =	ssyncadd.s32 $0xFFFFE000  }
0x2ec: {  	v2 =	vld.msk [tilespmem:$0x58], $0xff;
	_ =	sdelay $0x4  }
0x2ed: {  	v3 =	vshll.u32 v2, $0x3  }
0x2ee: {  	v2 =	vand.u32 $0x7, v2;
	v3 =	vand.u32 $0xFFFFFFC0, v3  }
0x2ef: {  	v2 =	vor.u32 v2, v3  }
0x2f0: {  	v2 =	vperm.xlane v2, v0;
	_ =	sdelay $0x1  }
0x2f1: {  	v2 =	vadd.s32 v1, v2;
	_ =	sdelay $0x3  }
0x2f2: {  	s25 =	simm.s32 $0x6100  }
0x2f3: {  	[tilespmem:s25], [sflag:$0x4] =	stream.indirect_vreg.gather [hbm4b:s1+s22], $0x80, v2, vm0, $0xb8;
	[tilespmem:$0x18100] =	vst v63  }
0x2f4: {  	s29 =	simm.s32 $0x6900  }
0x2f5: {  	[tilespmem:s29], [sflag:$0x4] =	stream.indirect_vreg.gather [hbm4b:s6+s22], $0x80, v2, vm0, $0xb8;
	[tilespmem:$0x18100] =	vst v63  }
0x2f6: {  	s30 =	simm.s32 $0x7100  }
0x2f7: {  	[tilespmem:s30], [sflag:$0x4] =	stream.indirect_vreg.gather [hbm4b:s7+s22], $0x80, v2, vm0, $0xb8;
	[tilespmem:$0x18100] =	vst v63  }
0x2f8: {  	_ = 	snop  }
0x2f9: {  	[tilespmem:s2], [sflag:$0x4] =	stream.indirect_vreg.gather [hbm4b:s8+s22], $0x80, v2, vm0, $0xb8;
	[tilespmem:$0x18100] =	vst v63  }
0x2fa: {  	v2 =	vld.msk [tilespmem:$0xD8], $0xff;
	_ =	sdelay $0x4  }
0x2fb: {  	v3 =	vshll.u32 v2, $0x3  }
0x2fc: {  	v2 =	vand.u32 $0x7, v2;
	v3 =	vand.u32 $0xFFFFFFC0, v3  }
0x2fd: {  	v2 =	vor.u32 v2, v3  }
0x2fe: {  	v2 =	vperm.xlane v2, v0;
	_ =	sdelay $0x1  }
0x2ff: {  	v2 =	vadd.s32 v1, v2;
	_ =	sdelay $0x4  }
0x300: {  	[tilespmem:s0], [sflag:$0x4] =	stream.indirect_vreg.gather [hbm4b:s1+s22], $0x80, v2, vm0, $0xb8;
	[tilespmem:$0x18100] =	vst v63  }
0x301: {  	s31 =	sand.u32 $0x1C00, s22  }
0x302: {  	[tilespmem:s28], [sflag:$0x4] =	stream.indirect_vreg.gather [hbm4b:s6+s22], $0x80, v2, vm0, $0xb8;
	[tilespmem:$0x18100] =	vst v63  }
0x303: {  	s24 =	sor.u32 s31, s22  }
0x304: {  	[tilespmem:s4], [sflag:$0x4] =	stream.indirect_vreg.gather [hbm4b:s7+s22], $0x80, v2, vm0, $0xb8;
	[tilespmem:$0x18100] =	vst v63  }
0x305: {  	s24 =	sor.u32 $0x70, s24  }
0x306: {  	[tilespmem:s5], [sflag:$0x4] =	stream.indirect_vreg.gather [hbm4b:s8+s22], $0x80, v2, vm0, $0xb8;
	[tilespmem:$0x18100] =	vst v63  }
0x307: {  	s25 =	sand.u32 $0x380, s22;
	v2 =	vld [tilespmem:s24+$0x100]  }
0x308: {  	s23 =	sor.u32 s25, s31;
	v3 =	vld [tilespmem:s24+$0x8100]  }
0x309: {  	v4 =	vld [tilespmem:s23+$0x100]  }
0x30a: {  	v5 =	vld [tilespmem:s23+$0x8100]  }
0x30b: {  	v6 =	vld [tilespmem:s23+$0x110]  }
0x30c: {  	v7 =	vld [tilespmem:s23+$0x8110]  }
0x30d: {  	v8 =	vld [tilespmem:s23+$0x120]  }
0x30e: {  	v9 =	vld [tilespmem:s23+$0x8120];
	v3 =	vadd.f32 v3, v2  }
0x30f: {  	v4 =	vadd.f32 v5, v4;
	v2 =	vld [tilespmem:s23+$0x130]  }
0x310: {  	v5 =	vld [tilespmem:s23+$0x8130];
	v10 =	vmul.f32 $5.000000000e-01, v3  }
0x311: {  	v7 =	vadd.f32 v7, v6;
	v6 =	vld [tilespmem:s23+$0x8140];
	v4 =	vmul.f32 $5.000000000e-01, v4  }
0x312: {  	v3 =	vld [tilespmem:s23+$0x140];
	[tilespmem:s24+$0x10100] =	vst v10  }
0x313: {  	s25 =	simm.s32 $0x400;
	v8 =	vadd.f32 v9, v8;
	v7 =	vmul.f32 $5.000000000e-01, v7;
	s24 =	simm.s32 $0x0;
	[tilespmem:s23+$0x10100] =	vst v4;
	v4 =	vld [tilespmem:s23+$0x150]  }
.LBB2_18:
0x314: {  	s29 =	sand.u32 $0x1C00, s25;
	v9 =	vld [tilespmem:s23+$0x8150];
	s22 =	sadd.s32 $0x10, s22  }
0x315: {  	s24 =	sadd.s32 $0x8, s24;
	s30 =	sand.u32 $0x380, s22;
	s31 =	sor.u32 s29, s22;
	[tilespmem:s23+$0x10110] =	vst v7;
	v7 =	vmul.f32 $5.000000000e-01, v8;
	v2 =	vadd.f32 v5, v2;
	v5 =	vld [tilespmem:s23+$0x160]  }
0x316: {  	p0 =	slt.u32 s24, $0x1F8;
	s29 =	sor.u32 s30, s29;
	s30 =	sor.u32 $0x70, s31;
	v8 =	vld [tilespmem:s23+$0x8160]  }
0x317: {  	v10 =	vld [tilespmem:s30+$0x100];
	[tilespmem:s23+$0x10120] =	vst v7;
	v2 =	vmul.f32 $5.000000000e-01, v2;
	v3 =	vadd.f32 v6, v3  }
0x318: {  	v6 =	vld [tilespmem:s30+$0x8100]  }
0x319: {  	v7 =	vld [tilespmem:s29+$0x100];
	[tilespmem:s23+$0x10130] =	vst v2;
	v2 =	vmul.f32 $5.000000000e-01, v3;
	v3 =	vadd.f32 v9, v4  }
0x31a: {  	v4 =	vld [tilespmem:s29+$0x8100]  }
0x31b: {  	v9 =	vld [tilespmem:s29+$0x110];
	[tilespmem:s23+$0x10140] =	vst v2;
	v2 =	vmul.f32 $5.000000000e-01, v3;
	v3 =	vadd.f32 v8, v5  }
0x31c: {  	v8 =	vld [tilespmem:s29+$0x8110]  }
0x31d: {  	v11 =	vld [tilespmem:s29+$0x120];
	v5 =	vadd.f32 v6, v10;
	[tilespmem:s23+$0x10150] =	vst v2;
	v3 =	vmul.f32 $5.000000000e-01, v3  }
0x31e: {  	v10 =	vld [tilespmem:s29+$0x8120]  }
.Ltmp8:
0x31f: {  	v4 =	vadd.f32 v4, v7;
	v2 =	vld [tilespmem:s29+$0x130];
	v6 =	vmul.f32 $5.000000000e-01, v5;
	[tilespmem:s23+$0x10160] =	vst v3;
	s23 =	smov.u32 s29;
	(pc) =	sbr.rel @p0 .LBB2_18-.Ltmp8, $4  }
0x320: {  	v5 =	vld [tilespmem:s23+$0x8130]  }
0x321: {  	v4 =	vmul.f32 $5.000000000e-01, v4;
	v7 =	vadd.f32 v8, v9;
	v3 =	vld [tilespmem:s23+$0x140];
	[tilespmem:s30+$0x10100] =	vst v6  }
0x322: {  	v6 =	vld [tilespmem:s23+$0x8140]  }
0x323: {  	s25 =	sadd.s32 $0x400, s25;
	[tilespmem:s23+$0x10100] =	vst v4;
	v7 =	vmul.f32 $5.000000000e-01, v7;
	v8 =	vadd.f32 v10, v11;
	v4 =	vld [tilespmem:s23+$0x150]  }
0x324: {  	v9 =	vld [tilespmem:s23+$0x8150]  }
0x325: {  	v10 =	vld [tilespmem:s23+$0x160]  }
0x326: {  	v11 =	vld [tilespmem:s23+$0x8160];
	_ =	sdelay $0x1  }
0x327: {  	v2 =	vadd.f32 v5, v2  }
0x328: {  	v5 =	vmul.f32 $5.000000000e-01, v8;
	v3 =	vadd.f32 v6, v3  }
0x329: {  	[tilespmem:s23+$0x10110] =	vst v7;
	v2 =	vmul.f32 $5.000000000e-01, v2;
	v4 =	vadd.f32 v9, v4  }
0x32a: {  	[tilespmem:s23+$0x10120] =	vst v5;
	v3 =	vmul.f32 $5.000000000e-01, v3;
	v5 =	vadd.f32 v11, v10  }
0x32b: {  	[tilespmem:s23+$0x10130] =	vst v2;
	v2 =	vmul.f32 $5.000000000e-01, v4  }
0x32c: {  	[tilespmem:s23+$0x10140] =	vst v3;
	v3 =	vmul.f32 $5.000000000e-01, v5  }
0x32d: {  	[tilespmem:s23+$0x10150] =	vst v2  }
0x32e: {  	[tilespmem:s23+$0x10160] =	vst v3  }
0x32f: {  	s22 =	simm.s32 $0x0;
	s23 =	rddreg [dreg:$0xe]  }
0x330: {  	[hbm4b:s23+s22] =	stream.linear.scatter [tilespmem:s10], [sflag:$0x5], $0x2000, $0x38;
	[tilespmem:$0x18100] =	vst v63  }
0x331: {  	_ =	swait.ge [sflag:s11], $0x2000  }
0x332: {  	[sflag:s11] =	ssyncset.done $0x0  }
0x333: {  	[sflag:s11] =	ssyncadd.s32 $0xFFFFE000  }
0x334: {  	_ =	swait.ge [sflag:s11], $0x2000  }
0x335: {  	[sflag:s11] =	ssyncset.done $0x0  }
0x336: {  	[sflag:s11] =	ssyncadd.s32 $0xFFFFE000  }
0x337: {  	_ =	swait.ge [sflag:s18], $0x2000  }
0x338: {  	[sflag:s18] =	ssyncset.done $0x0  }
0x339: {  	[sflag:s18] =	ssyncadd.s32 $0xFFFFE000  }
0x33a: {  	v2 =	vld.msk [tilespmem:$0x60], $0xff;
	_ =	sdelay $0x4  }
0x33b: {  	v3 =	vshll.u32 v2, $0x3  }
0x33c: {  	v2 =	vand.u32 $0x7, v2;
	v3 =	vand.u32 $0xFFFFFFC0, v3  }
0x33d: {  	v2 =	vor.u32 v2, v3  }
0x33e: {  	v2 =	vperm.xlane v2, v0;
	_ =	sdelay $0x1  }
0x33f: {  	v2 =	vadd.s32 v1, v2;
	_ =	sdelay $0x3  }
0x340: {  	s25 =	simm.s32 $0x100  }
0x341: {  	[tilespmem:s25], [sflag:$0x1] =	stream.indirect_vreg.gather [hbm4b:s1+s22], $0x80, v2, vm0, $0xb8;
	[tilespmem:$0x18100] =	vst v63  }
0x342: {  	s29 =	simm.s32 $0x900  }
0x343: {  	[tilespmem:s29], [sflag:$0x1] =	stream.indirect_vreg.gather [hbm4b:s6+s22], $0x80, v2, vm0, $0xb8;
	[tilespmem:$0x18100] =	vst v63  }
0x344: {  	s30 =	simm.s32 $0x1100  }
0x345: {  	[tilespmem:s30], [sflag:$0x1] =	stream.indirect_vreg.gather [hbm4b:s7+s22], $0x80, v2, vm0, $0xb8;
	[tilespmem:$0x18100] =	vst v63  }
0x346: {  	s31 =	simm.s32 $0x1900  }
0x347: {  	[tilespmem:s31], [sflag:$0x1] =	stream.indirect_vreg.gather [hbm4b:s8+s22], $0x80, v2, vm0, $0xb8;
	[tilespmem:$0x18100] =	vst v63  }
0x348: {  	v2 =	vld.msk [tilespmem:$0xE0], $0xff;
	_ =	sdelay $0x4  }
0x349: {  	v3 =	vshll.u32 v2, $0x3  }
0x34a: {  	v2 =	vand.u32 $0x7, v2;
	v3 =	vand.u32 $0xFFFFFFC0, v3  }
0x34b: {  	v2 =	vor.u32 v2, v3  }
0x34c: {  	v2 =	vperm.xlane v2, v0;
	_ =	sdelay $0x1  }
0x34d: {  	v2 =	vadd.s32 v1, v2;
	_ =	sdelay $0x3  }
0x34e: {  	s24 =	simm.s32 $0x8100  }
0x34f: {  	[tilespmem:s24], [sflag:$0x1] =	stream.indirect_vreg.gather [hbm4b:s1+s22], $0x80, v2, vm0, $0xb8;
	[tilespmem:$0x18100] =	vst v63  }
0x350: {  	s25 =	simm.s32 $0x8900;
	s31 =	sand.u32 $0x1C00, s22  }
0x351: {  	[tilespmem:s25], [sflag:$0x1] =	stream.indirect_vreg.gather [hbm4b:s6+s22], $0x80, v2, vm0, $0xb8;
	[tilespmem:$0x18100] =	vst v63  }
0x352: {  	s29 =	simm.s32 $0x9100;
	s24 =	sor.u32 s31, s22  }
0x353: {  	[tilespmem:s29], [sflag:$0x1] =	stream.indirect_vreg.gather [hbm4b:s7+s22], $0x80, v2, vm0, $0xb8;
	[tilespmem:$0x18100] =	vst v63  }
0x354: {  	s30 =	simm.s32 $0x9900;
	s24 =	sor.u32 $0x70, s24  }
0x355: {  	[tilespmem:s30], [sflag:$0x1] =	stream.indirect_vreg.gather [hbm4b:s8+s22], $0x80, v2, vm0, $0xb8;
	[tilespmem:$0x18100] =	vst v63  }
0x356: {  	s25 =	sand.u32 $0x380, s22;
	v2 =	vld [tilespmem:s24+$0x2100]  }
0x357: {  	s23 =	sor.u32 s25, s31;
	v3 =	vld [tilespmem:s24+$0xA100]  }
0x358: {  	v4 =	vld [tilespmem:s23+$0x2100]  }
0x359: {  	v5 =	vld [tilespmem:s23+$0xA100]  }
0x35a: {  	v6 =	vld [tilespmem:s23+$0x2110]  }
0x35b: {  	v7 =	vld [tilespmem:s23+$0xA110]  }
0x35c: {  	v8 =	vld [tilespmem:s23+$0x2120]  }
0x35d: {  	v9 =	vld [tilespmem:s23+$0xA120];
	v3 =	vadd.f32 v3, v2  }
0x35e: {  	v4 =	vadd.f32 v5, v4;
	v2 =	vld [tilespmem:s23+$0x2130]  }
0x35f: {  	v5 =	vld [tilespmem:s23+$0xA130];
	v10 =	vmul.f32 $5.000000000e-01, v3  }
0x360: {  	v7 =	vadd.f32 v7, v6;
	v6 =	vld [tilespmem:s23+$0xA140];
	v4 =	vmul.f32 $5.000000000e-01, v4  }
0x361: {  	v3 =	vld [tilespmem:s23+$0x2140];
	[tilespmem:s24+$0x12100] =	vst v10  }
0x362: {  	s25 =	simm.s32 $0x400;
	v8 =	vadd.f32 v9, v8;
	v7 =	vmul.f32 $5.000000000e-01, v7;
	s24 =	simm.s32 $0x0;
	[tilespmem:s23+$0x12100] =	vst v4;
	v4 =	vld [tilespmem:s23+$0x2150]  }
.LBB2_20:
0x363: {  	s29 =	sand.u32 $0x1C00, s25;
	v9 =	vld [tilespmem:s23+$0xA150];
	s22 =	sadd.s32 $0x10, s22  }
0x364: {  	s24 =	sadd.s32 $0x8, s24;
	s30 =	sand.u32 $0x380, s22;
	s31 =	sor.u32 s29, s22;
	[tilespmem:s23+$0x12110] =	vst v7;
	v7 =	vmul.f32 $5.000000000e-01, v8;
	v2 =	vadd.f32 v5, v2;
	v5 =	vld [tilespmem:s23+$0x2160]  }
0x365: {  	p0 =	slt.u32 s24, $0x1F8;
	s29 =	sor.u32 s30, s29;
	s30 =	sor.u32 $0x70, s31;
	v8 =	vld [tilespmem:s23+$0xA160]  }
0x366: {  	v10 =	vld [tilespmem:s30+$0x2100];
	[tilespmem:s23+$0x12120] =	vst v7;
	v2 =	vmul.f32 $5.000000000e-01, v2;
	v3 =	vadd.f32 v6, v3  }
0x367: {  	v6 =	vld [tilespmem:s30+$0xA100]  }
0x368: {  	v7 =	vld [tilespmem:s29+$0x2100];
	[tilespmem:s23+$0x12130] =	vst v2;
	v2 =	vmul.f32 $5.000000000e-01, v3;
	v3 =	vadd.f32 v9, v4  }
0x369: {  	v4 =	vld [tilespmem:s29+$0xA100]  }
0x36a: {  	v9 =	vld [tilespmem:s29+$0x2110];
	[tilespmem:s23+$0x12140] =	vst v2;
	v2 =	vmul.f32 $5.000000000e-01, v3;
	v3 =	vadd.f32 v8, v5  }
0x36b: {  	v8 =	vld [tilespmem:s29+$0xA110]  }
0x36c: {  	v11 =	vld [tilespmem:s29+$0x2120];
	v5 =	vadd.f32 v6, v10;
	[tilespmem:s23+$0x12150] =	vst v2;
	v3 =	vmul.f32 $5.000000000e-01, v3  }
0x36d: {  	v10 =	vld [tilespmem:s29+$0xA120]  }
.Ltmp9:
0x36e: {  	v4 =	vadd.f32 v4, v7;
	v2 =	vld [tilespmem:s29+$0x2130];
	v6 =	vmul.f32 $5.000000000e-01, v5;
	[tilespmem:s23+$0x12160] =	vst v3;
	s23 =	smov.u32 s29;
	(pc) =	sbr.rel @p0 .LBB2_20-.Ltmp9, $4  }
0x36f: {  	v5 =	vld [tilespmem:s23+$0xA130]  }
0x370: {  	v4 =	vmul.f32 $5.000000000e-01, v4;
	v7 =	vadd.f32 v8, v9;
	v3 =	vld [tilespmem:s23+$0x2140];
	[tilespmem:s30+$0x12100] =	vst v6  }
0x371: {  	v6 =	vld [tilespmem:s23+$0xA140]  }
0x372: {  	s25 =	sadd.s32 $0x400, s25;
	[tilespmem:s23+$0x12100] =	vst v4;
	v7 =	vmul.f32 $5.000000000e-01, v7;
	v8 =	vadd.f32 v10, v11;
	v4 =	vld [tilespmem:s23+$0x2150]  }
0x373: {  	v9 =	vld [tilespmem:s23+$0xA150]  }
0x374: {  	v10 =	vld [tilespmem:s23+$0x2160]  }
0x375: {  	v11 =	vld [tilespmem:s23+$0xA160];
	_ =	sdelay $0x1  }
0x376: {  	v2 =	vadd.f32 v5, v2  }
0x377: {  	v5 =	vmul.f32 $5.000000000e-01, v8;
	v3 =	vadd.f32 v6, v3  }
0x378: {  	[tilespmem:s23+$0x12110] =	vst v7;
	v2 =	vmul.f32 $5.000000000e-01, v2;
	v4 =	vadd.f32 v9, v4  }
0x379: {  	[tilespmem:s23+$0x12120] =	vst v5;
	v3 =	vmul.f32 $5.000000000e-01, v3;
	v5 =	vadd.f32 v11, v10  }
0x37a: {  	[tilespmem:s23+$0x12130] =	vst v2;
	v2 =	vmul.f32 $5.000000000e-01, v4  }
0x37b: {  	[tilespmem:s23+$0x12140] =	vst v3;
	v3 =	vmul.f32 $5.000000000e-01, v5  }
0x37c: {  	[tilespmem:s23+$0x12150] =	vst v2  }
0x37d: {  	[tilespmem:s23+$0x12160] =	vst v3  }
0x37e: {  	s22 =	simm.s32 $0x0;
	s23 =	rddreg [dreg:$0xf]  }
0x37f: {  	[hbm4b:s23+s22] =	stream.linear.scatter [tilespmem:s12], [sflag:$0x6], $0x2000, $0x38;
	[tilespmem:$0x18100] =	vst v63  }
0x380: {  	_ =	swait.ge [sflag:s13], $0x2000  }
0x381: {  	[sflag:s13] =	ssyncset.done $0x0  }
0x382: {  	[sflag:s13] =	ssyncadd.s32 $0xFFFFE000  }
0x383: {  	_ =	swait.ge [sflag:s13], $0x2000  }
0x384: {  	[sflag:s13] =	ssyncset.done $0x0  }
0x385: {  	[sflag:s13] =	ssyncadd.s32 $0xFFFFE000  }
0x386: {  	_ =	swait.ge [sflag:s19], $0x2000  }
0x387: {  	[sflag:s19] =	ssyncset.done $0x0  }
0x388: {  	[sflag:s19] =	ssyncadd.s32 $0xFFFFE000  }
0x389: {  	v2 =	vld.msk [tilespmem:$0x68], $0xff;
	_ =	sdelay $0x4  }
0x38a: {  	v3 =	vshll.u32 v2, $0x3  }
0x38b: {  	v2 =	vand.u32 $0x7, v2;
	v3 =	vand.u32 $0xFFFFFFC0, v3  }
0x38c: {  	v2 =	vor.u32 v2, v3  }
0x38d: {  	v2 =	vperm.xlane v2, v0;
	_ =	sdelay $0x1  }
0x38e: {  	v2 =	vadd.s32 v1, v2;
	_ =	sdelay $0x3  }
0x38f: {  	s25 =	simm.s32 $0x2100  }
0x390: {  	[tilespmem:s25], [sflag:$0x2] =	stream.indirect_vreg.gather [hbm4b:s1+s22], $0x80, v2, vm0, $0xb8;
	[tilespmem:$0x18100] =	vst v63  }
0x391: {  	s29 =	simm.s32 $0x2900  }
0x392: {  	[tilespmem:s29], [sflag:$0x2] =	stream.indirect_vreg.gather [hbm4b:s6+s22], $0x80, v2, vm0, $0xb8;
	[tilespmem:$0x18100] =	vst v63  }
0x393: {  	s30 =	simm.s32 $0x3100  }
0x394: {  	[tilespmem:s30], [sflag:$0x2] =	stream.indirect_vreg.gather [hbm4b:s7+s22], $0x80, v2, vm0, $0xb8;
	[tilespmem:$0x18100] =	vst v63  }
0x395: {  	s31 =	simm.s32 $0x3900  }
0x396: {  	[tilespmem:s31], [sflag:$0x2] =	stream.indirect_vreg.gather [hbm4b:s8+s22], $0x80, v2, vm0, $0xb8;
	[tilespmem:$0x18100] =	vst v63  }
0x397: {  	v2 =	vld.msk [tilespmem:$0xE8], $0xff;
	_ =	sdelay $0x4  }
0x398: {  	v3 =	vshll.u32 v2, $0x3  }
0x399: {  	v2 =	vand.u32 $0x7, v2;
	v3 =	vand.u32 $0xFFFFFFC0, v3  }
0x39a: {  	v2 =	vor.u32 v2, v3  }
0x39b: {  	v2 =	vperm.xlane v2, v0;
	_ =	sdelay $0x1  }
0x39c: {  	v2 =	vadd.s32 v1, v2;
	_ =	sdelay $0x3  }
0x39d: {  	s24 =	simm.s32 $0xA100  }
0x39e: {  	[tilespmem:s24], [sflag:$0x2] =	stream.indirect_vreg.gather [hbm4b:s1+s22], $0x80, v2, vm0, $0xb8;
	[tilespmem:$0x18100] =	vst v63  }
0x39f: {  	s25 =	simm.s32 $0xA900;
	s31 =	sand.u32 $0x1C00, s22  }
0x3a0: {  	[tilespmem:s25], [sflag:$0x2] =	stream.indirect_vreg.gather [hbm4b:s6+s22], $0x80, v2, vm0, $0xb8;
	[tilespmem:$0x18100] =	vst v63  }
0x3a1: {  	s29 =	simm.s32 $0xB100;
	s24 =	sor.u32 s31, s22  }
0x3a2: {  	[tilespmem:s29], [sflag:$0x2] =	stream.indirect_vreg.gather [hbm4b:s7+s22], $0x80, v2, vm0, $0xb8;
	[tilespmem:$0x18100] =	vst v63  }
0x3a3: {  	s30 =	simm.s32 $0xB900;
	s24 =	sor.u32 $0x70, s24  }
0x3a4: {  	[tilespmem:s30], [sflag:$0x2] =	stream.indirect_vreg.gather [hbm4b:s8+s22], $0x80, v2, vm0, $0xb8;
	[tilespmem:$0x18100] =	vst v63  }
0x3a5: {  	s25 =	sand.u32 $0x380, s22;
	v2 =	vld [tilespmem:s24+$0x4100]  }
0x3a6: {  	s23 =	sor.u32 s25, s31;
	v3 =	vld [tilespmem:s24+$0xC100]  }
0x3a7: {  	v4 =	vld [tilespmem:s23+$0x4100]  }
0x3a8: {  	v5 =	vld [tilespmem:s23+$0xC100]  }
0x3a9: {  	v6 =	vld [tilespmem:s23+$0x4110]  }
0x3aa: {  	v7 =	vld [tilespmem:s23+$0xC110]  }
0x3ab: {  	v8 =	vld [tilespmem:s23+$0x4120]  }
0x3ac: {  	v9 =	vld [tilespmem:s23+$0xC120];
	v3 =	vadd.f32 v3, v2  }
0x3ad: {  	v4 =	vadd.f32 v5, v4;
	v2 =	vld [tilespmem:s23+$0x4130]  }
0x3ae: {  	v5 =	vld [tilespmem:s23+$0xC130];
	v10 =	vmul.f32 $5.000000000e-01, v3  }
0x3af: {  	v7 =	vadd.f32 v7, v6;
	v6 =	vld [tilespmem:s23+$0xC140];
	v4 =	vmul.f32 $5.000000000e-01, v4  }
0x3b0: {  	v3 =	vld [tilespmem:s23+$0x4140];
	[tilespmem:s24+$0x14100] =	vst v10  }
0x3b1: {  	s25 =	simm.s32 $0x400;
	v8 =	vadd.f32 v9, v8;
	v7 =	vmul.f32 $5.000000000e-01, v7;
	s24 =	simm.s32 $0x0;
	[tilespmem:s23+$0x14100] =	vst v4;
	v4 =	vld [tilespmem:s23+$0x4150]  }
.LBB2_22:
0x3b2: {  	s29 =	sand.u32 $0x1C00, s25;
	v9 =	vld [tilespmem:s23+$0xC150];
	s22 =	sadd.s32 $0x10, s22  }
0x3b3: {  	s24 =	sadd.s32 $0x8, s24;
	s30 =	sand.u32 $0x380, s22;
	s31 =	sor.u32 s29, s22;
	[tilespmem:s23+$0x14110] =	vst v7;
	v7 =	vmul.f32 $5.000000000e-01, v8;
	v2 =	vadd.f32 v5, v2;
	v5 =	vld [tilespmem:s23+$0x4160]  }
0x3b4: {  	p0 =	slt.u32 s24, $0x1F8;
	s29 =	sor.u32 s30, s29;
	s30 =	sor.u32 $0x70, s31;
	v8 =	vld [tilespmem:s23+$0xC160]  }
0x3b5: {  	v10 =	vld [tilespmem:s30+$0x4100];
	[tilespmem:s23+$0x14120] =	vst v7;
	v2 =	vmul.f32 $5.000000000e-01, v2;
	v3 =	vadd.f32 v6, v3  }
0x3b6: {  	v6 =	vld [tilespmem:s30+$0xC100]  }
0x3b7: {  	v7 =	vld [tilespmem:s29+$0x4100];
	[tilespmem:s23+$0x14130] =	vst v2;
	v2 =	vmul.f32 $5.000000000e-01, v3;
	v3 =	vadd.f32 v9, v4  }
0x3b8: {  	v4 =	vld [tilespmem:s29+$0xC100]  }
0x3b9: {  	v9 =	vld [tilespmem:s29+$0x4110];
	[tilespmem:s23+$0x14140] =	vst v2;
	v2 =	vmul.f32 $5.000000000e-01, v3;
	v3 =	vadd.f32 v8, v5  }
0x3ba: {  	v8 =	vld [tilespmem:s29+$0xC110]  }
0x3bb: {  	v11 =	vld [tilespmem:s29+$0x4120];
	v5 =	vadd.f32 v6, v10;
	[tilespmem:s23+$0x14150] =	vst v2;
	v3 =	vmul.f32 $5.000000000e-01, v3  }
0x3bc: {  	v10 =	vld [tilespmem:s29+$0xC120]  }
.Ltmp10:
0x3bd: {  	v4 =	vadd.f32 v4, v7;
	v2 =	vld [tilespmem:s29+$0x4130];
	v6 =	vmul.f32 $5.000000000e-01, v5;
	[tilespmem:s23+$0x14160] =	vst v3;
	s23 =	smov.u32 s29;
	(pc) =	sbr.rel @p0 .LBB2_22-.Ltmp10, $4  }
0x3be: {  	v5 =	vld [tilespmem:s23+$0xC130]  }
0x3bf: {  	v4 =	vmul.f32 $5.000000000e-01, v4;
	v7 =	vadd.f32 v8, v9;
	v3 =	vld [tilespmem:s23+$0x4140];
	[tilespmem:s30+$0x14100] =	vst v6  }
0x3c0: {  	v6 =	vld [tilespmem:s23+$0xC140]  }
0x3c1: {  	s25 =	sadd.s32 $0x400, s25;
	[tilespmem:s23+$0x14100] =	vst v4;
	v7 =	vmul.f32 $5.000000000e-01, v7;
	v8 =	vadd.f32 v10, v11;
	v4 =	vld [tilespmem:s23+$0x4150]  }
0x3c2: {  	v9 =	vld [tilespmem:s23+$0xC150]  }
0x3c3: {  	v10 =	vld [tilespmem:s23+$0x4160]  }
0x3c4: {  	v11 =	vld [tilespmem:s23+$0xC160];
	_ =	sdelay $0x1  }
0x3c5: {  	v2 =	vadd.f32 v5, v2  }
0x3c6: {  	v5 =	vmul.f32 $5.000000000e-01, v8;
	v3 =	vadd.f32 v6, v3  }
0x3c7: {  	[tilespmem:s23+$0x14110] =	vst v7;
	v2 =	vmul.f32 $5.000000000e-01, v2;
	v4 =	vadd.f32 v9, v4  }
0x3c8: {  	[tilespmem:s23+$0x14120] =	vst v5;
	v3 =	vmul.f32 $5.000000000e-01, v3;
	v5 =	vadd.f32 v11, v10  }
0x3c9: {  	[tilespmem:s23+$0x14130] =	vst v2;
	v2 =	vmul.f32 $5.000000000e-01, v4  }
0x3ca: {  	[tilespmem:s23+$0x14140] =	vst v3;
	v3 =	vmul.f32 $5.000000000e-01, v5  }
0x3cb: {  	[tilespmem:s23+$0x14150] =	vst v2  }
0x3cc: {  	[tilespmem:s23+$0x14160] =	vst v3  }
0x3cd: {  	s22 =	simm.s32 $0x0;
	s23 =	rddreg [dreg:$0x10]  }
0x3ce: {  	[hbm4b:s23+s22] =	stream.linear.scatter [tilespmem:s14], [sflag:$0x7], $0x2000, $0x38;
	[tilespmem:$0x18100] =	vst v63  }
0x3cf: {  	_ =	swait.ge [sflag:s15], $0x2000  }
0x3d0: {  	[sflag:s15] =	ssyncset.done $0x0  }
0x3d1: {  	[sflag:s15] =	ssyncadd.s32 $0xFFFFE000  }
0x3d2: {  	_ =	swait.ge [sflag:s15], $0x2000  }
0x3d3: {  	[sflag:s15] =	ssyncset.done $0x0  }
0x3d4: {  	[sflag:s15] =	ssyncadd.s32 $0xFFFFE000  }
0x3d5: {  	_ =	swait.ge [sflag:s20], $0x2000  }
0x3d6: {  	[sflag:s20] =	ssyncset.done $0x0  }
0x3d7: {  	[sflag:s20] =	ssyncadd.s32 $0xFFFFE000  }
0x3d8: {  	v2 =	vld.msk [tilespmem:$0x70], $0xff;
	_ =	sdelay $0x4  }
0x3d9: {  	v3 =	vshll.u32 v2, $0x3  }
0x3da: {  	v2 =	vand.u32 $0x7, v2;
	v3 =	vand.u32 $0xFFFFFFC0, v3  }
0x3db: {  	v2 =	vor.u32 v2, v3  }
0x3dc: {  	v2 =	vperm.xlane v2, v0;
	_ =	sdelay $0x1  }
0x3dd: {  	v2 =	vadd.s32 v1, v2;
	_ =	sdelay $0x3  }
0x3de: {  	s25 =	simm.s32 $0x4100  }
0x3df: {  	[tilespmem:s25], [sflag:$0x3] =	stream.indirect_vreg.gather [hbm4b:s1+s22], $0x80, v2, vm0, $0xb8;
	[tilespmem:$0x18100] =	vst v63  }
0x3e0: {  	s29 =	simm.s32 $0x4900  }
0x3e1: {  	[tilespmem:s29], [sflag:$0x3] =	stream.indirect_vreg.gather [hbm4b:s6+s22], $0x80, v2, vm0, $0xb8;
	[tilespmem:$0x18100] =	vst v63  }
0x3e2: {  	s30 =	simm.s32 $0x5100  }
0x3e3: {  	[tilespmem:s30], [sflag:$0x3] =	stream.indirect_vreg.gather [hbm4b:s7+s22], $0x80, v2, vm0, $0xb8;
	[tilespmem:$0x18100] =	vst v63  }
0x3e4: {  	s31 =	simm.s32 $0x5900  }
0x3e5: {  	[tilespmem:s31], [sflag:$0x3] =	stream.indirect_vreg.gather [hbm4b:s8+s22], $0x80, v2, vm0, $0xb8;
	[tilespmem:$0x18100] =	vst v63  }
0x3e6: {  	v2 =	vld.msk [tilespmem:$0xF0], $0xff;
	_ =	sdelay $0x4  }
0x3e7: {  	v3 =	vshll.u32 v2, $0x3  }
0x3e8: {  	v2 =	vand.u32 $0x7, v2;
	v3 =	vand.u32 $0xFFFFFFC0, v3  }
0x3e9: {  	v2 =	vor.u32 v2, v3  }
0x3ea: {  	v2 =	vperm.xlane v2, v0;
	_ =	sdelay $0x1  }
0x3eb: {  	v2 =	vadd.s32 v1, v2;
	_ =	sdelay $0x3  }
0x3ec: {  	s24 =	simm.s32 $0xC100  }
0x3ed: {  	[tilespmem:s24], [sflag:$0x3] =	stream.indirect_vreg.gather [hbm4b:s1+s22], $0x80, v2, vm0, $0xb8;
	[tilespmem:$0x18100] =	vst v63  }
0x3ee: {  	s25 =	simm.s32 $0xC900;
	s31 =	sand.u32 $0x1C00, s22  }
0x3ef: {  	[tilespmem:s25], [sflag:$0x3] =	stream.indirect_vreg.gather [hbm4b:s6+s22], $0x80, v2, vm0, $0xb8;
	[tilespmem:$0x18100] =	vst v63  }
0x3f0: {  	s29 =	simm.s32 $0xD100;
	s24 =	sor.u32 s31, s22  }
0x3f1: {  	[tilespmem:s29], [sflag:$0x3] =	stream.indirect_vreg.gather [hbm4b:s7+s22], $0x80, v2, vm0, $0xb8;
	[tilespmem:$0x18100] =	vst v63  }
0x3f2: {  	s30 =	simm.s32 $0xD900;
	s24 =	sor.u32 $0x70, s24  }
0x3f3: {  	[tilespmem:s30], [sflag:$0x3] =	stream.indirect_vreg.gather [hbm4b:s8+s22], $0x80, v2, vm0, $0xb8;
	[tilespmem:$0x18100] =	vst v63  }
0x3f4: {  	s25 =	sand.u32 $0x380, s22;
	v2 =	vld [tilespmem:s24+$0x6100]  }
0x3f5: {  	s23 =	sor.u32 s25, s31;
	v3 =	vld [tilespmem:s24+$0xE100]  }
0x3f6: {  	v4 =	vld [tilespmem:s23+$0x6100]  }
0x3f7: {  	v5 =	vld [tilespmem:s23+$0xE100]  }
0x3f8: {  	v6 =	vld [tilespmem:s23+$0x6110]  }
0x3f9: {  	v7 =	vld [tilespmem:s23+$0xE110]  }
0x3fa: {  	v8 =	vld [tilespmem:s23+$0x6120]  }
0x3fb: {  	v9 =	vld [tilespmem:s23+$0xE120];
	v3 =	vadd.f32 v3, v2  }
0x3fc: {  	v4 =	vadd.f32 v5, v4;
	v2 =	vld [tilespmem:s23+$0x6130]  }
0x3fd: {  	v5 =	vld [tilespmem:s23+$0xE130];
	v10 =	vmul.f32 $5.000000000e-01, v3  }
0x3fe: {  	v7 =	vadd.f32 v7, v6;
	v6 =	vld [tilespmem:s23+$0xE140];
	v4 =	vmul.f32 $5.000000000e-01, v4  }
0x3ff: {  	v3 =	vld [tilespmem:s23+$0x6140];
	[tilespmem:s24+$0x16100] =	vst v10  }
0x400: {  	s25 =	simm.s32 $0x400;
	v8 =	vadd.f32 v9, v8;
	v7 =	vmul.f32 $5.000000000e-01, v7;
	s24 =	simm.s32 $0x0;
	[tilespmem:s23+$0x16100] =	vst v4;
	v4 =	vld [tilespmem:s23+$0x6150]  }
.LBB2_24:
0x401: {  	s29 =	sand.u32 $0x1C00, s25;
	v9 =	vld [tilespmem:s23+$0xE150];
	s22 =	sadd.s32 $0x10, s22  }
0x402: {  	s24 =	sadd.s32 $0x8, s24;
	s30 =	sand.u32 $0x380, s22;
	s31 =	sor.u32 s29, s22;
	[tilespmem:s23+$0x16110] =	vst v7;
	v7 =	vmul.f32 $5.000000000e-01, v8;
	v2 =	vadd.f32 v5, v2;
	v5 =	vld [tilespmem:s23+$0x6160]  }
0x403: {  	p0 =	slt.u32 s24, $0x1F8;
	s29 =	sor.u32 s30, s29;
	s30 =	sor.u32 $0x70, s31;
	v8 =	vld [tilespmem:s23+$0xE160]  }
0x404: {  	v10 =	vld [tilespmem:s30+$0x6100];
	[tilespmem:s23+$0x16120] =	vst v7;
	v2 =	vmul.f32 $5.000000000e-01, v2;
	v3 =	vadd.f32 v6, v3  }
0x405: {  	v6 =	vld [tilespmem:s30+$0xE100]  }
0x406: {  	v7 =	vld [tilespmem:s29+$0x6100];
	[tilespmem:s23+$0x16130] =	vst v2;
	v2 =	vmul.f32 $5.000000000e-01, v3;
	v3 =	vadd.f32 v9, v4  }
0x407: {  	v4 =	vld [tilespmem:s29+$0xE100]  }
0x408: {  	v9 =	vld [tilespmem:s29+$0x6110];
	[tilespmem:s23+$0x16140] =	vst v2;
	v2 =	vmul.f32 $5.000000000e-01, v3;
	v3 =	vadd.f32 v8, v5  }
0x409: {  	v8 =	vld [tilespmem:s29+$0xE110]  }
0x40a: {  	v11 =	vld [tilespmem:s29+$0x6120];
	v5 =	vadd.f32 v6, v10;
	[tilespmem:s23+$0x16150] =	vst v2;
	v3 =	vmul.f32 $5.000000000e-01, v3  }
0x40b: {  	v10 =	vld [tilespmem:s29+$0xE120]  }
.Ltmp11:
0x40c: {  	v4 =	vadd.f32 v4, v7;
	v2 =	vld [tilespmem:s29+$0x6130];
	v6 =	vmul.f32 $5.000000000e-01, v5;
	[tilespmem:s23+$0x16160] =	vst v3;
	s23 =	smov.u32 s29;
	(pc) =	sbr.rel @p0 .LBB2_24-.Ltmp11, $4  }
0x40d: {  	v5 =	vld [tilespmem:s23+$0xE130]  }
0x40e: {  	v4 =	vmul.f32 $5.000000000e-01, v4;
	v7 =	vadd.f32 v8, v9;
	v3 =	vld [tilespmem:s23+$0x6140];
	[tilespmem:s30+$0x16100] =	vst v6  }
0x40f: {  	v6 =	vld [tilespmem:s23+$0xE140]  }
0x410: {  	s25 =	sadd.s32 $0x400, s25;
	[tilespmem:s23+$0x16100] =	vst v4;
	v7 =	vmul.f32 $5.000000000e-01, v7;
	v8 =	vadd.f32 v10, v11;
	v4 =	vld [tilespmem:s23+$0x6150]  }
0x411: {  	v9 =	vld [tilespmem:s23+$0xE150]  }
0x412: {  	v10 =	vld [tilespmem:s23+$0x6160]  }
0x413: {  	v11 =	vld [tilespmem:s23+$0xE160];
	_ =	sdelay $0x1  }
0x414: {  	v2 =	vadd.f32 v5, v2  }
0x415: {  	v5 =	vmul.f32 $5.000000000e-01, v8;
	v3 =	vadd.f32 v6, v3  }
0x416: {  	[tilespmem:s23+$0x16110] =	vst v7;
	v2 =	vmul.f32 $5.000000000e-01, v2;
	v4 =	vadd.f32 v9, v4  }
0x417: {  	[tilespmem:s23+$0x16120] =	vst v5;
	v3 =	vmul.f32 $5.000000000e-01, v3;
	v5 =	vadd.f32 v11, v10  }
0x418: {  	[tilespmem:s23+$0x16130] =	vst v2;
	v2 =	vmul.f32 $5.000000000e-01, v4  }
0x419: {  	[tilespmem:s23+$0x16140] =	vst v3;
	v3 =	vmul.f32 $5.000000000e-01, v5  }
0x41a: {  	[tilespmem:s23+$0x16150] =	vst v2  }
0x41b: {  	[tilespmem:s23+$0x16160] =	vst v3  }
0x41c: {  	s22 =	simm.s32 $0x0;
	s23 =	rddreg [dreg:$0x11]  }
0x41d: {  	[hbm4b:s23+s22] =	stream.linear.scatter [tilespmem:s16], [sflag:$0x8], $0x2000, $0x38;
	[tilespmem:$0x18100] =	vst v63  }
0x41e: {  	_ =	swait.ge [sflag:s9], $0x2000  }
0x41f: {  	[sflag:s9] =	ssyncset.done $0x0  }
0x420: {  	[sflag:s9] =	ssyncadd.s32 $0xFFFFE000  }
0x421: {  	_ =	swait.ge [sflag:s9], $0x2000  }
0x422: {  	[sflag:s9] =	ssyncset.done $0x0  }
0x423: {  	[sflag:s9] =	ssyncadd.s32 $0xFFFFE000  }
0x424: {  	_ =	swait.ge [sflag:s17], $0x2000  }
0x425: {  	[sflag:s17] =	ssyncset.done $0x0  }
0x426: {  	[sflag:s17] =	ssyncadd.s32 $0xFFFFE000  }
0x427: {  	v2 =	vld.msk [tilespmem:$0x78], $0xff;
	_ =	sdelay $0x4  }
0x428: {  	v3 =	vshll.u32 v2, $0x3  }
0x429: {  	v2 =	vand.u32 $0x7, v2;
	v3 =	vand.u32 $0xFFFFFFC0, v3  }
0x42a: {  	v2 =	vor.u32 v2, v3  }
0x42b: {  	v2 =	vperm.xlane v2, v0;
	_ =	sdelay $0x1  }
0x42c: {  	v2 =	vadd.s32 v1, v2;
	_ =	sdelay $0x3  }
0x42d: {  	s25 =	simm.s32 $0x6100  }
0x42e: {  	[tilespmem:s25], [sflag:$0x4] =	stream.indirect_vreg.gather [hbm4b:s1+s22], $0x80, v2, vm0, $0xb8;
	[tilespmem:$0x18100] =	vst v63  }
0x42f: {  	s29 =	simm.s32 $0x6900  }
0x430: {  	[tilespmem:s29], [sflag:$0x4] =	stream.indirect_vreg.gather [hbm4b:s6+s22], $0x80, v2, vm0, $0xb8;
	[tilespmem:$0x18100] =	vst v63  }
0x431: {  	s30 =	simm.s32 $0x7100  }
0x432: {  	[tilespmem:s30], [sflag:$0x4] =	stream.indirect_vreg.gather [hbm4b:s7+s22], $0x80, v2, vm0, $0xb8;
	[tilespmem:$0x18100] =	vst v63  }
0x433: {  	_ = 	snop  }
0x434: {  	[tilespmem:s2], [sflag:$0x4] =	stream.indirect_vreg.gather [hbm4b:s8+s22], $0x80, v2, vm0, $0xb8;
	[tilespmem:$0x18100] =	vst v63  }
0x435: {  	v2 =	vld.msk [tilespmem:$0xF8], $0xff;
	_ =	sdelay $0x4  }
0x436: {  	v3 =	vshll.u32 v2, $0x3  }
0x437: {  	v2 =	vand.u32 $0x7, v2;
	v3 =	vand.u32 $0xFFFFFFC0, v3  }
0x438: {  	v2 =	vor.u32 v2, v3  }
0x439: {  	v2 =	vperm.xlane v2, v0;
	_ =	sdelay $0x1  }
0x43a: {  	v2 =	vadd.s32 v1, v2;
	_ =	sdelay $0x4  }
0x43b: {  	[tilespmem:s0], [sflag:$0x4] =	stream.indirect_vreg.gather [hbm4b:s1+s22], $0x80, v2, vm0, $0xb8;
	[tilespmem:$0x18100] =	vst v63  }
0x43c: {  	s31 =	sand.u32 $0x1C00, s22  }
0x43d: {  	[tilespmem:s28], [sflag:$0x4] =	stream.indirect_vreg.gather [hbm4b:s6+s22], $0x80, v2, vm0, $0xb8;
	[tilespmem:$0x18100] =	vst v63  }
0x43e: {  	s24 =	sor.u32 s31, s22  }
0x43f: {  	[tilespmem:s4], [sflag:$0x4] =	stream.indirect_vreg.gather [hbm4b:s7+s22], $0x80, v2, vm0, $0xb8;
	[tilespmem:$0x18100] =	vst v63  }
0x440: {  	s24 =	sor.u32 $0x70, s24  }
0x441: {  	[tilespmem:s5], [sflag:$0x4] =	stream.indirect_vreg.gather [hbm4b:s8+s22], $0x80, v2, vm0, $0xb8;
	[tilespmem:$0x18100] =	vst v63  }
0x442: {  	s25 =	sand.u32 $0x380, s22;
	v2 =	vld [tilespmem:s24+$0x100]  }
0x443: {  	s23 =	sor.u32 s25, s31;
	v3 =	vld [tilespmem:s24+$0x8100]  }
0x444: {  	v4 =	vld [tilespmem:s23+$0x100]  }
0x445: {  	v5 =	vld [tilespmem:s23+$0x8100]  }
0x446: {  	v6 =	vld [tilespmem:s23+$0x110]  }
0x447: {  	v7 =	vld [tilespmem:s23+$0x8110]  }
0x448: {  	v8 =	vld [tilespmem:s23+$0x120]  }
0x449: {  	v9 =	vld [tilespmem:s23+$0x8120];
	v3 =	vadd.f32 v3, v2  }
0x44a: {  	v4 =	vadd.f32 v5, v4;
	v2 =	vld [tilespmem:s23+$0x130]  }
0x44b: {  	v5 =	vld [tilespmem:s23+$0x8130];
	v10 =	vmul.f32 $5.000000000e-01, v3  }
0x44c: {  	v7 =	vadd.f32 v7, v6;
	v6 =	vld [tilespmem:s23+$0x8140];
	v4 =	vmul.f32 $5.000000000e-01, v4  }
0x44d: {  	v3 =	vld [tilespmem:s23+$0x140];
	[tilespmem:s24+$0x10100] =	vst v10  }
0x44e: {  	s25 =	simm.s32 $0x400;
	v8 =	vadd.f32 v9, v8;
	v7 =	vmul.f32 $5.000000000e-01, v7;
	s24 =	simm.s32 $0x0;
	[tilespmem:s23+$0x10100] =	vst v4;
	v4 =	vld [tilespmem:s23+$0x150]  }
.LBB2_26:
0x44f: {  	s29 =	sand.u32 $0x1C00, s25;
	v9 =	vld [tilespmem:s23+$0x8150];
	s22 =	sadd.s32 $0x10, s22  }
0x450: {  	s24 =	sadd.s32 $0x8, s24;
	s30 =	sand.u32 $0x380, s22;
	s31 =	sor.u32 s29, s22;
	[tilespmem:s23+$0x10110] =	vst v7;
	v7 =	vmul.f32 $5.000000000e-01, v8;
	v2 =	vadd.f32 v5, v2;
	v5 =	vld [tilespmem:s23+$0x160]  }
0x451: {  	p0 =	slt.u32 s24, $0x1F8;
	s29 =	sor.u32 s30, s29;
	s30 =	sor.u32 $0x70, s31;
	v8 =	vld [tilespmem:s23+$0x8160]  }
0x452: {  	v10 =	vld [tilespmem:s30+$0x100];
	[tilespmem:s23+$0x10120] =	vst v7;
	v2 =	vmul.f32 $5.000000000e-01, v2;
	v3 =	vadd.f32 v6, v3  }
0x453: {  	v6 =	vld [tilespmem:s30+$0x8100]  }
0x454: {  	v7 =	vld [tilespmem:s29+$0x100];
	[tilespmem:s23+$0x10130] =	vst v2;
	v2 =	vmul.f32 $5.000000000e-01, v3;
	v3 =	vadd.f32 v9, v4  }
0x455: {  	v4 =	vld [tilespmem:s29+$0x8100]  }
0x456: {  	v9 =	vld [tilespmem:s29+$0x110];
	[tilespmem:s23+$0x10140] =	vst v2;
	v2 =	vmul.f32 $5.000000000e-01, v3;
	v3 =	vadd.f32 v8, v5  }
0x457: {  	v8 =	vld [tilespmem:s29+$0x8110]  }
0x458: {  	v11 =	vld [tilespmem:s29+$0x120];
	v5 =	vadd.f32 v6, v10;
	[tilespmem:s23+$0x10150] =	vst v2;
	v3 =	vmul.f32 $5.000000000e-01, v3  }
0x459: {  	v10 =	vld [tilespmem:s29+$0x8120]  }
.Ltmp12:
0x45a: {  	v4 =	vadd.f32 v4, v7;
	v2 =	vld [tilespmem:s29+$0x130];
	v6 =	vmul.f32 $5.000000000e-01, v5;
	[tilespmem:s23+$0x10160] =	vst v3;
	s23 =	smov.u32 s29;
	(pc) =	sbr.rel @p0 .LBB2_26-.Ltmp12, $4  }
0x45b: {  	v5 =	vld [tilespmem:s23+$0x8130]  }
0x45c: {  	v4 =	vmul.f32 $5.000000000e-01, v4;
	v7 =	vadd.f32 v8, v9;
	v3 =	vld [tilespmem:s23+$0x140];
	[tilespmem:s30+$0x10100] =	vst v6  }
0x45d: {  	v6 =	vld [tilespmem:s23+$0x8140]  }
0x45e: {  	s25 =	sadd.s32 $0x400, s25;
	[tilespmem:s23+$0x10100] =	vst v4;
	v7 =	vmul.f32 $5.000000000e-01, v7;
	v8 =	vadd.f32 v10, v11;
	v4 =	vld [tilespmem:s23+$0x150]  }
0x45f: {  	v9 =	vld [tilespmem:s23+$0x8150]  }
0x460: {  	v10 =	vld [tilespmem:s23+$0x160]  }
0x461: {  	v11 =	vld [tilespmem:s23+$0x8160];
	_ =	sdelay $0x1  }
0x462: {  	v2 =	vadd.f32 v5, v2  }
0x463: {  	v5 =	vmul.f32 $5.000000000e-01, v8;
	v3 =	vadd.f32 v6, v3  }
0x464: {  	[tilespmem:s23+$0x10110] =	vst v7;
	v2 =	vmul.f32 $5.000000000e-01, v2;
	v4 =	vadd.f32 v9, v4  }
0x465: {  	[tilespmem:s23+$0x10120] =	vst v5;
	v3 =	vmul.f32 $5.000000000e-01, v3;
	v5 =	vadd.f32 v11, v10  }
0x466: {  	[tilespmem:s23+$0x10130] =	vst v2;
	v2 =	vmul.f32 $5.000000000e-01, v4  }
0x467: {  	[tilespmem:s23+$0x10140] =	vst v3;
	v3 =	vmul.f32 $5.000000000e-01, v5  }
0x468: {  	[tilespmem:s23+$0x10150] =	vst v2  }
0x469: {  	[tilespmem:s23+$0x10160] =	vst v3  }
0x46a: {  	s23 =	simm.s32 $0x0;
	s22 =	rddreg [dreg:$0x12]  }
0x46b: {  	[hbm4b:s22+s23] =	stream.linear.scatter [tilespmem:s10], [sflag:$0x5], $0x2000, $0x38;
	[tilespmem:$0x18100] =	vst v63  }
0x46c: {  	_ =	swait.ge [sflag:s11], $0x2000  }
0x46d: {  	[sflag:s11] =	ssyncset.done $0x0  }
0x46e: {  	[sflag:s11] =	ssyncadd.s32 $0xFFFFE000  }
0x46f: {  	_ =	swait.ge [sflag:s11], $0x2000  }
0x470: {  	[sflag:s11] =	ssyncset.done $0x0  }
0x471: {  	[sflag:s11] =	ssyncadd.s32 $0xFFFFE000  }
0x472: {  	s31 =	sand.u32 $0x1C00, s23;
	_ =	swait.ge [sflag:s18], $0x2000  }
0x473: {  	s24 =	sor.u32 s31, s23;
	[sflag:s18] =	ssyncset.done $0x0  }
0x474: {  	s24 =	sor.u32 $0x70, s24;
	[sflag:s18] =	ssyncadd.s32 $0xFFFFE000  }
0x475: {  	s25 =	sand.u32 $0x380, s23;
	v2 =	vld [tilespmem:s24+$0x2100]  }
0x476: {  	s22 =	sor.u32 s25, s31;
	v3 =	vld [tilespmem:s24+$0xA100]  }
0x477: {  	v4 =	vld [tilespmem:s22+$0x2100]  }
0x478: {  	v5 =	vld [tilespmem:s22+$0xA100]  }
0x479: {  	v6 =	vld [tilespmem:s22+$0x2110]  }
0x47a: {  	v7 =	vld [tilespmem:s22+$0xA110]  }
0x47b: {  	v8 =	vld [tilespmem:s22+$0x2120]  }
0x47c: {  	v9 =	vld [tilespmem:s22+$0xA120];
	v3 =	vadd.f32 v3, v2  }
0x47d: {  	v4 =	vadd.f32 v5, v4;
	v2 =	vld [tilespmem:s22+$0x2130]  }
0x47e: {  	v5 =	vld [tilespmem:s22+$0xA130];
	v10 =	vmul.f32 $5.000000000e-01, v3  }
0x47f: {  	v7 =	vadd.f32 v7, v6;
	v6 =	vld [tilespmem:s22+$0xA140];
	v4 =	vmul.f32 $5.000000000e-01, v4  }
0x480: {  	v3 =	vld [tilespmem:s22+$0x2140];
	[tilespmem:s24+$0x12100] =	vst v10  }
0x481: {  	s25 =	simm.s32 $0x400;
	v8 =	vadd.f32 v9, v8;
	v7 =	vmul.f32 $5.000000000e-01, v7;
	s24 =	simm.s32 $0x0;
	[tilespmem:s22+$0x12100] =	vst v4;
	v4 =	vld [tilespmem:s22+$0x2150]  }
.LBB2_28:
0x482: {  	s29 =	sand.u32 $0x1C00, s25;
	v9 =	vld [tilespmem:s22+$0xA150];
	s23 =	sadd.s32 $0x10, s23  }
0x483: {  	s24 =	sadd.s32 $0x8, s24;
	s30 =	sand.u32 $0x380, s23;
	s31 =	sor.u32 s29, s23;
	[tilespmem:s22+$0x12110] =	vst v7;
	v7 =	vmul.f32 $5.000000000e-01, v8;
	v2 =	vadd.f32 v5, v2;
	v5 =	vld [tilespmem:s22+$0x2160]  }
0x484: {  	p0 =	slt.u32 s24, $0x1F8;
	s29 =	sor.u32 s30, s29;
	s30 =	sor.u32 $0x70, s31;
	v8 =	vld [tilespmem:s22+$0xA160]  }
0x485: {  	v10 =	vld [tilespmem:s30+$0x2100];
	[tilespmem:s22+$0x12120] =	vst v7;
	v2 =	vmul.f32 $5.000000000e-01, v2;
	v3 =	vadd.f32 v6, v3  }
0x486: {  	v6 =	vld [tilespmem:s30+$0xA100]  }
0x487: {  	v7 =	vld [tilespmem:s29+$0x2100];
	[tilespmem:s22+$0x12130] =	vst v2;
	v2 =	vmul.f32 $5.000000000e-01, v3;
	v3 =	vadd.f32 v9, v4  }
0x488: {  	v4 =	vld [tilespmem:s29+$0xA100]  }
0x489: {  	v9 =	vld [tilespmem:s29+$0x2110];
	[tilespmem:s22+$0x12140] =	vst v2;
	v2 =	vmul.f32 $5.000000000e-01, v3;
	v3 =	vadd.f32 v8, v5  }
0x48a: {  	v8 =	vld [tilespmem:s29+$0xA110]  }
0x48b: {  	v11 =	vld [tilespmem:s29+$0x2120];
	v5 =	vadd.f32 v6, v10;
	[tilespmem:s22+$0x12150] =	vst v2;
	v3 =	vmul.f32 $5.000000000e-01, v3  }
0x48c: {  	v10 =	vld [tilespmem:s29+$0xA120]  }
.Ltmp13:
0x48d: {  	v4 =	vadd.f32 v4, v7;
	v2 =	vld [tilespmem:s29+$0x2130];
	v6 =	vmul.f32 $5.000000000e-01, v5;
	[tilespmem:s22+$0x12160] =	vst v3;
	s22 =	smov.u32 s29;
	(pc) =	sbr.rel @p0 .LBB2_28-.Ltmp13, $4  }
0x48e: {  	v5 =	vld [tilespmem:s22+$0xA130]  }
0x48f: {  	v4 =	vmul.f32 $5.000000000e-01, v4;
	v7 =	vadd.f32 v8, v9;
	v3 =	vld [tilespmem:s22+$0x2140];
	[tilespmem:s30+$0x12100] =	vst v6  }
0x490: {  	v6 =	vld [tilespmem:s22+$0xA140]  }
0x491: {  	s25 =	sadd.s32 $0x400, s25;
	[tilespmem:s22+$0x12100] =	vst v4;
	v7 =	vmul.f32 $5.000000000e-01, v7;
	v8 =	vadd.f32 v10, v11;
	v4 =	vld [tilespmem:s22+$0x2150]  }
0x492: {  	v9 =	vld [tilespmem:s22+$0xA150]  }
0x493: {  	v10 =	vld [tilespmem:s22+$0x2160]  }
0x494: {  	v11 =	vld [tilespmem:s22+$0xA160];
	_ =	sdelay $0x1  }
0x495: {  	v2 =	vadd.f32 v5, v2  }
0x496: {  	v5 =	vmul.f32 $5.000000000e-01, v8;
	v3 =	vadd.f32 v6, v3  }
0x497: {  	[tilespmem:s22+$0x12110] =	vst v7;
	v2 =	vmul.f32 $5.000000000e-01, v2;
	v4 =	vadd.f32 v9, v4  }
0x498: {  	[tilespmem:s22+$0x12120] =	vst v5;
	v3 =	vmul.f32 $5.000000000e-01, v3;
	v5 =	vadd.f32 v11, v10  }
0x499: {  	[tilespmem:s22+$0x12130] =	vst v2;
	v2 =	vmul.f32 $5.000000000e-01, v4  }
0x49a: {  	[tilespmem:s22+$0x12140] =	vst v3;
	v3 =	vmul.f32 $5.000000000e-01, v5  }
0x49b: {  	[tilespmem:s22+$0x12150] =	vst v2  }
0x49c: {  	[tilespmem:s22+$0x12160] =	vst v3  }
0x49d: {  	s23 =	simm.s32 $0x0;
	s22 =	rddreg [dreg:$0x13]  }
0x49e: {  	[hbm4b:s22+s23] =	stream.linear.scatter [tilespmem:s12], [sflag:$0x6], $0x2000, $0x38;
	[tilespmem:$0x18100] =	vst v63  }
0x49f: {  	_ =	swait.ge [sflag:s13], $0x2000  }
0x4a0: {  	[sflag:s13] =	ssyncset.done $0x0  }
0x4a1: {  	[sflag:s13] =	ssyncadd.s32 $0xFFFFE000  }
0x4a2: {  	_ =	swait.ge [sflag:s13], $0x2000  }
0x4a3: {  	[sflag:s13] =	ssyncset.done $0x0  }
0x4a4: {  	[sflag:s13] =	ssyncadd.s32 $0xFFFFE000  }
0x4a5: {  	s31 =	sand.u32 $0x1C00, s23;
	_ =	swait.ge [sflag:s19], $0x2000  }
0x4a6: {  	s24 =	sor.u32 s31, s23;
	[sflag:s19] =	ssyncset.done $0x0  }
0x4a7: {  	s24 =	sor.u32 $0x70, s24;
	[sflag:s19] =	ssyncadd.s32 $0xFFFFE000  }
0x4a8: {  	s25 =	sand.u32 $0x380, s23;
	v2 =	vld [tilespmem:s24+$0x4100]  }
0x4a9: {  	s22 =	sor.u32 s25, s31;
	v3 =	vld [tilespmem:s24+$0xC100]  }
0x4aa: {  	v4 =	vld [tilespmem:s22+$0x4100]  }
0x4ab: {  	v5 =	vld [tilespmem:s22+$0xC100]  }
0x4ac: {  	v6 =	vld [tilespmem:s22+$0x4110]  }
0x4ad: {  	v7 =	vld [tilespmem:s22+$0xC110]  }
0x4ae: {  	v8 =	vld [tilespmem:s22+$0x4120]  }
0x4af: {  	v9 =	vld [tilespmem:s22+$0xC120];
	v3 =	vadd.f32 v3, v2  }
0x4b0: {  	v4 =	vadd.f32 v5, v4;
	v2 =	vld [tilespmem:s22+$0x4130]  }
0x4b1: {  	v5 =	vld [tilespmem:s22+$0xC130];
	v10 =	vmul.f32 $5.000000000e-01, v3  }
0x4b2: {  	v7 =	vadd.f32 v7, v6;
	v6 =	vld [tilespmem:s22+$0xC140];
	v4 =	vmul.f32 $5.000000000e-01, v4  }
0x4b3: {  	v3 =	vld [tilespmem:s22+$0x4140];
	[tilespmem:s24+$0x14100] =	vst v10  }
0x4b4: {  	s25 =	simm.s32 $0x400;
	v8 =	vadd.f32 v9, v8;
	v7 =	vmul.f32 $5.000000000e-01, v7;
	s24 =	simm.s32 $0x0;
	[tilespmem:s22+$0x14100] =	vst v4;
	v4 =	vld [tilespmem:s22+$0x4150]  }
.LBB2_30:
0x4b5: {  	s29 =	sand.u32 $0x1C00, s25;
	v9 =	vld [tilespmem:s22+$0xC150];
	s23 =	sadd.s32 $0x10, s23  }
0x4b6: {  	s24 =	sadd.s32 $0x8, s24;
	s30 =	sand.u32 $0x380, s23;
	s31 =	sor.u32 s29, s23;
	[tilespmem:s22+$0x14110] =	vst v7;
	v7 =	vmul.f32 $5.000000000e-01, v8;
	v2 =	vadd.f32 v5, v2;
	v5 =	vld [tilespmem:s22+$0x4160]  }
0x4b7: {  	p0 =	slt.u32 s24, $0x1F8;
	s29 =	sor.u32 s30, s29;
	s30 =	sor.u32 $0x70, s31;
	v8 =	vld [tilespmem:s22+$0xC160]  }
0x4b8: {  	v10 =	vld [tilespmem:s30+$0x4100];
	[tilespmem:s22+$0x14120] =	vst v7;
	v2 =	vmul.f32 $5.000000000e-01, v2;
	v3 =	vadd.f32 v6, v3  }
0x4b9: {  	v6 =	vld [tilespmem:s30+$0xC100]  }
0x4ba: {  	v7 =	vld [tilespmem:s29+$0x4100];
	[tilespmem:s22+$0x14130] =	vst v2;
	v2 =	vmul.f32 $5.000000000e-01, v3;
	v3 =	vadd.f32 v9, v4  }
0x4bb: {  	v4 =	vld [tilespmem:s29+$0xC100]  }
0x4bc: {  	v9 =	vld [tilespmem:s29+$0x4110];
	[tilespmem:s22+$0x14140] =	vst v2;
	v2 =	vmul.f32 $5.000000000e-01, v3;
	v3 =	vadd.f32 v8, v5  }
0x4bd: {  	v8 =	vld [tilespmem:s29+$0xC110]  }
0x4be: {  	v11 =	vld [tilespmem:s29+$0x4120];
	v5 =	vadd.f32 v6, v10;
	[tilespmem:s22+$0x14150] =	vst v2;
	v3 =	vmul.f32 $5.000000000e-01, v3  }
0x4bf: {  	v10 =	vld [tilespmem:s29+$0xC120]  }
.Ltmp14:
0x4c0: {  	v4 =	vadd.f32 v4, v7;
	v2 =	vld [tilespmem:s29+$0x4130];
	v6 =	vmul.f32 $5.000000000e-01, v5;
	[tilespmem:s22+$0x14160] =	vst v3;
	s22 =	smov.u32 s29;
	(pc) =	sbr.rel @p0 .LBB2_30-.Ltmp14, $4  }
0x4c1: {  	v5 =	vld [tilespmem:s22+$0xC130]  }
0x4c2: {  	v4 =	vmul.f32 $5.000000000e-01, v4;
	v7 =	vadd.f32 v8, v9;
	v3 =	vld [tilespmem:s22+$0x4140];
	[tilespmem:s30+$0x14100] =	vst v6  }
0x4c3: {  	v6 =	vld [tilespmem:s22+$0xC140]  }
0x4c4: {  	s25 =	sadd.s32 $0x400, s25;
	[tilespmem:s22+$0x14100] =	vst v4;
	v7 =	vmul.f32 $5.000000000e-01, v7;
	v8 =	vadd.f32 v10, v11;
	v4 =	vld [tilespmem:s22+$0x4150]  }
0x4c5: {  	v9 =	vld [tilespmem:s22+$0xC150]  }
0x4c6: {  	v10 =	vld [tilespmem:s22+$0x4160]  }
0x4c7: {  	v11 =	vld [tilespmem:s22+$0xC160];
	_ =	sdelay $0x1  }
0x4c8: {  	v2 =	vadd.f32 v5, v2  }
0x4c9: {  	v5 =	vmul.f32 $5.000000000e-01, v8;
	v3 =	vadd.f32 v6, v3  }
0x4ca: {  	[tilespmem:s22+$0x14110] =	vst v7;
	v2 =	vmul.f32 $5.000000000e-01, v2;
	v4 =	vadd.f32 v9, v4  }
0x4cb: {  	[tilespmem:s22+$0x14120] =	vst v5;
	v3 =	vmul.f32 $5.000000000e-01, v3;
	v5 =	vadd.f32 v11, v10  }
0x4cc: {  	[tilespmem:s22+$0x14130] =	vst v2;
	v2 =	vmul.f32 $5.000000000e-01, v4  }
0x4cd: {  	[tilespmem:s22+$0x14140] =	vst v3;
	v3 =	vmul.f32 $5.000000000e-01, v5  }
0x4ce: {  	[tilespmem:s22+$0x14150] =	vst v2  }
0x4cf: {  	[tilespmem:s22+$0x14160] =	vst v3  }
0x4d0: {  	s23 =	simm.s32 $0x0;
	s22 =	rddreg [dreg:$0x14]  }
0x4d1: {  	[hbm4b:s22+s23] =	stream.linear.scatter [tilespmem:s14], [sflag:$0x7], $0x2000, $0x38;
	[tilespmem:$0x18100] =	vst v63  }
0x4d2: {  	_ =	swait.ge [sflag:s15], $0x2000  }
0x4d3: {  	[sflag:s15] =	ssyncset.done $0x0  }
0x4d4: {  	[sflag:s15] =	ssyncadd.s32 $0xFFFFE000  }
0x4d5: {  	_ =	swait.ge [sflag:s15], $0x2000  }
0x4d6: {  	[sflag:s15] =	ssyncset.done $0x0  }
0x4d7: {  	[sflag:s15] =	ssyncadd.s32 $0xFFFFE000  }
0x4d8: {  	s31 =	sand.u32 $0x1C00, s23;
	_ =	swait.ge [sflag:s20], $0x2000  }
0x4d9: {  	s24 =	sor.u32 s31, s23;
	[sflag:s20] =	ssyncset.done $0x0  }
0x4da: {  	s24 =	sor.u32 $0x70, s24;
	[sflag:s20] =	ssyncadd.s32 $0xFFFFE000  }
0x4db: {  	s25 =	sand.u32 $0x380, s23;
	v2 =	vld [tilespmem:s24+$0x6100]  }
0x4dc: {  	s22 =	sor.u32 s25, s31;
	v3 =	vld [tilespmem:s24+$0xE100]  }
0x4dd: {  	v4 =	vld [tilespmem:s22+$0x6100]  }
0x4de: {  	v5 =	vld [tilespmem:s22+$0xE100]  }
0x4df: {  	v6 =	vld [tilespmem:s22+$0x6110]  }
0x4e0: {  	v7 =	vld [tilespmem:s22+$0xE110]  }
0x4e1: {  	v8 =	vld [tilespmem:s22+$0x6120]  }
0x4e2: {  	v9 =	vld [tilespmem:s22+$0xE120];
	v3 =	vadd.f32 v3, v2  }
0x4e3: {  	v4 =	vadd.f32 v5, v4;
	v2 =	vld [tilespmem:s22+$0x6130]  }
0x4e4: {  	v5 =	vld [tilespmem:s22+$0xE130];
	v10 =	vmul.f32 $5.000000000e-01, v3  }
0x4e5: {  	v7 =	vadd.f32 v7, v6;
	v6 =	vld [tilespmem:s22+$0xE140];
	v4 =	vmul.f32 $5.000000000e-01, v4  }
0x4e6: {  	v3 =	vld [tilespmem:s22+$0x6140];
	[tilespmem:s24+$0x16100] =	vst v10  }
0x4e7: {  	s25 =	simm.s32 $0x400;
	v8 =	vadd.f32 v9, v8;
	v7 =	vmul.f32 $5.000000000e-01, v7;
	s24 =	simm.s32 $0x0;
	[tilespmem:s22+$0x16100] =	vst v4;
	v4 =	vld [tilespmem:s22+$0x6150]  }
.LBB2_32:
0x4e8: {  	s29 =	sand.u32 $0x1C00, s25;
	v9 =	vld [tilespmem:s22+$0xE150];
	s23 =	sadd.s32 $0x10, s23  }
0x4e9: {  	s24 =	sadd.s32 $0x8, s24;
	s30 =	sand.u32 $0x380, s23;
	s31 =	sor.u32 s29, s23;
	[tilespmem:s22+$0x16110] =	vst v7;
	v7 =	vmul.f32 $5.000000000e-01, v8;
	v2 =	vadd.f32 v5, v2;
	v5 =	vld [tilespmem:s22+$0x6160]  }
0x4ea: {  	p0 =	slt.u32 s24, $0x1F8;
	s29 =	sor.u32 s30, s29;
	s30 =	sor.u32 $0x70, s31;
	v8 =	vld [tilespmem:s22+$0xE160]  }
0x4eb: {  	v10 =	vld [tilespmem:s30+$0x6100];
	[tilespmem:s22+$0x16120] =	vst v7;
	v2 =	vmul.f32 $5.000000000e-01, v2;
	v3 =	vadd.f32 v6, v3  }
0x4ec: {  	v6 =	vld [tilespmem:s30+$0xE100]  }
0x4ed: {  	v7 =	vld [tilespmem:s29+$0x6100];
	[tilespmem:s22+$0x16130] =	vst v2;
	v2 =	vmul.f32 $5.000000000e-01, v3;
	v3 =	vadd.f32 v9, v4  }
0x4ee: {  	v4 =	vld [tilespmem:s29+$0xE100]  }
0x4ef: {  	v9 =	vld [tilespmem:s29+$0x6110];
	[tilespmem:s22+$0x16140] =	vst v2;
	v2 =	vmul.f32 $5.000000000e-01, v3;
	v3 =	vadd.f32 v8, v5  }
0x4f0: {  	v8 =	vld [tilespmem:s29+$0xE110]  }
0x4f1: {  	v11 =	vld [tilespmem:s29+$0x6120];
	v5 =	vadd.f32 v6, v10;
	[tilespmem:s22+$0x16150] =	vst v2;
	v3 =	vmul.f32 $5.000000000e-01, v3  }
0x4f2: {  	v10 =	vld [tilespmem:s29+$0xE120]  }
.Ltmp15:
0x4f3: {  	v4 =	vadd.f32 v4, v7;
	v2 =	vld [tilespmem:s29+$0x6130];
	v6 =	vmul.f32 $5.000000000e-01, v5;
	[tilespmem:s22+$0x16160] =	vst v3;
	s22 =	smov.u32 s29;
	(pc) =	sbr.rel @p0 .LBB2_32-.Ltmp15, $4  }
0x4f4: {  	v5 =	vld [tilespmem:s22+$0xE130]  }
0x4f5: {  	v4 =	vmul.f32 $5.000000000e-01, v4;
	v7 =	vadd.f32 v8, v9;
	v3 =	vld [tilespmem:s22+$0x6140];
	[tilespmem:s30+$0x16100] =	vst v6  }
0x4f6: {  	v6 =	vld [tilespmem:s22+$0xE140]  }
0x4f7: {  	s25 =	sadd.s32 $0x400, s25;
	[tilespmem:s22+$0x16100] =	vst v4;
	v7 =	vmul.f32 $5.000000000e-01, v7;
	v8 =	vadd.f32 v10, v11;
	v4 =	vld [tilespmem:s22+$0x6150]  }
0x4f8: {  	v9 =	vld [tilespmem:s22+$0xE150]  }
0x4f9: {  	v10 =	vld [tilespmem:s22+$0x6160]  }
0x4fa: {  	v11 =	vld [tilespmem:s22+$0xE160];
	_ =	sdelay $0x1  }
0x4fb: {  	v2 =	vadd.f32 v5, v2  }
0x4fc: {  	v62 =	vmul.f32 $5.000000000e-01, v8;
	v3 =	vadd.f32 v6, v3  }
0x4fd: {  	[tilespmem:s22+$0x16110] =	vst v7;
	v2 =	vmul.f32 $5.000000000e-01, v2;
	v4 =	vadd.f32 v9, v4  }
0x4fe: {  	[tilespmem:s22+$0x16120] =	vst v62;
	v3 =	vmul.f32 $5.000000000e-01, v3;
	v63 =	vadd.f32 v11, v10  }
0x4ff: {  	[tilespmem:s22+$0x16130] =	vst v2;
	v2 =	vmul.f32 $5.000000000e-01, v4  }
0x500: {  	[tilespmem:s22+$0x16140] =	vst v3;
	v3 =	vmul.f32 $5.000000000e-01, v63  }
0x501: {  	[tilespmem:s22+$0x16150] =	vst v2  }
0x502: {  	[tilespmem:s22+$0x16160] =	vst v3  }
0x503: {  	s22 =	rddreg [dreg:$0x15]  }
0x504: {  	[hbm4b:s22+s3] =	stream.linear.scatter [tilespmem:s16], [sflag:$0x8], $0x2000, $0x38;
	[tilespmem:$0x18100] =	vst v63  }
0x505: {  	_ =	swait.ge [sflag:s17], $0x2000  }
0x506: {  	[sflag:s17] =	ssyncset.done $0x0  }
0x507: {  	[sflag:s17] =	ssyncadd.s32 $0xFFFFE000  }
0x508: {  	_ =	swait.ge [sflag:s18], $0x2000  }
0x509: {  	[sflag:s18] =	ssyncset.done $0x0  }
0x50a: {  	[sflag:s18] =	ssyncadd.s32 $0xFFFFE000  }
0x50b: {  	_ =	swait.ge [sflag:s19], $0x2000  }
0x50c: {  	[sflag:s19] =	ssyncset.done $0x0  }
0x50d: {  	[sflag:s19] =	ssyncadd.s32 $0xFFFFE000  }
0x50e: {  	_ =	swait.ge [sflag:s20], $0x2000  }
0x50f: {  	s21 =	sadd.s32 $0x1, s21;
	s31 =	rddreg [dreg:$0x16]  }
0x510: {  	p0 =	sne.s32 s21, s31  }
.Ltmp16:
0x511: {  	_ = 	snop;
	(pc) =	sbr.rel @p0 .LBB2_1-.Ltmp16, $3  }
0x512: {  	_ =	sdelay $0x1  }
0x513: {  	[sflag:s20] =	ssyncset.done $0x0  }
0x514: {  	[sflag:s20] =	ssyncadd.s32 $0xFFFFE000  }
0x515: {  	_ =	sfence.sel $0x180000  }
0x516: {  	[bflag:$0x0] =	sbarrier.arrive $0xFFFF  }
0x517: {  	_ =	strace $0x90000047  }
0x518: {  	s0 =	stileid.u32;
	[bflag:$0x2] =	sbarrier.arrive $0xFFFF  }
0x519: {  	p0 =	sne.s32 s0, $0x0;
	s0 =	rddreg [dreg:$0x3]  }
0x51a: {  	s0 =	sadd.s32 @!p0 $0x100000, s0  }
0x51b: {  	[sflag:s0] =	ssyncadd.tile.s32 @!p0 $0x1;
	_ =	shalt  }
.Lfunc_end2:
_tile_overlayer_lowered:
.L_overlay_start_2:
0x51c: {  	(tag) =	ssettag $0x2  }
0x51d: {  	s0 =	rddreg [dreg:$0x0];
	s2 =	stileid.u32  }
0x51e: {  	s1 =	rddreg [dreg:$0x1];
	p0 =	sne.s32 s2, $0x0  }
0x51f: {  	s3 =	rddreg [dreg:$0x2];
	[bflag:$0x3] =	sbarrier.arrive $0xFFFF;
	s2 =	simm.s32 @!p0 $0x1C09  }
0x520: {  	[timem:s3], [sflag:s2] =	dma.local @!p0 [hbm:s0], s1  }
0x521: {  	s0 =	simm.s32 @!p0 $0x9  }
0x522: {  	_ =	swait.ge @!p0 [sflag:s0], s1  }
0x523: {  	s1 =	ssub.s32 @!p0 $0x0, s1;
	[sflag:s0] =	ssyncset.done @!p0 $0x0  }
0x524: {  	[sflag:s0] =	ssyncadd.s32 @!p0 s1  }
0x525: {  	[bflag:$0x3] =	sbarrier.arrive $0xFFFF  }
0x526: {  	_ =	shalt  }

</sc_bundles>
